<compile_context>
chip_gen: v7x
topology: tpu7x:2x2x1
jax: 0.10.2.dev20260603
libtpu: 0.0.44.dev20260713+nightly
codegen_flags: <defaults>
</compile_context>

<pallas_src>
import functools
import math

import jax
import jax.numpy as jnp
from jax import lax
from jax.experimental import pallas as pl
from jax.experimental.pallas import tpu as pltpu
from jax.experimental.pallas import tpu_sc as plsc

B, N, E, H, NL = 64, 600, 9600, 128, 4
NP = 640
EPS = 1e-5
_INV = 1.0 / math.sqrt(1.0 + EPS)

_NWORKERS = 32
_ROWS_PER_W = NP // _NWORKERS
_LANES = 16


def _f32(x):
    return x.astype(jnp.float32)



@functools.lru_cache(maxsize=None)
def _get_sc_build_adj():
    mesh = plsc.VectorSubcoreMesh(core_axis_name="c", subcore_axis_name="s")

    @functools.partial(
        pl.kernel,
        out_type=jax.ShapeDtypeStruct((NP * NP,), jnp.float32),
        mesh=mesh,
        compiler_params=pltpu.CompilerParams(needs_layout_passes=False),
        scratch_types=[
            pltpu.VMEM((E,), jnp.int32),
            pltpu.VMEM((E,), jnp.int32),
            pltpu.VMEM((_ROWS_PER_W * NP,), jnp.float32),
            pltpu.SemaphoreType.DMA,
            pltpu.SemaphoreType.DMA,
        ],
    )
    def _sc_build_adj(edges_hbm, a_hbm, src_v, dst_v, loc_v, sem_s, sem_d):
        wid = lax.axis_index("s") * 2 + lax.axis_index("c")
        lo = wid * _ROWS_PER_W
        base = lo * NP

        cp_s = pltpu.async_copy(edges_hbm.at[0], src_v, sem_s)
        cp_d = pltpu.async_copy(edges_hbm.at[1], dst_v, sem_d)

        def _zero(i, _):
            loc_v[pl.ds(i * _LANES, _LANES)] = jnp.zeros((_LANES,),
                                                         jnp.float32)
            return 0
        lax.fori_loop(0, _ROWS_PER_W * NP // _LANES, _zero, 0, unroll=8)

        cp_s.wait()
        cp_d.wait()
        ones = jnp.ones((_LANES,), jnp.float32)

        def _scan(i, _):
            d16 = dst_v[pl.ds(i * _LANES, _LANES)]
            s16 = src_v[pl.ds(i * _LANES, _LANES)]
            inr = (d16 - lo).astype(jnp.uint32) < _ROWS_PER_W
            idx = (d16 - lo) * NP + s16
            plsc.addupdate_scatter(loc_v, [idx], ones, mask=inr)
            return 0
        lax.fori_loop(0, E // _LANES, _scan, 0, unroll=8)

        pltpu.sync_copy(loc_v, a_hbm.at[pl.ds(base, _ROWS_PER_W * NP)])

    return _sc_build_adj



_G = 16
_STEPS = B // _G


def _gnn_kernel(A_in, x_in, W1, b1, W2, b2, W3, b3,
                Ws0, Wn0, bs0, bn0, g0, bg0,
                Ws1, Wn1, bs1, bn1, g1, bg1,
                Ws2, Wn2, bs2, bn2, g2, bg2,
                Ws3, Wn3, bs3, bn3, g3, bg3,
                Wd1, bd1, Wd2, bd2, w3r, bd3,
                out):
    pid = pl.program_id(0)

    def dot(a, b):
        return jnp.dot(a, b, preferred_element_type=jnp.float32)

    A = A_in[...]
    deg = jnp.sum(A, axis=1, keepdims=True)
    invd = 1.0 / jnp.maximum(deg, 1.0)
    dscale = deg * invd

    gsel = _f32(lax.broadcasted_iota(jnp.int32, (_G, B), 1)
                == _G * pid + lax.broadcasted_iota(jnp.int32, (_G, B), 0))
    xcols = lax.dot_general(x_in[...], gsel, (((0,), (1,)), ((), ())),
                            preferred_element_type=jnp.float32)
    xcols = jnp.concatenate(
        [xcols, jnp.zeros((NP - N, _G), jnp.float32)], axis=0)
    w1cat = jnp.concatenate([W1[...]] * _G, axis=1)
    gmask = (lax.broadcasted_iota(jnp.int32, (_G, _G * H), 0)
             == lax.broadcasted_iota(jnp.int32, (_G, _G * H), 1) // H)
    W1blk = jnp.where(gmask, w1cat, 0.0)
    b1cat = jnp.concatenate([b1[...]] * _G, axis=1)
    h0all = jax.nn.relu(dot(xcols, W1blk) + b1cat)
    hs = [h0all[:, g * H:(g + 1) * H] for g in range(_G)]
    hs = [jax.nn.relu(dot(h, W2[...]) + b2[...]) for h in hs]
    hs = [dot(h, W3[...]) + b3[...] for h in hs]

    layer_refs = ((Ws0, Wn0, bs0, bn0, g0, bg0), (Ws1, Wn1, bs1, bn1, g1, bg1),
                  (Ws2, Wn2, bs2, bn2, g2, bg2), (Ws3, Wn3, bs3, bn3, g3, bg3))
    for Ws, Wn, bs, bn, g, bg in layer_refs:
        Wsn = jnp.concatenate([Ws[...], Wn[...]], axis=1)
        hsms = []
        for p in range(_G // 2):
            h2 = jnp.concatenate([hs[2 * p], hs[2 * p + 1]], axis=0)
            hsm2 = dot(h2, Wsn)
            hsms += [hsm2[:NP], hsm2[NP:]]
        aggs = []
        for p in range(_G // 2):
            m2 = jnp.concatenate([hsms[2 * p][:, H:],
                                  hsms[2 * p + 1][:, H:]], axis=1)
            agg2 = dot(A, m2)
            aggs += [agg2[:, :H], agg2[:, H:]]
        nb_bias = bs[...] + bn[...] * dscale
        scale = _INV * g[...]
        hs = [jax.nn.relu((hsm[:, :H] + agg * invd + nb_bias + h) * scale
                          + bg[...])
              for hsm, agg, h in zip(hsms, aggs, hs)]

    rowmask = lax.broadcasted_iota(jnp.int32, (NP, H), 0) < N
    hg = jnp.concatenate(
        [jnp.sum(jnp.where(rowmask, h, 0.0), axis=0, keepdims=True) * (1.0 / N)
         for h in hs], axis=0)
    hg = jax.nn.relu(dot(hg, Wd1[...]) + bd1[...])
    hg = jax.nn.relu(dot(hg, Wd2[...]) + bd2[...])
    out[...] = jnp.sum(hg * w3r[...], axis=1, keepdims=True) + bd3[...]


@jax.jit
def _run(x, edges, flat_weights):
    A = _get_sc_build_adj()(edges).reshape(NP, NP)
    full = lambda shape: pl.BlockSpec(shape, lambda i: (0,) * len(shape))
    in_specs = [full((NP, NP)), full((B, N))]
    in_specs += [full(w.shape) for w in flat_weights]
    return pl.pallas_call(
        _gnn_kernel,
        grid=(_STEPS,),
        in_specs=in_specs,
        out_specs=pl.BlockSpec((_G, 1), lambda i: (i, 0)),
        out_shape=jax.ShapeDtypeStruct((B, 1), jnp.float32),
    )(A, x, *flat_weights)


def kernel(x, params, edge_index):
    enc = params["enc"]
    dec = params["dec"]
    flat = [enc[0][0].reshape(1, H), enc[0][1].reshape(1, H),
            enc[1][0], enc[1][1].reshape(1, H),
            enc[2][0], enc[2][1].reshape(1, H)]
    for lp in params["layers"]:
        flat += [lp["Ws"], lp["Wn"], lp["bs"].reshape(1, H),
                 lp["bn"].reshape(1, H),
                 lp["g"].reshape(1, H), lp["b"].reshape(1, H)]
    flat += [dec[0][0], dec[0][1].reshape(1, H),
             dec[1][0], dec[1][1].reshape(1, H // 2),
             dec[2][0].reshape(1, H // 2), dec[2][1].reshape(1, 1)]

    return _run(x, edge_index, tuple(flat))

# --- scband reference (transcript-rebuilt; emitter-appended) ---
"""Pipeline reference for scband-improved-gnn-27092653703702 (READ-ONLY COPY).

The authoritative reference and input builder live on the scoring server;
editing this copy changes nothing except your own understanding.
"""

import jax, jax.numpy as jnp
import numpy as np

B, N, E, H, NL = 64, 600, 9600, 128, 4
EPS = 1e-5

def _nrm(key, shape, scale=0.05):
    return jax.random.normal(key, shape, dtype=jnp.float32) * scale

def setup_inputs(seed: int = 0):
    key = jax.random.key(seed)
    keys = jax.random.split(key, 80)
    ki = iter(range(80))
    def nk():
        return keys[next(ki)]
    enc = [(_nrm(nk(), (1, H)), _nrm(nk(), (H,))),
           (_nrm(nk(), (H, H)), _nrm(nk(), (H,))),
           (_nrm(nk(), (H, H)), _nrm(nk(), (H,)))]
    layers = []
    for _ in range(NL):
        layers.append({
            "Ws": _nrm(nk(), (H, H)), "bs": _nrm(nk(), (H,)),
            "Wn": _nrm(nk(), (H, H)), "bn": _nrm(nk(), (H,)),
            "g": jnp.ones((H,), jnp.float32), "b": jnp.zeros((H,), jnp.float32)})
    dec = [(_nrm(nk(), (H, H)), _nrm(nk(), (H,))),
           (_nrm(nk(), (H, H // 2)), _nrm(nk(), (H // 2,))),
           (_nrm(nk(), (H // 2, 1)), _nrm(nk(), (1,)))]
    params = {"enc": enc, "layers": layers, "dec": dec}
    x = jax.random.normal(nk(), (B, N), dtype=jnp.float32)
    edge_index = jax.random.randint(nk(), (2, E), 0, N, dtype=jnp.int32)
    return {"x": x, "params": params, "edge_index": edge_index}

def _forward(x, edge_index, params):
    Bs, Nn = x.shape
    h = x.reshape(-1, 1)
    src, dst = edge_index[0], edge_index[1]
    Ee = src.shape[0]
    offsets = jnp.arange(Bs, dtype=src.dtype) * Nn
    src_b = jnp.tile(src, Bs) + jnp.repeat(offsets, Ee)
    dst_b = jnp.tile(dst, Bs) + jnp.repeat(offsets, Ee)
    W, b = params["enc"][0]; h = jax.nn.relu(h @ W + b)
    W, b = params["enc"][1]; h = jax.nn.relu(h @ W + b)
    W, b = params["enc"][2]; h = h @ W + b
    total = Bs * Nn
    inv = 1.0 / jnp.sqrt(1.0 + EPS)  # eval-mode BatchNorm: running_mean=0, running_var=1
    for lp in params["layers"]:
        h_self = h @ lp["Ws"] + lp["bs"]
        h_nb_raw = h[src_b] @ lp["Wn"] + lp["bn"]
        h_nb = jnp.zeros_like(h_self).at[dst_b].add(h_nb_raw)
        deg = jnp.zeros((total,), h.dtype).at[dst_b].add(1.0)
        deg = jnp.clip(deg, 1.0)[:, None]
        out = h_self + h_nb / deg + h  # residual is Identity (in_dim == out_dim)
        out = out * inv * lp["g"] + lp["b"]
        h = jax.nn.relu(out)
    hg = h.reshape(Bs, Nn, -1).mean(axis=1)
    W, b = params["dec"][0]; hg = jax.nn.relu(hg @ W + b)
    W, b = params["dec"][1]; hg = jax.nn.relu(hg @ W + b)
    W, b = params["dec"][2]; hg = hg @ W + b
    return hg

def reference(x, params, edge_index):
    return _forward(x, edge_index, params)

if __name__ == "__main__":
    import jax
    _d = setup_inputs()
    print(jax.jit(kernel)(*tuple(_d.values())))

</pallas_src>

<mosaic_0001>
#map = affine_map<(d0, d1) -> (0, 0)>
#map1 = affine_map<(d0, d1) -> (0)>
module attributes {stable_mosaic.version = 14 : i64} {
  func.func @_sc_build_adj(%arg0: i32, %arg1: i32, %arg2: memref<2x9600xi32, #tpu.memory_space<hbm>>, %arg3: memref<409600xf32, #tpu.memory_space<hbm>>, %arg4: memref<9600xi32, #tpu.memory_space<vmem>>, %arg5: memref<9600xi32, #tpu.memory_space<vmem>>, %arg6: memref<12800xf32, #tpu.memory_space<vmem>>, %arg7: memref<!tpu.dma_semaphore, #tpu.memory_space<semaphore_mem>>, %arg8: memref<!tpu.dma_semaphore, #tpu.memory_space<semaphore_mem>>) attributes {dimension_semantics = [#tpu.dimension_semantics<core_parallel>, #tpu.dimension_semantics<subcore_parallel>], iteration_bounds = array<i64: 2, 16>, scalar_prefetch = 0 : i64, scratch_operands = 5 : i64, tpu.core_type = #tpu.core_type<sc_vector_subcore>, window_params = [{transform_indices = #map}, {transform_indices = #map1}]} {
    %mul3A = arith.constant 2 : i32
    %mul3A_0 = arith.muli %arg1, %mul3A : i32
    %add3A = arith.addi %mul3A_0, %arg0 : i32
    %mul3A_1 = arith.constant 20 : i32
    %mul3A_2 = arith.muli %add3A, %mul3A_1 : i32
    %mul3A_3 = arith.constant 640 : i32
    %mul3A_4 = arith.muli %mul3A_2, %mul3A_3 : i32
    %dma_start3A = arith.constant 0 : i32
    %dma_start3A_5 = arith.constant 0 : i32
    %dma_start3A_6 = tpu.memref_slice %arg2[%dma_start3A, %dma_start3A_5] : memref<2x9600xi32, #tpu.memory_space<hbm>> -> memref<1x9600xi32, #tpu.memory_space<hbm>>
    %dma_start3A_7 = tpu.memref_squeeze %dma_start3A_6 : memref<1x9600xi32, #tpu.memory_space<hbm>> -> memref<9600xi32, #tpu.memory_space<hbm>>
    %dma_start3A_8 = arith.constant 0 : i32
    %dma_start3A_9 = tpu.memref_slice %arg2[%dma_start3A, %dma_start3A_8] : memref<2x9600xi32, #tpu.memory_space<hbm>> -> memref<1x9600xi32, #tpu.memory_space<hbm>>
    %dma_start3A_10 = tpu.memref_squeeze %dma_start3A_9 : memref<1x9600xi32, #tpu.memory_space<hbm>> -> memref<9600xi32, #tpu.memory_space<hbm>>
    tpu.enqueue_dma source(%dma_start3A_10 : memref<9600xi32, #tpu.memory_space<hbm>>) target(%arg4 : memref<9600xi32, #tpu.memory_space<vmem>>) target_semaphore(%arg7 : memref<!tpu.dma_semaphore, #tpu.memory_space<semaphore_mem>>)
    %dma_start3A_11 = arith.constant 1 : i32
    %dma_start3A_12 = arith.constant 0 : i32
    %dma_start3A_13 = tpu.memref_slice %arg2[%dma_start3A_11, %dma_start3A_12] : memref<2x9600xi32, #tpu.memory_space<hbm>> -> memref<1x9600xi32, #tpu.memory_space<hbm>>
    %dma_start3A_14 = tpu.memref_squeeze %dma_start3A_13 : memref<1x9600xi32, #tpu.memory_space<hbm>> -> memref<9600xi32, #tpu.memory_space<hbm>>
    %dma_start3A_15 = arith.constant 0 : i32
    %dma_start3A_16 = tpu.memref_slice %arg2[%dma_start3A_11, %dma_start3A_15] : memref<2x9600xi32, #tpu.memory_space<hbm>> -> memref<1x9600xi32, #tpu.memory_space<hbm>>
    %dma_start3A_17 = tpu.memref_squeeze %dma_start3A_16 : memref<1x9600xi32, #tpu.memory_space<hbm>> -> memref<9600xi32, #tpu.memory_space<hbm>>
    tpu.enqueue_dma source(%dma_start3A_17 : memref<9600xi32, #tpu.memory_space<hbm>>) target(%arg5 : memref<9600xi32, #tpu.memory_space<vmem>>) target_semaphore(%arg8 : memref<!tpu.dma_semaphore, #tpu.memory_space<semaphore_mem>>)
    %scan3A = arith.constant 0 : i32
    %scan3A_18 = arith.constant 0 : i32
    %scan3A_19 = arith.constant 800 : i32
    %scan3A_20 = arith.addi %scan3A_18, %scan3A_19 : i32
    %scan3A_21 = arith.constant 8 : i32
    %scan3A_22 = scf.for %scan3A_45 = %scan3A_18 to %scan3A_20 step %scan3A_21 iter_args(%scan3A_46 = %scan3A) -> (i32)  : i32 {
      %broadcast_in_dim3A_47 = arith.constant 0.000000e+00 : f32
      %broadcast_in_dim3A_48 = vector.broadcast %broadcast_in_dim3A_47 : f32 to vector<16xf32>
      %mul3A_49 = arith.constant 16 : i32
      %mul3A_50 = arith.muli %scan3A_45, %mul3A_49 : i32
      %swap3A = arith.index_cast %mul3A_50 : i32 to index
      %swap3A_51 = tpu.vector_load %arg6[%swap3A] {strides = array<i32>} : memref<12800xf32, #tpu.memory_space<vmem>>, vector<16xf32>,
      tpu.vector_store %arg6[%swap3A], %broadcast_in_dim3A_48 {strides = array<i32>} : memref<12800xf32, #tpu.memory_space<vmem>>, vector<16xf32>,
      %scan3A_52 = arith.constant 0 : i32
      %scan3A_53 = arith.constant 1 : i32
      %scan3A_54 = arith.addi %scan3A_45, %scan3A_53 : i32
      %broadcast_in_dim3A_55 = arith.constant 0.000000e+00 : f32
      %broadcast_in_dim3A_56 = vector.broadcast %broadcast_in_dim3A_55 : f32 to vector<16xf32>
      %mul3A_57 = arith.constant 16 : i32
      %mul3A_58 = arith.muli %scan3A_54, %mul3A_57 : i32
      %swap3A_59 = arith.index_cast %mul3A_58 : i32 to index
      %swap3A_60 = tpu.vector_load %arg6[%swap3A_59] {strides = array<i32>} : memref<12800xf32, #tpu.memory_space<vmem>>, vector<16xf32>,
      tpu.vector_store %arg6[%swap3A_59], %broadcast_in_dim3A_56 {strides = array<i32>} : memref<12800xf32, #tpu.memory_space<vmem>>, vector<16xf32>,
      %scan3A_61 = arith.constant 0 : i32
      %scan3A_62 = arith.constant 2 : i32
      %scan3A_63 = arith.addi %scan3A_45, %scan3A_62 : i32
      %broadcast_in_dim3A_64 = arith.constant 0.000000e+00 : f32
      %broadcast_in_dim3A_65 = vector.broadcast %broadcast_in_dim3A_64 : f32 to vector<16xf32>
      %mul3A_66 = arith.constant 16 : i32
      %mul3A_67 = arith.muli %scan3A_63, %mul3A_66 : i32
      %swap3A_68 = arith.index_cast %mul3A_67 : i32 to index
      %swap3A_69 = tpu.vector_load %arg6[%swap3A_68] {strides = array<i32>} : memref<12800xf32, #tpu.memory_space<vmem>>, vector<16xf32>,
      tpu.vector_store %arg6[%swap3A_68], %broadcast_in_dim3A_65 {strides = array<i32>} : memref<12800xf32, #tpu.memory_space<vmem>>, vector<16xf32>,
      %scan3A_70 = arith.constant 0 : i32
      %scan3A_71 = arith.constant 3 : i32
      %scan3A_72 = arith.addi %scan3A_45, %scan3A_71 : i32
      %broadcast_in_dim3A_73 = arith.constant 0.000000e+00 : f32
      %broadcast_in_dim3A_74 = vector.broadcast %broadcast_in_dim3A_73 : f32 to vector<16xf32>
      %mul3A_75 = arith.constant 16 : i32
      %mul3A_76 = arith.muli %scan3A_72, %mul3A_75 : i32
      %swap3A_77 = arith.index_cast %mul3A_76 : i32 to index
      %swap3A_78 = tpu.vector_load %arg6[%swap3A_77] {strides = array<i32>} : memref<12800xf32, #tpu.memory_space<vmem>>, vector<16xf32>,
      tpu.vector_store %arg6[%swap3A_77], %broadcast_in_dim3A_74 {strides = array<i32>} : memref<12800xf32, #tpu.memory_space<vmem>>, vector<16xf32>,
      %scan3A_79 = arith.constant 0 : i32
      %scan3A_80 = arith.constant 4 : i32
      %scan3A_81 = arith.addi %scan3A_45, %scan3A_80 : i32
      %broadcast_in_dim3A_82 = arith.constant 0.000000e+00 : f32
      %broadcast_in_dim3A_83 = vector.broadcast %broadcast_in_dim3A_82 : f32 to vector<16xf32>
      %mul3A_84 = arith.constant 16 : i32
      %mul3A_85 = arith.muli %scan3A_81, %mul3A_84 : i32
      %swap3A_86 = arith.index_cast %mul3A_85 : i32 to index
      %swap3A_87 = tpu.vector_load %arg6[%swap3A_86] {strides = array<i32>} : memref<12800xf32, #tpu.memory_space<vmem>>, vector<16xf32>,
      tpu.vector_store %arg6[%swap3A_86], %broadcast_in_dim3A_83 {strides = array<i32>} : memref<12800xf32, #tpu.memory_space<vmem>>, vector<16xf32>,
      %scan3A_88 = arith.constant 0 : i32
      %scan3A_89 = arith.constant 5 : i32
      %scan3A_90 = arith.addi %scan3A_45, %scan3A_89 : i32
      %broadcast_in_dim3A_91 = arith.constant 0.000000e+00 : f32
      %broadcast_in_dim3A_92 = vector.broadcast %broadcast_in_dim3A_91 : f32 to vector<16xf32>
      %mul3A_93 = arith.constant 16 : i32
      %mul3A_94 = arith.muli %scan3A_90, %mul3A_93 : i32
      %swap3A_95 = arith.index_cast %mul3A_94 : i32 to index
      %swap3A_96 = tpu.vector_load %arg6[%swap3A_95] {strides = array<i32>} : memref<12800xf32, #tpu.memory_space<vmem>>, vector<16xf32>,
      tpu.vector_store %arg6[%swap3A_95], %broadcast_in_dim3A_92 {strides = array<i32>} : memref<12800xf32, #tpu.memory_space<vmem>>, vector<16xf32>,
      %scan3A_97 = arith.constant 0 : i32
      %scan3A_98 = arith.constant 6 : i32
      %scan3A_99 = arith.addi %scan3A_45, %scan3A_98 : i32
      %broadcast_in_dim3A_100 = arith.constant 0.000000e+00 : f32
      %broadcast_in_dim3A_101 = vector.broadcast %broadcast_in_dim3A_100 : f32 to vector<16xf32>
      %mul3A_102 = arith.constant 16 : i32
      %mul3A_103 = arith.muli %scan3A_99, %mul3A_102 : i32
      %swap3A_104 = arith.index_cast %mul3A_103 : i32 to index
      %swap3A_105 = tpu.vector_load %arg6[%swap3A_104] {strides = array<i32>} : memref<12800xf32, #tpu.memory_space<vmem>>, vector<16xf32>,
      tpu.vector_store %arg6[%swap3A_104], %broadcast_in_dim3A_101 {strides = array<i32>} : memref<12800xf32, #tpu.memory_space<vmem>>, vector<16xf32>,
      %scan3A_106 = arith.constant 0 : i32
      %scan3A_107 = arith.constant 7 : i32
      %scan3A_108 = arith.addi %scan3A_45, %scan3A_107 : i32
      %broadcast_in_dim3A_109 = arith.constant 0.000000e+00 : f32
      %broadcast_in_dim3A_110 = vector.broadcast %broadcast_in_dim3A_109 : f32 to vector<16xf32>
      %mul3A_111 = arith.constant 16 : i32
      %mul3A_112 = arith.muli %scan3A_108, %mul3A_111 : i32
      %swap3A_113 = arith.index_cast %mul3A_112 : i32 to index
      %swap3A_114 = tpu.vector_load %arg6[%swap3A_113] {strides = array<i32>} : memref<12800xf32, #tpu.memory_space<vmem>>, vector<16xf32>,
      tpu.vector_store %arg6[%swap3A_113], %broadcast_in_dim3A_110 {strides = array<i32>} : memref<12800xf32, #tpu.memory_space<vmem>>, vector<16xf32>,
      %scan3A_115 = arith.constant 0 : i32
      scf.yield %scan3A_115 : i32
    }
    %scan3A_23 = arith.constant 800 : i32
    %dma_wait3A = arith.constant 0 : i32
    %dma_wait3A_24 = arith.constant 0 : i32
    %dma_wait3A_25 = tpu.memref_slice %arg2[%dma_wait3A, %dma_wait3A_24] : memref<2x9600xi32, #tpu.memory_space<hbm>> -> memref<1x9600xi32, #tpu.memory_space<hbm>>
    %dma_wait3A_26 = tpu.memref_squeeze %dma_wait3A_25 : memref<1x9600xi32, #tpu.memory_space<hbm>> -> memref<9600xi32, #tpu.memory_space<hbm>>
    %dma_wait3A_27 = arith.constant 0 : i32
    %dma_wait3A_28 = tpu.memref_slice %arg2[%dma_wait3A, %dma_wait3A_27] : memref<2x9600xi32, #tpu.memory_space<hbm>> -> memref<1x9600xi32, #tpu.memory_space<hbm>>
    %dma_wait3A_29 = tpu.memref_squeeze %dma_wait3A_28 : memref<1x9600xi32, #tpu.memory_space<hbm>> -> memref<9600xi32, #tpu.memory_space<hbm>>
    tpu.wait_dma2 semaphore(%arg7 : memref<!tpu.dma_semaphore, #tpu.memory_space<semaphore_mem>>) src(%dma_wait3A_29 : memref<9600xi32, #tpu.memory_space<hbm>>) dst(%arg4 : memref<9600xi32, #tpu.memory_space<vmem>>)
    %dma_wait3A_30 = arith.constant 1 : i32
    %dma_wait3A_31 = arith.constant 0 : i32
    %dma_wait3A_32 = tpu.memref_slice %arg2[%dma_wait3A_30, %dma_wait3A_31] : memref<2x9600xi32, #tpu.memory_space<hbm>> -> memref<1x9600xi32, #tpu.memory_space<hbm>>
    %dma_wait3A_33 = tpu.memref_squeeze %dma_wait3A_32 : memref<1x9600xi32, #tpu.memory_space<hbm>> -> memref<9600xi32, #tpu.memory_space<hbm>>
    %dma_wait3A_34 = arith.constant 0 : i32
    %dma_wait3A_35 = tpu.memref_slice %arg2[%dma_wait3A_30, %dma_wait3A_34] : memref<2x9600xi32, #tpu.memory_space<hbm>> -> memref<1x9600xi32, #tpu.memory_space<hbm>>
    %dma_wait3A_36 = tpu.memref_squeeze %dma_wait3A_35 : memref<1x9600xi32, #tpu.memory_space<hbm>> -> memref<9600xi32, #tpu.memory_space<hbm>>
    tpu.wait_dma2 semaphore(%arg8 : memref<!tpu.dma_semaphore, #tpu.memory_space<semaphore_mem>>) src(%dma_wait3A_36 : memref<9600xi32, #tpu.memory_space<hbm>>) dst(%arg5 : memref<9600xi32, #tpu.memory_space<vmem>>)
    %broadcast_in_dim3A = arith.constant 1.000000e+00 : f32
    %broadcast_in_dim3A_37 = vector.broadcast %broadcast_in_dim3A : f32 to vector<16xf32>
    %scan3A_38 = arith.constant 0 : i32
    %scan3A_39 = arith.constant 0 : i32
    %scan3A_40 = arith.constant 600 : i32
    %scan3A_41 = arith.addi %scan3A_39, %scan3A_40 : i32
    %scan3A_42 = arith.constant 8 : i32
    %scan3A_43 = scf.for %scan3A_45 = %scan3A_39 to %scan3A_41 step %scan3A_42 iter_args(%scan3A_46 = %scan3A_38) -> (i32)  : i32 {
      %mul3A_47 = arith.constant 16 : i32
      %mul3A_48 = arith.muli %scan3A_45, %mul3A_47 : i32
      %get3A = arith.index_cast %mul3A_48 : i32 to index
      %get3A_49 = tpu.vector_load %arg5[%get3A] {strides = array<i32>} : memref<9600xi32, #tpu.memory_space<vmem>>, vector<16xi32>,
      %mul3A_50 = arith.constant 16 : i32
      %mul3A_51 = arith.muli %scan3A_45, %mul3A_50 : i32
      %get3A_52 = arith.index_cast %mul3A_51 : i32 to index
      %get3A_53 = tpu.vector_load %arg4[%get3A_52] {strides = array<i32>} : memref<9600xi32, #tpu.memory_space<vmem>>, vector<16xi32>,
      %sub3A = vector.broadcast %mul3A_2 : i32 to vector<16xi32>
      %sub3A_54 = arith.subi %get3A_49, %sub3A : vector<16xi32>
      %lt3A = arith.constant 20 : i32
      %lt3A_55 = vector.broadcast %lt3A : i32 to vector<16xi32>
      %lt3A_56 = arith.cmpi ult, %sub3A_54, %lt3A_55 : vector<16xi32>
      %sub3A_57 = vector.broadcast %mul3A_2 : i32 to vector<16xi32>
      %sub3A_58 = arith.subi %get3A_49, %sub3A_57 : vector<16xi32>
      %mul3A_59 = arith.constant 640 : i32
      %mul3A_60 = vector.broadcast %mul3A_59 : i32 to vector<16xi32>
      %mul3A_61 = arith.muli %sub3A_58, %mul3A_60 : vector<16xi32>
      %add3A_62 = arith.addi %mul3A_61, %get3A_53 : vector<16xi32>
      tpu.vector_store_idx %arg6[%add3A_62], %broadcast_in_dim3A_37 masked %lt3A_56 {add = true} : memref<12800xf32, #tpu.memory_space<vmem>>[vector<16xi32>], vector<16xf32>, vector<16xi1>
      %scan3A_63 = arith.constant 0 : i32
      %scan3A_64 = arith.constant 1 : i32
      %scan3A_65 = arith.addi %scan3A_45, %scan3A_64 : i32
      %mul3A_66 = arith.constant 16 : i32
      %mul3A_67 = arith.muli %scan3A_65, %mul3A_66 : i32
      %get3A_68 = arith.index_cast %mul3A_67 : i32 to index
      %get3A_69 = tpu.vector_load %arg5[%get3A_68] {strides = array<i32>} : memref<9600xi32, #tpu.memory_space<vmem>>, vector<16xi32>,
      %mul3A_70 = arith.constant 16 : i32
      %mul3A_71 = arith.muli %scan3A_65, %mul3A_70 : i32
      %get3A_72 = arith.index_cast %mul3A_71 : i32 to index
      %get3A_73 = tpu.vector_load %arg4[%get3A_72] {strides = array<i32>} : memref<9600xi32, #tpu.memory_space<vmem>>, vector<16xi32>,
      %sub3A_74 = vector.broadcast %mul3A_2 : i32 to vector<16xi32>
      %sub3A_75 = arith.subi %get3A_69, %sub3A_74 : vector<16xi32>
      %lt3A_76 = arith.constant 20 : i32
      %lt3A_77 = vector.broadcast %lt3A_76 : i32 to vector<16xi32>
      %lt3A_78 = arith.cmpi ult, %sub3A_75, %lt3A_77 : vector<16xi32>
      %sub3A_79 = vector.broadcast %mul3A_2 : i32 to vector<16xi32>
      %sub3A_80 = arith.subi %get3A_69, %sub3A_79 : vector<16xi32>
      %mul3A_81 = arith.constant 640 : i32
      %mul3A_82 = vector.broadcast %mul3A_81 : i32 to vector<16xi32>
      %mul3A_83 = arith.muli %sub3A_80, %mul3A_82 : vector<16xi32>
      %add3A_84 = arith.addi %mul3A_83, %get3A_73 : vector<16xi32>
      tpu.vector_store_idx %arg6[%add3A_84], %broadcast_in_dim3A_37 masked %lt3A_78 {add = true} : memref<12800xf32, #tpu.memory_space<vmem>>[vector<16xi32>], vector<16xf32>, vector<16xi1>
      %scan3A_85 = arith.constant 0 : i32
      %scan3A_86 = arith.constant 2 : i32
      %scan3A_87 = arith.addi %scan3A_45, %scan3A_86 : i32
      %mul3A_88 = arith.constant 16 : i32
      %mul3A_89 = arith.muli %scan3A_87, %mul3A_88 : i32
      %get3A_90 = arith.index_cast %mul3A_89 : i32 to index
      %get3A_91 = tpu.vector_load %arg5[%get3A_90] {strides = array<i32>} : memref<9600xi32, #tpu.memory_space<vmem>>, vector<16xi32>,
      %mul3A_92 = arith.constant 16 : i32
      %mul3A_93 = arith.muli %scan3A_87, %mul3A_92 : i32
      %get3A_94 = arith.index_cast %mul3A_93 : i32 to index
      %get3A_95 = tpu.vector_load %arg4[%get3A_94] {strides = array<i32>} : memref<9600xi32, #tpu.memory_space<vmem>>, vector<16xi32>,
      %sub3A_96 = vector.broadcast %mul3A_2 : i32 to vector<16xi32>
      %sub3A_97 = arith.subi %get3A_91, %sub3A_96 : vector<16xi32>
      %lt3A_98 = arith.constant 20 : i32
      %lt3A_99 = vector.broadcast %lt3A_98 : i32 to vector<16xi32>
      %lt3A_100 = arith.cmpi ult, %sub3A_97, %lt3A_99 : vector<16xi32>
      %sub3A_101 = vector.broadcast %mul3A_2 : i32 to vector<16xi32>
      %sub3A_102 = arith.subi %get3A_91, %sub3A_101 : vector<16xi32>
      %mul3A_103 = arith.constant 640 : i32
      %mul3A_104 = vector.broadcast %mul3A_103 : i32 to vector<16xi32>
      %mul3A_105 = arith.muli %sub3A_102, %mul3A_104 : vector<16xi32>
      %add3A_106 = arith.addi %mul3A_105, %get3A_95 : vector<16xi32>
      tpu.vector_store_idx %arg6[%add3A_106], %broadcast_in_dim3A_37 masked %lt3A_100 {add = true} : memref<12800xf32, #tpu.memory_space<vmem>>[vector<16xi32>], vector<16xf32>, vector<16xi1>
      %scan3A_107 = arith.constant 0 : i32
      %scan3A_108 = arith.constant 3 : i32
      %scan3A_109 = arith.addi %scan3A_45, %scan3A_108 : i32
      %mul3A_110 = arith.constant 16 : i32
      %mul3A_111 = arith.muli %scan3A_109, %mul3A_110 : i32
      %get3A_112 = arith.index_cast %mul3A_111 : i32 to index
      %get3A_113 = tpu.vector_load %arg5[%get3A_112] {strides = array<i32>} : memref<9600xi32, #tpu.memory_space<vmem>>, vector<16xi32>,
      %mul3A_114 = arith.constant 16 : i32
      %mul3A_115 = arith.muli %scan3A_109, %mul3A_114 : i32
      %get3A_116 = arith.index_cast %mul3A_115 : i32 to index
      %get3A_117 = tpu.vector_load %arg4[%get3A_116] {strides = array<i32>} : memref<9600xi32, #tpu.memory_space<vmem>>, vector<16xi32>,
      %sub3A_118 = vector.broadcast %mul3A_2 : i32 to vector<16xi32>
      %sub3A_119 = arith.subi %get3A_113, %sub3A_118 : vector<16xi32>
      %lt3A_120 = arith.constant 20 : i32
      %lt3A_121 = vector.broadcast %lt3A_120 : i32 to vector<16xi32>
      %lt3A_122 = arith.cmpi ult, %sub3A_119, %lt3A_121 : vector<16xi32>
      %sub3A_123 = vector.broadcast %mul3A_2 : i32 to vector<16xi32>
      %sub3A_124 = arith.subi %get3A_113, %sub3A_123 : vector<16xi32>
      %mul3A_125 = arith.constant 640 : i32
      %mul3A_126 = vector.broadcast %mul3A_125 : i32 to vector<16xi32>
      %mul3A_127 = arith.muli %sub3A_124, %mul3A_126 : vector<16xi32>
      %add3A_128 = arith.addi %mul3A_127, %get3A_117 : vector<16xi32>
      tpu.vector_store_idx %arg6[%add3A_128], %broadcast_in_dim3A_37 masked %lt3A_122 {add = true} : memref<12800xf32, #tpu.memory_space<vmem>>[vector<16xi32>], vector<16xf32>, vector<16xi1>
      %scan3A_129 = arith.constant 0 : i32
      %scan3A_130 = arith.constant 4 : i32
      %scan3A_131 = arith.addi %scan3A_45, %scan3A_130 : i32
      %mul3A_132 = arith.constant 16 : i32
      %mul3A_133 = arith.muli %scan3A_131, %mul3A_132 : i32
      %get3A_134 = arith.index_cast %mul3A_133 : i32 to index
      %get3A_135 = tpu.vector_load %arg5[%get3A_134] {strides = array<i32>} : memref<9600xi32, #tpu.memory_space<vmem>>, vector<16xi32>,
      %mul3A_136 = arith.constant 16 : i32
      %mul3A_137 = arith.muli %scan3A_131, %mul3A_136 : i32
      %get3A_138 = arith.index_cast %mul3A_137 : i32 to index
      %get3A_139 = tpu.vector_load %arg4[%get3A_138] {strides = array<i32>} : memref<9600xi32, #tpu.memory_space<vmem>>, vector<16xi32>,
      %sub3A_140 = vector.broadcast %mul3A_2 : i32 to vector<16xi32>
      %sub3A_141 = arith.subi %get3A_135, %sub3A_140 : vector<16xi32>
      %lt3A_142 = arith.constant 20 : i32
      %lt3A_143 = vector.broadcast %lt3A_142 : i32 to vector<16xi32>
      %lt3A_144 = arith.cmpi ult, %sub3A_141, %lt3A_143 : vector<16xi32>
      %sub3A_145 = vector.broadcast %mul3A_2 : i32 to vector<16xi32>
      %sub3A_146 = arith.subi %get3A_135, %sub3A_145 : vector<16xi32>
      %mul3A_147 = arith.constant 640 : i32
      %mul3A_148 = vector.broadcast %mul3A_147 : i32 to vector<16xi32>
      %mul3A_149 = arith.muli %sub3A_146, %mul3A_148 : vector<16xi32>
      %add3A_150 = arith.addi %mul3A_149, %get3A_139 : vector<16xi32>
      tpu.vector_store_idx %arg6[%add3A_150], %broadcast_in_dim3A_37 masked %lt3A_144 {add = true} : memref<12800xf32, #tpu.memory_space<vmem>>[vector<16xi32>], vector<16xf32>, vector<16xi1>
      %scan3A_151 = arith.constant 0 : i32
      %scan3A_152 = arith.constant 5 : i32
      %scan3A_153 = arith.addi %scan3A_45, %scan3A_152 : i32
      %mul3A_154 = arith.constant 16 : i32
      %mul3A_155 = arith.muli %scan3A_153, %mul3A_154 : i32
      %get3A_156 = arith.index_cast %mul3A_155 : i32 to index
      %get3A_157 = tpu.vector_load %arg5[%get3A_156] {strides = array<i32>} : memref<9600xi32, #tpu.memory_space<vmem>>, vector<16xi32>,
      %mul3A_158 = arith.constant 16 : i32
      %mul3A_159 = arith.muli %scan3A_153, %mul3A_158 : i32
      %get3A_160 = arith.index_cast %mul3A_159 : i32 to index
      %get3A_161 = tpu.vector_load %arg4[%get3A_160] {strides = array<i32>} : memref<9600xi32, #tpu.memory_space<vmem>>, vector<16xi32>,
      %sub3A_162 = vector.broadcast %mul3A_2 : i32 to vector<16xi32>
      %sub3A_163 = arith.subi %get3A_157, %sub3A_162 : vector<16xi32>
      %lt3A_164 = arith.constant 20 : i32
      %lt3A_165 = vector.broadcast %lt3A_164 : i32 to vector<16xi32>
      %lt3A_166 = arith.cmpi ult, %sub3A_163, %lt3A_165 : vector<16xi32>
      %sub3A_167 = vector.broadcast %mul3A_2 : i32 to vector<16xi32>
      %sub3A_168 = arith.subi %get3A_157, %sub3A_167 : vector<16xi32>
      %mul3A_169 = arith.constant 640 : i32
      %mul3A_170 = vector.broadcast %mul3A_169 : i32 to vector<16xi32>
      %mul3A_171 = arith.muli %sub3A_168, %mul3A_170 : vector<16xi32>
      %add3A_172 = arith.addi %mul3A_171, %get3A_161 : vector<16xi32>
      tpu.vector_store_idx %arg6[%add3A_172], %broadcast_in_dim3A_37 masked %lt3A_166 {add = true} : memref<12800xf32, #tpu.memory_space<vmem>>[vector<16xi32>], vector<16xf32>, vector<16xi1>
      %scan3A_173 = arith.constant 0 : i32
      %scan3A_174 = arith.constant 6 : i32
      %scan3A_175 = arith.addi %scan3A_45, %scan3A_174 : i32
      %mul3A_176 = arith.constant 16 : i32
      %mul3A_177 = arith.muli %scan3A_175, %mul3A_176 : i32
      %get3A_178 = arith.index_cast %mul3A_177 : i32 to index
      %get3A_179 = tpu.vector_load %arg5[%get3A_178] {strides = array<i32>} : memref<9600xi32, #tpu.memory_space<vmem>>, vector<16xi32>,
      %mul3A_180 = arith.constant 16 : i32
      %mul3A_181 = arith.muli %scan3A_175, %mul3A_180 : i32
      %get3A_182 = arith.index_cast %mul3A_181 : i32 to index
      %get3A_183 = tpu.vector_load %arg4[%get3A_182] {strides = array<i32>} : memref<9600xi32, #tpu.memory_space<vmem>>, vector<16xi32>,
      %sub3A_184 = vector.broadcast %mul3A_2 : i32 to vector<16xi32>
      %sub3A_185 = arith.subi %get3A_179, %sub3A_184 : vector<16xi32>
      %lt3A_186 = arith.constant 20 : i32
      %lt3A_187 = vector.broadcast %lt3A_186 : i32 to vector<16xi32>
      %lt3A_188 = arith.cmpi ult, %sub3A_185, %lt3A_187 : vector<16xi32>
      %sub3A_189 = vector.broadcast %mul3A_2 : i32 to vector<16xi32>
      %sub3A_190 = arith.subi %get3A_179, %sub3A_189 : vector<16xi32>
      %mul3A_191 = arith.constant 640 : i32
      %mul3A_192 = vector.broadcast %mul3A_191 : i32 to vector<16xi32>
      %mul3A_193 = arith.muli %sub3A_190, %mul3A_192 : vector<16xi32>
      %add3A_194 = arith.addi %mul3A_193, %get3A_183 : vector<16xi32>
      tpu.vector_store_idx %arg6[%add3A_194], %broadcast_in_dim3A_37 masked %lt3A_188 {add = true} : memref<12800xf32, #tpu.memory_space<vmem>>[vector<16xi32>], vector<16xf32>, vector<16xi1>
      %scan3A_195 = arith.constant 0 : i32
      %scan3A_196 = arith.constant 7 : i32
      %scan3A_197 = arith.addi %scan3A_45, %scan3A_196 : i32
      %mul3A_198 = arith.constant 16 : i32
      %mul3A_199 = arith.muli %scan3A_197, %mul3A_198 : i32
      %get3A_200 = arith.index_cast %mul3A_199 : i32 to index
      %get3A_201 = tpu.vector_load %arg5[%get3A_200] {strides = array<i32>} : memref<9600xi32, #tpu.memory_space<vmem>>, vector<16xi32>,
      %mul3A_202 = arith.constant 16 : i32
      %mul3A_203 = arith.muli %scan3A_197, %mul3A_202 : i32
      %get3A_204 = arith.index_cast %mul3A_203 : i32 to index
      %get3A_205 = tpu.vector_load %arg4[%get3A_204] {strides = array<i32>} : memref<9600xi32, #tpu.memory_space<vmem>>, vector<16xi32>,
      %sub3A_206 = vector.broadcast %mul3A_2 : i32 to vector<16xi32>
      %sub3A_207 = arith.subi %get3A_201, %sub3A_206 : vector<16xi32>
      %lt3A_208 = arith.constant 20 : i32
      %lt3A_209 = vector.broadcast %lt3A_208 : i32 to vector<16xi32>
      %lt3A_210 = arith.cmpi ult, %sub3A_207, %lt3A_209 : vector<16xi32>
      %sub3A_211 = vector.broadcast %mul3A_2 : i32 to vector<16xi32>
      %sub3A_212 = arith.subi %get3A_201, %sub3A_211 : vector<16xi32>
      %mul3A_213 = arith.constant 640 : i32
      %mul3A_214 = vector.broadcast %mul3A_213 : i32 to vector<16xi32>
      %mul3A_215 = arith.muli %sub3A_212, %mul3A_214 : vector<16xi32>
      %add3A_216 = arith.addi %mul3A_215, %get3A_205 : vector<16xi32>
      tpu.vector_store_idx %arg6[%add3A_216], %broadcast_in_dim3A_37 masked %lt3A_210 {add = true} : memref<12800xf32, #tpu.memory_space<vmem>>[vector<16xi32>], vector<16xf32>, vector<16xi1>
      %scan3A_217 = arith.constant 0 : i32
      scf.yield %scan3A_217 : i32
    }
    %scan3A_44 = arith.constant 600 : i32
    "tpu.region"() ({
      %run_scoped3A = tpu.sem_alloc : memref<!tpu.dma_semaphore, #tpu.memory_space<semaphore_mem>>
      %dma_start3A_45 = tpu.memref_slice %arg3[%mul3A_4] : memref<409600xf32, #tpu.memory_space<hbm>> -> memref<12800xf32, #tpu.memory_space<hbm>>
      %dma_start3A_46 = tpu.memref_slice %arg3[%mul3A_4] : memref<409600xf32, #tpu.memory_space<hbm>> -> memref<12800xf32, #tpu.memory_space<hbm>>
      tpu.enqueue_dma source(%arg6 : memref<12800xf32, #tpu.memory_space<vmem>>) target(%dma_start3A_46 : memref<12800xf32, #tpu.memory_space<hbm>>) target_semaphore(%run_scoped3A : memref<!tpu.dma_semaphore, #tpu.memory_space<semaphore_mem>>)
      %dma_wait3A_47 = tpu.memref_slice %arg3[%mul3A_4] : memref<409600xf32, #tpu.memory_space<hbm>> -> memref<12800xf32, #tpu.memory_space<hbm>>
      %dma_wait3A_48 = tpu.memref_slice %arg3[%mul3A_4] : memref<409600xf32, #tpu.memory_space<hbm>> -> memref<12800xf32, #tpu.memory_space<hbm>>
      tpu.wait_dma2 semaphore(%run_scoped3A : memref<!tpu.dma_semaphore, #tpu.memory_space<semaphore_mem>>) src(%arg6 : memref<12800xf32, #tpu.memory_space<vmem>>) dst(%dma_wait3A_48 : memref<12800xf32, #tpu.memory_space<hbm>>)
      tpu.yield
    }) : () -> ()
    return
  }
}

module attributes {stable_mosaic.version = 14 : i64} {
  func.func @_gnn_kernel(%arg0: i32, %arg1: memref<640x640xf32, #tpu.memory_space<vmem>>, %arg2: memref<64x600xf32, #tpu.memory_space<vmem>>, %arg3: memref<1x128xf32, #tpu.memory_space<vmem>>, %arg4: memref<1x128xf32, #tpu.memory_space<vmem>>, %arg5: memref<128x128xf32, #tpu.memory_space<vmem>>, %arg6: memref<1x128xf32, #tpu.memory_space<vmem>>, %arg7: memref<128x128xf32, #tpu.memory_space<vmem>>, %arg8: memref<1x128xf32, #tpu.memory_space<vmem>>, %arg9: memref<128x128xf32, #tpu.memory_space<vmem>>, %arg10: memref<128x128xf32, #tpu.memory_space<vmem>>, %arg11: memref<1x128xf32, #tpu.memory_space<vmem>>, %arg12: memref<1x128xf32, #tpu.memory_space<vmem>>, %arg13: memref<1x128xf32, #tpu.memory_space<vmem>>, %arg14: memref<1x128xf32, #tpu.memory_space<vmem>>, %arg15: memref<128x128xf32, #tpu.memory_space<vmem>>, %arg16: memref<128x128xf32, #tpu.memory_space<vmem>>, %arg17: memref<1x128xf32, #tpu.memory_space<vmem>>, %arg18: memref<1x128xf32, #tpu.memory_space<vmem>>, %arg19: memref<1x128xf32, #tpu.memory_space<vmem>>, %arg20: memref<1x128xf32, #tpu.memory_space<vmem>>, %arg21: memref<128x128xf32, #tpu.memory_space<vmem>>, %arg22: memref<128x128xf32, #tpu.memory_space<vmem>>, %arg23: memref<1x128xf32, #tpu.memory_space<vmem>>, %arg24: memref<1x128xf32, #tpu.memory_space<vmem>>, %arg25: memref<1x128xf32, #tpu.memory_space<vmem>>, %arg26: memref<1x128xf32, #tpu.memory_space<vmem>>, %arg27: memref<128x128xf32, #tpu.memory_space<vmem>>, %arg28: memref<128x128xf32, #tpu.memory_space<vmem>>, %arg29: memref<1x128xf32, #tpu.memory_space<vmem>>, %arg30: memref<1x128xf32, #tpu.memory_space<vmem>>, %arg31: memref<1x128xf32, #tpu.memory_space<vmem>>, %arg32: memref<1x128xf32, #tpu.memory_space<vmem>>, %arg33: memref<128x128xf32, #tpu.memory_space<vmem>>, %arg34: memref<1x128xf32, #tpu.memory_space<vmem>>, %arg35: memref<128x64xf32, #tpu.memory_space<vmem>>, %arg36: memref<1x64xf32, #tpu.memory_space<vmem>>, %arg37: memref<1x64xf32, #tpu.memory_space<vmem>>, %arg38: memref<1x1xf32, #tpu.memory_space<vmem>>, %arg39: memref<16x1xf32, #tpu.memory_space<vmem>>) attributes {dimension_semantics = [#tpu.dimension_semantics<arbitrary>], iteration_bounds = array<i64: 4>, scalar_prefetch = 0 : i64, scratch_operands = 0 : i64, tpu.core_type = #tpu.core_type<tc>, window_params = [{pipeline_mode = #tpu.pipeline_mode<synchronous>, transform_indices = @transform_0, window_bounds = array<i64: 640, 640>}, {pipeline_mode = #tpu.pipeline_mode<synchronous>, transform_indices = @transform_1, window_bounds = array<i64: 64, 600>}, {pipeline_mode = #tpu.pipeline_mode<synchronous>, transform_indices = @transform_2, window_bounds = array<i64: 1, 128>}, {pipeline_mode = #tpu.pipeline_mode<synchronous>, transform_indices = @transform_3, window_bounds = array<i64: 1, 128>}, {pipeline_mode = #tpu.pipeline_mode<synchronous>, transform_indices = @transform_4, window_bounds = array<i64: 128, 128>}, {pipeline_mode = #tpu.pipeline_mode<synchronous>, transform_indices = @transform_5, window_bounds = array<i64: 1, 128>}, {pipeline_mode = #tpu.pipeline_mode<synchronous>, transform_indices = @transform_6, window_bounds = array<i64: 128, 128>}, {pipeline_mode = #tpu.pipeline_mode<synchronous>, transform_indices = @transform_7, window_bounds = array<i64: 1, 128>}, {pipeline_mode = #tpu.pipeline_mode<synchronous>, transform_indices = @transform_8, window_bounds = array<i64: 128, 128>}, {pipeline_mode = #tpu.pipeline_mode<synchronous>, transform_indices = @transform_9, window_bounds = array<i64: 128, 128>}, {pipeline_mode = #tpu.pipeline_mode<synchronous>, transform_indices = @transform_10, window_bounds = array<i64: 1, 128>}, {pipeline_mode = #tpu.pipeline_mode<synchronous>, transform_indices = @transform_11, window_bounds = array<i64: 1, 128>}, {pipeline_mode = #tpu.pipeline_mode<synchronous>, transform_indices = @transform_12, window_bounds = array<i64: 1, 128>}, {pipeline_mode = #tpu.pipeline_mode<synchronous>, transform_indices = @transform_13, window_bounds = array<i64: 1, 128>}, {pipeline_mode = #tpu.pipeline_mode<synchronous>, transform_indices = @transform_14, window_bounds = array<i64: 128, 128>}, {pipeline_mode = #tpu.pipeline_mode<synchronous>, transform_indices = @transform_15, window_bounds = array<i64: 128, 128>}, {pipeline_mode = #tpu.pipeline_mode<synchronous>, transform_indices = @transform_16, window_bounds = array<i64: 1, 128>}, {pipeline_mode = #tpu.pipeline_mode<synchronous>, transform_indices = @transform_17, window_bounds = array<i64: 1, 128>}, {pipeline_mode = #tpu.pipeline_mode<synchronous>, transform_indices = @transform_18, window_bounds = array<i64: 1, 128>}, {pipeline_mode = #tpu.pipeline_mode<synchronous>, transform_indices = @transform_19, window_bounds = array<i64: 1, 128>}, {pipeline_mode = #tpu.pipeline_mode<synchronous>, transform_indices = @transform_20, window_bounds = array<i64: 128, 128>}, {pipeline_mode = #tpu.pipeline_mode<synchronous>, transform_indices = @transform_21, window_bounds = array<i64: 128, 128>}, {pipeline_mode = #tpu.pipeline_mode<synchronous>, transform_indices = @transform_22, window_bounds = array<i64: 1, 128>}, {pipeline_mode = #tpu.pipeline_mode<synchronous>, transform_indices = @transform_23, window_bounds = array<i64: 1, 128>}, {pipeline_mode = #tpu.pipeline_mode<synchronous>, transform_indices = @transform_24, window_bounds = array<i64: 1, 128>}, {pipeline_mode = #tpu.pipeline_mode<synchronous>, transform_indices = @transform_25, window_bounds = array<i64: 1, 128>}, {pipeline_mode = #tpu.pipeline_mode<synchronous>, transform_indices = @transform_26, window_bounds = array<i64: 128, 128>}, {pipeline_mode = #tpu.pipeline_mode<synchronous>, transform_indices = @transform_27, window_bounds = array<i64: 128, 128>}, {pipeline_mode = #tpu.pipeline_mode<synchronous>, transform_indices = @transform_28, window_bounds = array<i64: 1, 128>}, {pipeline_mode = #tpu.pipeline_mode<synchronous>, transform_indices = @transform_29, window_bounds = array<i64: 1, 128>}, {pipeline_mode = #tpu.pipeline_mode<synchronous>, transform_indices = @transform_30, window_bounds = array<i64: 1, 128>}, {pipeline_mode = #tpu.pipeline_mode<synchronous>, transform_indices = @transform_31, window_bounds = array<i64: 1, 128>}, {pipeline_mode = #tpu.pipeline_mode<synchronous>, transform_indices = @transform_32, window_bounds = array<i64: 128, 128>}, {pipeline_mode = #tpu.pipeline_mode<synchronous>, transform_indices = @transform_33, window_bounds = array<i64: 1, 128>}, {pipeline_mode = #tpu.pipeline_mode<synchronous>, transform_indices = @transform_34, window_bounds = array<i64: 128, 64>}, {pipeline_mode = #tpu.pipeline_mode<synchronous>, transform_indices = @transform_35, window_bounds = array<i64: 1, 64>}, {pipeline_mode = #tpu.pipeline_mode<synchronous>, transform_indices = @transform_36, window_bounds = array<i64: 1, 64>}, {pipeline_mode = #tpu.pipeline_mode<synchronous>, transform_indices = @transform_37, window_bounds = array<i64: 1, 1>}, {transform_indices = @transform_38, window_bounds = array<i64: 16, 1>}]} {
    %get3A = arith.constant 0 : index
    %get3A_0 = arith.constant 0 : index
    %get3A_1 = vector.load %arg1[%get3A, %get3A_0] : memref<640x640xf32, #tpu.memory_space<vmem>>, vector<640x640xf32>
    %reduce_sum3A = arith.constant dense<0.000000e+00> : vector<640xf32>
    %reduce_sum3A_2 = vector.multi_reduction <add>, %get3A_1, %reduce_sum3A [1] : vector<640x640xf32> to vector<640xf32>
    %broadcast_in_dim3A = vector.shape_cast %reduce_sum3A_2 : vector<640xf32> to vector<640x1xf32>
    %max3A = arith.constant 1.000000e+00 : f32
    %max3A_3 = vector.broadcast %max3A : f32 to vector<640x1xf32>
    %max3A_4 = arith.maximumf %broadcast_in_dim3A, %max3A_3 : vector<640x1xf32>
    %div3A = arith.constant 1.000000e+00 : f32
    %div3A_5 = vector.broadcast %div3A : f32 to vector<640x1xf32>
    %div3A_6 = arith.divf %div3A_5, %max3A_4 : vector<640x1xf32>
    %mul3A = arith.mulf %broadcast_in_dim3A, %div3A_6 : vector<640x1xf32>
    %iota3A = tpu.iota {dimensions = array<i32: 1>} : vector<16x64xi32>
    %mul3A_7 = arith.constant 16 : i32
    %mul3A_8 = arith.muli %mul3A_7, %arg0 : i32
    %iota3A_9 = tpu.iota {dimensions = array<i32: 0>} : vector<16x64xi32>
    %add3A = vector.broadcast %mul3A_8 : i32 to vector<16x64xi32>
    %add3A_10 = arith.addi %add3A, %iota3A_9 : vector<16x64xi32>
    %eq3A = arith.cmpi eq, %iota3A, %add3A_10 : vector<16x64xi32>
    %convert_element_type3A = arith.extui %eq3A : vector<16x64xi1> to vector<16x64xi32>
    %convert_element_type3A_11 = arith.sitofp %convert_element_type3A : vector<16x64xi32> to vector<16x64xf32>
    %get3A_12 = arith.constant 0 : index
    %get3A_13 = arith.constant 0 : index
    %get3A_14 = vector.load %arg2[%get3A_12, %get3A_13] : memref<64x600xf32, #tpu.memory_space<vmem>>, vector<64x600xf32>
    %dot_general3A = arith.constant dense<0.000000e+00> : vector<600x16xf32>
    %dot_general3A_15 = tpu.matmul %get3A_14, %convert_element_type3A_11, %dot_general3A {dimension_numbers = #tpu.dot_dimension_numbers<[0], [1], [1], [0], [0, 1, 1, 0], [], []>, transpose_lhs_hint = false} : vector<64x600xf32>, vector<16x64xf32>, vector<600x16xf32> -> vector<600x16xf32>
    %broadcast_in_dim3A_16 = arith.constant 0.000000e+00 : f32
    %broadcast_in_dim3A_17 = vector.broadcast %broadcast_in_dim3A_16 : f32 to vector<40x16xf32>
    %concatenate3A = tpu.concatenate %dot_general3A_15, %broadcast_in_dim3A_17 in 0 : vector<600x16xf32>, vector<40x16xf32> -> vector<640x16xf32>
    %get3A_18 = arith.constant 0 : index
    %get3A_19 = arith.constant 0 : index
    %get3A_20 = vector.load %arg3[%get3A_18, %get3A_19] : memref<1x128xf32, #tpu.memory_space<vmem>>, vector<1x128xf32>
    %concatenate3A_21 = tpu.concatenate %get3A_20, %get3A_20, %get3A_20, %get3A_20, %get3A_20, %get3A_20, %get3A_20, %get3A_20, %get3A_20, %get3A_20, %get3A_20, %get3A_20, %get3A_20, %get3A_20, %get3A_20, %get3A_20 in 1 : vector<1x128xf32>, vector<1x128xf32>, vector<1x128xf32>, vector<1x128xf32>, vector<1x128xf32>, vector<1x128xf32>, vector<1x128xf32>, vector<1x128xf32>, vector<1x128xf32>, vector<1x128xf32>, vector<1x128xf32>, vector<1x128xf32>, vector<1x128xf32>, vector<1x128xf32>, vector<1x128xf32>, vector<1x128xf32> -> vector<1x2048xf32>
    %iota3A_22 = tpu.iota {dimensions = array<i32: 0>} : vector<16x2048xi32>
    %iota3A_23 = tpu.iota {dimensions = array<i32: 1>} : vector<16x2048xi32>
    %jit3A = arith.constant 128 : i32
    %div3A_24 = vector.broadcast %jit3A : i32 to vector<16x2048xi32>
    %div3A_25 = arith.divsi %iota3A_23, %div3A_24 : vector<16x2048xi32>
    %sign3A = arith.constant 0 : i32
    %sign3A_26 = vector.broadcast %sign3A : i32 to vector<16x2048xi32>
    %sign3A_27 = arith.cmpi sgt, %iota3A_23, %sign3A_26 : vector<16x2048xi32>
    %sign3A_28 = arith.extui %sign3A_27 : vector<16x2048xi1> to vector<16x2048xi32>
    %sign3A_29 = arith.constant 0 : i32
    %sign3A_30 = vector.broadcast %sign3A_29 : i32 to vector<16x2048xi32>
    %sign3A_31 = arith.cmpi slt, %iota3A_23, %sign3A_30 : vector<16x2048xi32>
    %sign3A_32 = arith.extui %sign3A_31 : vector<16x2048xi1> to vector<16x2048xi32>
    %sign3A_33 = arith.subi %sign3A_28, %sign3A_32 : vector<16x2048xi32>
    %sign3A_34 = arith.constant 0 : i32
    %sign3A_35 = arith.cmpi sgt, %jit3A, %sign3A_34 : i32
    %sign3A_36 = arith.extui %sign3A_35 : i1 to i32
    %sign3A_37 = arith.constant 0 : i32
    %sign3A_38 = arith.cmpi slt, %jit3A, %sign3A_37 : i32
    %sign3A_39 = arith.extui %sign3A_38 : i1 to i32
    %sign3A_40 = arith.subi %sign3A_36, %sign3A_39 : i32
    %ne3A = vector.broadcast %sign3A_40 : i32 to vector<16x2048xi32>
    %ne3A_41 = arith.cmpi ne, %sign3A_33, %ne3A : vector<16x2048xi32>
    %rem3A = vector.broadcast %jit3A : i32 to vector<16x2048xi32>
    %rem3A_42 = arith.remsi %iota3A_23, %rem3A : vector<16x2048xi32>
    %ne3A_43 = arith.constant 0 : i32
    %ne3A_44 = vector.broadcast %ne3A_43 : i32 to vector<16x2048xi32>
    %ne3A_45 = arith.cmpi ne, %rem3A_42, %ne3A_44 : vector<16x2048xi32>
    %and3A = arith.andi %ne3A_41, %ne3A_45 : vector<16x2048xi1>
    %sub3A = arith.constant 1 : i32
    %sub3A_46 = vector.broadcast %sub3A : i32 to vector<16x2048xi32>
    %sub3A_47 = arith.subi %div3A_25, %sub3A_46 : vector<16x2048xi32>
    %select_n3A = arith.select %and3A, %sub3A_47, %div3A_25 : vector<16x2048xi1>, vector<16x2048xi32>
    %eq3A_48 = arith.cmpi eq, %iota3A_22, %select_n3A : vector<16x2048xi32>
    %jit3A_49 = arith.constant 0.000000e+00 : f32
    %broadcast_in_dim3A_50 = vector.shape_cast %concatenate3A_21 : vector<1x2048xf32> to vector<1x2048xf32>
    %broadcast_in_dim3A_51 = vector.broadcast %broadcast_in_dim3A_50 : vector<1x2048xf32> to vector<16x2048xf32>
    %broadcast_in_dim3A_52 = vector.broadcast %jit3A_49 : f32 to vector<16x2048xf32>
    %select_n3A_53 = arith.select %eq3A_48, %broadcast_in_dim3A_51, %broadcast_in_dim3A_52 : vector<16x2048xi1>, vector<16x2048xf32>
    %get3A_54 = arith.constant 0 : index
    %get3A_55 = arith.constant 0 : index
    %get3A_56 = vector.load %arg4[%get3A_54, %get3A_55] : memref<1x128xf32, #tpu.memory_space<vmem>>, vector<1x128xf32>
    %concatenate3A_57 = tpu.concatenate %get3A_56, %get3A_56, %get3A_56, %get3A_56, %get3A_56, %get3A_56, %get3A_56, %get3A_56, %get3A_56, %get3A_56, %get3A_56, %get3A_56, %get3A_56, %get3A_56, %get3A_56, %get3A_56 in 1 : vector<1x128xf32>, vector<1x128xf32>, vector<1x128xf32>, vector<1x128xf32>, vector<1x128xf32>, vector<1x128xf32>, vector<1x128xf32>, vector<1x128xf32>, vector<1x128xf32>, vector<1x128xf32>, vector<1x128xf32>, vector<1x128xf32>, vector<1x128xf32>, vector<1x128xf32>, vector<1x128xf32>, vector<1x128xf32> -> vector<1x2048xf32>
    %dot_general3A_58 = arith.constant dense<0.000000e+00> : vector<640x2048xf32>
    %dot_general3A_59 = tpu.matmul %concatenate3A, %select_n3A_53, %dot_general3A_58 {dimension_numbers = #tpu.dot_dimension_numbers<[1], [0], [0], [1], [0, 0, 1, 1], [], []>, transpose_lhs_hint = false} : vector<640x16xf32>, vector<16x2048xf32>, vector<640x2048xf32> -> vector<640x2048xf32>
    %add3A_60 = vector.broadcast %concatenate3A_57 : vector<1x2048xf32> to vector<640x2048xf32>
    %add3A_61 = arith.addf %dot_general3A_59, %add3A_60 : vector<640x2048xf32>
    %max3A_62 = arith.constant 0.000000e+00 : f32
    %max3A_63 = vector.broadcast %max3A_62 : f32 to vector<640x2048xf32>
    %max3A_64 = arith.maximumf %add3A_61, %max3A_63 : vector<640x2048xf32>
    %slice3A = vector.extract_strided_slice %max3A_64 {offsets = [0, 0], sizes = [640, 128], strides = [1, 1]} : vector<640x2048xf32> to vector<640x128xf32>
    %slice3A_65 = vector.extract_strided_slice %max3A_64 {offsets = [0, 128], sizes = [640, 128], strides = [1, 1]} : vector<640x2048xf32> to vector<640x128xf32>
    %slice3A_66 = vector.extract_strided_slice %max3A_64 {offsets = [0, 256], sizes = [640, 128], strides = [1, 1]} : vector<640x2048xf32> to vector<640x128xf32>
    %slice3A_67 = vector.extract_strided_slice %max3A_64 {offsets = [0, 384], sizes = [640, 128], strides = [1, 1]} : vector<640x2048xf32> to vector<640x128xf32>
    %slice3A_68 = vector.extract_strided_slice %max3A_64 {offsets = [0, 512], sizes = [640, 128], strides = [1, 1]} : vector<640x2048xf32> to vector<640x128xf32>
    %slice3A_69 = vector.extract_strided_slice %max3A_64 {offsets = [0, 640], sizes = [640, 128], strides = [1, 1]} : vector<640x2048xf32> to vector<640x128xf32>
    %slice3A_70 = vector.extract_strided_slice %max3A_64 {offsets = [0, 768], sizes = [640, 128], strides = [1, 1]} : vector<640x2048xf32> to vector<640x128xf32>
    %slice3A_71 = vector.extract_strided_slice %max3A_64 {offsets = [0, 896], sizes = [640, 128], strides = [1, 1]} : vector<640x2048xf32> to vector<640x128xf32>
    %slice3A_72 = vector.extract_strided_slice %max3A_64 {offsets = [0, 1024], sizes = [640, 128], strides = [1, 1]} : vector<640x2048xf32> to vector<640x128xf32>
    %slice3A_73 = vector.extract_strided_slice %max3A_64 {offsets = [0, 1152], sizes = [640, 128], strides = [1, 1]} : vector<640x2048xf32> to vector<640x128xf32>
    %slice3A_74 = vector.extract_strided_slice %max3A_64 {offsets = [0, 1280], sizes = [640, 128], strides = [1, 1]} : vector<640x2048xf32> to vector<640x128xf32>
    %slice3A_75 = vector.extract_strided_slice %max3A_64 {offsets = [0, 1408], sizes = [640, 128], strides = [1, 1]} : vector<640x2048xf32> to vector<640x128xf32>
    %slice3A_76 = vector.extract_strided_slice %max3A_64 {offsets = [0, 1536], sizes = [640, 128], strides = [1, 1]} : vector<640x2048xf32> to vector<640x128xf32>
    %slice3A_77 = vector.extract_strided_slice %max3A_64 {offsets = [0, 1664], sizes = [640, 128], strides = [1, 1]} : vector<640x2048xf32> to vector<640x128xf32>
    %slice3A_78 = vector.extract_strided_slice %max3A_64 {offsets = [0, 1792], sizes = [640, 128], strides = [1, 1]} : vector<640x2048xf32> to vector<640x128xf32>
    %slice3A_79 = vector.extract_strided_slice %max3A_64 {offsets = [0, 1920], sizes = [640, 128], strides = [1, 1]} : vector<640x2048xf32> to vector<640x128xf32>
    %get3A_80 = arith.constant 0 : index
    %get3A_81 = arith.constant 0 : index
    %get3A_82 = vector.load %arg5[%get3A_80, %get3A_81] : memref<128x128xf32, #tpu.memory_space<vmem>>, vector<128x128xf32>
    %dot_general3A_83 = arith.constant dense<0.000000e+00> : vector<640x128xf32>
    %dot_general3A_84 = tpu.matmul %slice3A, %get3A_82, %dot_general3A_83 {dimension_numbers = #tpu.dot_dimension_numbers<[1], [0], [0], [1], [0, 0, 1, 1], [], []>, transpose_lhs_hint = false} : vector<640x128xf32>, vector<128x128xf32>, vector<640x128xf32> -> vector<640x128xf32>
    %get3A_85 = arith.constant 0 : index
    %get3A_86 = arith.constant 0 : index
    %get3A_87 = vector.load %arg6[%get3A_85, %get3A_86] : memref<1x128xf32, #tpu.memory_space<vmem>>, vector<1x128xf32>
    %add3A_88 = vector.broadcast %get3A_87 : vector<1x128xf32> to vector<640x128xf32>
    %add3A_89 = arith.addf %dot_general3A_84, %add3A_88 : vector<640x128xf32>
    %max3A_90 = arith.constant 0.000000e+00 : f32
    %max3A_91 = vector.broadcast %max3A_90 : f32 to vector<640x128xf32>
    %max3A_92 = arith.maximumf %add3A_89, %max3A_91 : vector<640x128xf32>
    %get3A_93 = arith.constant 0 : index
    %get3A_94 = arith.constant 0 : index
    %get3A_95 = vector.load %arg5[%get3A_93, %get3A_94] : memref<128x128xf32, #tpu.memory_space<vmem>>, vector<128x128xf32>
    %dot_general3A_96 = arith.constant dense<0.000000e+00> : vector<640x128xf32>
    %dot_general3A_97 = tpu.matmul %slice3A_65, %get3A_95, %dot_general3A_96 {dimension_numbers = #tpu.dot_dimension_numbers<[1], [0], [0], [1], [0, 0, 1, 1], [], []>, transpose_lhs_hint = false} : vector<640x128xf32>, vector<128x128xf32>, vector<640x128xf32> -> vector<640x128xf32>
    %get3A_98 = arith.constant 0 : index
    %get3A_99 = arith.constant 0 : index
    %get3A_100 = vector.load %arg6[%get3A_98, %get3A_99] : memref<1x128xf32, #tpu.memory_space<vmem>>, vector<1x128xf32>
    %add3A_101 = vector.broadcast %get3A_100 : vector<1x128xf32> to vector<640x128xf32>
    %add3A_102 = arith.addf %dot_general3A_97, %add3A_101 : vector<640x128xf32>
    %max3A_103 = arith.constant 0.000000e+00 : f32
    %max3A_104 = vector.broadcast %max3A_103 : f32 to vector<640x128xf32>
    %max3A_105 = arith.maximumf %add3A_102, %max3A_104 : vector<640x128xf32>
    %get3A_106 = arith.constant 0 : index
    %get3A_107 = arith.constant 0 : index
    %get3A_108 = vector.load %arg5[%get3A_106, %get3A_107] : memref<128x128xf32, #tpu.memory_space<vmem>>, vector<128x128xf32>
    %dot_general3A_109 = arith.constant dense<0.000000e+00> : vector<640x128xf32>
    %dot_general3A_110 = tpu.matmul %slice3A_66, %get3A_108, %dot_general3A_109 {dimension_numbers = #tpu.dot_dimension_numbers<[1], [0], [0], [1], [0, 0, 1, 1], [], []>, transpose_lhs_hint = false} : vector<640x128xf32>, vector<128x128xf32>, vector<640x128xf32> -> vector<640x128xf32>
    %get3A_111 = arith.constant 0 : index
    %get3A_112 = arith.constant 0 : index
    %get3A_113 = vector.load %arg6[%get3A_111, %get3A_112] : memref<1x128xf32, #tpu.memory_space<vmem>>, vector<1x128xf32>
    %add3A_114 = vector.broadcast %get3A_113 : vector<1x128xf32> to vector<640x128xf32>
    %add3A_115 = arith.addf %dot_general3A_110, %add3A_114 : vector<640x128xf32>
    %max3A_116 = arith.constant 0.000000e+00 : f32
    %max3A_117 = vector.broadcast %max3A_116 : f32 to vector<640x128xf32>
    %max3A_118 = arith.maximumf %add3A_115, %max3A_117 : vector<640x128xf32>
    %get3A_119 = arith.constant 0 : index
    %get3A_120 = arith.constant 0 : index
    %get3A_121 = vector.load %arg5[%get3A_119, %get3A_120] : memref<128x128xf32, #tpu.memory_space<vmem>>, vector<128x128xf32>
    %dot_general3A_122 = arith.constant dense<0.000000e+00> : vector<640x128xf32>
    %dot_general3A_123 = tpu.matmul %slice3A_67, %get3A_121, %dot_general3A_122 {dimension_numbers = #tpu.dot_dimension_numbers<[1], [0], [0], [1], [0, 0, 1, 1], [], []>, transpose_lhs_hint = false} : vector<640x128xf32>, vector<128x128xf32>, vector<640x128xf32> -> vector<640x128xf32>
    %get3A_124 = arith.constant 0 : index
    %get3A_125 = arith.constant 0 : index
    %get3A_126 = vector.load %arg6[%get3A_124, %get3A_125] : memref<1x128xf32, #tpu.memory_space<vmem>>, vector<1x128xf32>
    %add3A_127 = vector.broadcast %get3A_126 : vector<1x128xf32> to vector<640x128xf32>
    %add3A_128 = arith.addf %dot_general3A_123, %add3A_127 : vector<640x128xf32>
    %max3A_129 = arith.constant 0.000000e+00 : f32
    %max3A_130 = vector.broadcast %max3A_129 : f32 to vector<640x128xf32>
    %max3A_131 = arith.maximumf %add3A_128, %max3A_130 : vector<640x128xf32>
    %get3A_132 = arith.constant 0 : index
    %get3A_133 = arith.constant 0 : index
    %get3A_134 = vector.load %arg5[%get3A_132, %get3A_133] : memref<128x128xf32, #tpu.memory_space<vmem>>, vector<128x128xf32>
    %dot_general3A_135 = arith.constant dense<0.000000e+00> : vector<640x128xf32>
    %dot_general3A_136 = tpu.matmul %slice3A_68, %get3A_134, %dot_general3A_135 {dimension_numbers = #tpu.dot_dimension_numbers<[1], [0], [0], [1], [0, 0, 1, 1], [], []>, transpose_lhs_hint = false} : vector<640x128xf32>, vector<128x128xf32>, vector<640x128xf32> -> vector<640x128xf32>
    %get3A_137 = arith.constant 0 : index
    %get3A_138 = arith.constant 0 : index
    %get3A_139 = vector.load %arg6[%get3A_137, %get3A_138] : memref<1x128xf32, #tpu.memory_space<vmem>>, vector<1x128xf32>
    %add3A_140 = vector.broadcast %get3A_139 : vector<1x128xf32> to vector<640x128xf32>
    %add3A_141 = arith.addf %dot_general3A_136, %add3A_140 : vector<640x128xf32>
    %max3A_142 = arith.constant 0.000000e+00 : f32
    %max3A_143 = vector.broadcast %max3A_142 : f32 to vector<640x128xf32>
    %max3A_144 = arith.maximumf %add3A_141, %max3A_143 : vector<640x128xf32>
    %get3A_145 = arith.constant 0 : index
    %get3A_146 = arith.constant 0 : index
    %get3A_147 = vector.load %arg5[%get3A_145, %get3A_146] : memref<128x128xf32, #tpu.memory_space<vmem>>, vector<128x128xf32>
    %dot_general3A_148 = arith.constant dense<0.000000e+00> : vector<640x128xf32>
    %dot_general3A_149 = tpu.matmul %slice3A_69, %get3A_147, %dot_general3A_148 {dimension_numbers = #tpu.dot_dimension_numbers<[1], [0], [0], [1], [0, 0, 1, 1], [], []>, transpose_lhs_hint = false} : vector<640x128xf32>, vector<128x128xf32>, vector<640x128xf32> -> vector<640x128xf32>
    %get3A_150 = arith.constant 0 : index
    %get3A_151 = arith.constant 0 : index
    %get3A_152 = vector.load %arg6[%get3A_150, %get3A_151] : memref<1x128xf32, #tpu.memory_space<vmem>>, vector<1x128xf32>
    %add3A_153 = vector.broadcast %get3A_152 : vector<1x128xf32> to vector<640x128xf32>
    %add3A_154 = arith.addf %dot_general3A_149, %add3A_153 : vector<640x128xf32>
    %max3A_155 = arith.constant 0.000000e+00 : f32
    %max3A_156 = vector.broadcast %max3A_155 : f32 to vector<640x128xf32>
    %max3A_157 = arith.maximumf %add3A_154, %max3A_156 : vector<640x128xf32>
    %get3A_158 = arith.constant 0 : index
    %get3A_159 = arith.constant 0 : index
    %get3A_160 = vector.load %arg5[%get3A_158, %get3A_159] : memref<128x128xf32, #tpu.memory_space<vmem>>, vector<128x128xf32>
    %dot_general3A_161 = arith.constant dense<0.000000e+00> : vector<640x128xf32>
    %dot_general3A_162 = tpu.matmul %slice3A_70, %get3A_160, %dot_general3A_161 {dimension_numbers = #tpu.dot_dimension_numbers<[1], [0], [0], [1], [0, 0, 1, 1], [], []>, transpose_lhs_hint = false} : vector<640x128xf32>, vector<128x128xf32>, vector<640x128xf32> -> vector<640x128xf32>
    %get3A_163 = arith.constant 0 : index
    %get3A_164 = arith.constant 0 : index
    %get3A_165 = vector.load %arg6[%get3A_163, %get3A_164] : memref<1x128xf32, #tpu.memory_space<vmem>>, vector<1x128xf32>
    %add3A_166 = vector.broadcast %get3A_165 : vector<1x128xf32> to vector<640x128xf32>
    %add3A_167 = arith.addf %dot_general3A_162, %add3A_166 : vector<640x128xf32>
    %max3A_168 = arith.constant 0.000000e+00 : f32
    %max3A_169 = vector.broadcast %max3A_168 : f32 to vector<640x128xf32>
    %max3A_170 = arith.maximumf %add3A_167, %max3A_169 : vector<640x128xf32>
    %get3A_171 = arith.constant 0 : index
    %get3A_172 = arith.constant 0 : index
    %get3A_173 = vector.load %arg5[%get3A_171, %get3A_172] : memref<128x128xf32, #tpu.memory_space<vmem>>, vector<128x128xf32>
    %dot_general3A_174 = arith.constant dense<0.000000e+00> : vector<640x128xf32>
    %dot_general3A_175 = tpu.matmul %slice3A_71, %get3A_173, %dot_general3A_174 {dimension_numbers = #tpu.dot_dimension_numbers<[1], [0], [0], [1], [0, 0, 1, 1], [], []>, transpose_lhs_hint = false} : vector<640x128xf32>, vector<128x128xf32>, vector<640x128xf32> -> vector<640x128xf32>
    %get3A_176 = arith.constant 0 : index
    %get3A_177 = arith.constant 0 : index
    %get3A_178 = vector.load %arg6[%get3A_176, %get3A_177] : memref<1x128xf32, #tpu.memory_space<vmem>>, vector<1x128xf32>
    %add3A_179 = vector.broadcast %get3A_178 : vector<1x128xf32> to vector<640x128xf32>
    %add3A_180 = arith.addf %dot_general3A_175, %add3A_179 : vector<640x128xf32>
    %max3A_181 = arith.constant 0.000000e+00 : f32
    %max3A_182 = vector.broadcast %max3A_181 : f32 to vector<640x128xf32>
    %max3A_183 = arith.maximumf %add3A_180, %max3A_182 : vector<640x128xf32>
    %get3A_184 = arith.constant 0 : index
    %get3A_185 = arith.constant 0 : index
    %get3A_186 = vector.load %arg5[%get3A_184, %get3A_185] : memref<128x128xf32, #tpu.memory_space<vmem>>, vector<128x128xf32>
    %dot_general3A_187 = arith.constant dense<0.000000e+00> : vector<640x128xf32>
    %dot_general3A_188 = tpu.matmul %slice3A_72, %get3A_186, %dot_general3A_187 {dimension_numbers = #tpu.dot_dimension_numbers<[1], [0], [0], [1], [0, 0, 1, 1], [], []>, transpose_lhs_hint = false} : vector<640x128xf32>, vector<128x128xf32>, vector<640x128xf32> -> vector<640x128xf32>
    %get3A_189 = arith.constant 0 : index
    %get3A_190 = arith.constant 0 : index
    %get3A_191 = vector.load %arg6[%get3A_189, %get3A_190] : memref<1x128xf32, #tpu.memory_space<vmem>>, vector<1x128xf32>
    %add3A_192 = vector.broadcast %get3A_191 : vector<1x128xf32> to vector<640x128xf32>
    %add3A_193 = arith.addf %dot_general3A_188, %add3A_192 : vector<640x128xf32>
    %max3A_194 = arith.constant 0.000000e+00 : f32
    %max3A_195 = vector.broadcast %max3A_194 : f32 to vector<640x128xf32>
    %max3A_196 = arith.maximumf %add3A_193, %max3A_195 : vector<640x128xf32>
    %get3A_197 = arith.constant 0 : index
    %get3A_198 = arith.constant 0 : index
    %get3A_199 = vector.load %arg5[%get3A_197, %get3A_198] : memref<128x128xf32, #tpu.memory_space<vmem>>, vector<128x128xf32>
    %dot_general3A_200 = arith.constant dense<0.000000e+00> : vector<640x128xf32>
    %dot_general3A_201 = tpu.matmul %slice3A_73, %get3A_199, %dot_general3A_200 {dimension_numbers = #tpu.dot_dimension_numbers<[1], [0], [0], [1], [0, 0, 1, 1], [], []>, transpose_lhs_hint = false} : vector<640x128xf32>, vector<128x128xf32>, vector<640x128xf32> -> vector<640x128xf32>
    %get3A_202 = arith.constant 0 : index
    %get3A_203 = arith.constant 0 : index
    %get3A_204 = vector.load %arg6[%get3A_202, %get3A_203] : memref<1x128xf32, #tpu.memory_space<vmem>>, vector<1x128xf32>
    %add3A_205 = vector.broadcast %get3A_204 : vector<1x128xf32> to vector<640x128xf32>
    %add3A_206 = arith.addf %dot_general3A_201, %add3A_205 : vector<640x128xf32>
    %max3A_207 = arith.constant 0.000000e+00 : f32
    %max3A_208 = vector.broadcast %max3A_207 : f32 to vector<640x128xf32>
    %max3A_209 = arith.maximumf %add3A_206, %max3A_208 : vector<640x128xf32>
    %get3A_210 = arith.constant 0 : index
    %get3A_211 = arith.constant 0 : index
    %get3A_212 = vector.load %arg5[%get3A_210, %get3A_211] : memref<128x128xf32, #tpu.memory_space<vmem>>, vector<128x128xf32>
    %dot_general3A_213 = arith.constant dense<0.000000e+00> : vector<640x128xf32>
    %dot_general3A_214 = tpu.matmul %slice3A_74, %get3A_212, %dot_general3A_213 {dimension_numbers = #tpu.dot_dimension_numbers<[1], [0], [0], [1], [0, 0, 1, 1], [], []>, transpose_lhs_hint = false} : vector<640x128xf32>, vector<128x128xf32>, vector<640x128xf32> -> vector<640x128xf32>
    %get3A_215 = arith.constant 0 : index
    %get3A_216 = arith.constant 0 : index
    %get3A_217 = vector.load %arg6[%get3A_215, %get3A_216] : memref<1x128xf32, #tpu.memory_space<vmem>>, vector<1x128xf32>
    %add3A_218 = vector.broadcast %get3A_217 : vector<1x128xf32> to vector<640x128xf32>
    %add3A_219 = arith.addf %dot_general3A_214, %add3A_218 : vector<640x128xf32>
    %max3A_220 = arith.constant 0.000000e+00 : f32
    %max3A_221 = vector.broadcast %max3A_220 : f32 to vector<640x128xf32>
    %max3A_222 = arith.maximumf %add3A_219, %max3A_221 : vector<640x128xf32>
    %get3A_223 = arith.constant 0 : index
    %get3A_224 = arith.constant 0 : index
    %get3A_225 = vector.load %arg5[%get3A_223, %get3A_224] : memref<128x128xf32, #tpu.memory_space<vmem>>, vector<128x128xf32>
    %dot_general3A_226 = arith.constant dense<0.000000e+00> : vector<640x128xf32>
    %dot_general3A_227 = tpu.matmul %slice3A_75, %get3A_225, %dot_general3A_226 {dimension_numbers = #tpu.dot_dimension_numbers<[1], [0], [0], [1], [0, 0, 1, 1], [], []>, transpose_lhs_hint = false} : vector<640x128xf32>, vector<128x128xf32>, vector<640x128xf32> -> vector<640x128xf32>
    %get3A_228 = arith.constant 0 : index
    %get3A_229 = arith.constant 0 : index
    %get3A_230 = vector.load %arg6[%get3A_228, %get3A_229] : memref<1x128xf32, #tpu.memory_space<vmem>>, vector<1x128xf32>
    %add3A_231 = vector.broadcast %get3A_230 : vector<1x128xf32> to vector<640x128xf32>
    %add3A_232 = arith.addf %dot_general3A_227, %add3A_231 : vector<640x128xf32>
    %max3A_233 = arith.constant 0.000000e+00 : f32
    %max3A_234 = vector.broadcast %max3A_233 : f32 to vector<640x128xf32>
    %max3A_235 = arith.maximumf %add3A_232, %max3A_234 : vector<640x128xf32>
    %get3A_236 = arith.constant 0 : index
    %get3A_237 = arith.constant 0 : index
    %get3A_238 = vector.load %arg5[%get3A_236, %get3A_237] : memref<128x128xf32, #tpu.memory_space<vmem>>, vector<128x128xf32>
    %dot_general3A_239 = arith.constant dense<0.000000e+00> : vector<640x128xf32>
    %dot_general3A_240 = tpu.matmul %slice3A_76, %get3A_238, %dot_general3A_239 {dimension_numbers = #tpu.dot_dimension_numbers<[1], [0], [0], [1], [0, 0, 1, 1], [], []>, transpose_lhs_hint = false} : vector<640x128xf32>, vector<128x128xf32>, vector<640x128xf32> -> vector<640x128xf32>
    %get3A_241 = arith.constant 0 : index
    %get3A_242 = arith.constant 0 : index
    %get3A_243 = vector.load %arg6[%get3A_241, %get3A_242] : memref<1x128xf32, #tpu.memory_space<vmem>>, vector<1x128xf32>
    %add3A_244 = vector.broadcast %get3A_243 : vector<1x128xf32> to vector<640x128xf32>
    %add3A_245 = arith.addf %dot_general3A_240, %add3A_244 : vector<640x128xf32>
    %max3A_246 = arith.constant 0.000000e+00 : f32
    %max3A_247 = vector.broadcast %max3A_246 : f32 to vector<640x128xf32>
    %max3A_248 = arith.maximumf %add3A_245, %max3A_247 : vector<640x128xf32>
    %get3A_249 = arith.constant 0 : index
    %get3A_250 = arith.constant 0 : index
    %get3A_251 = vector.load %arg5[%get3A_249, %get3A_250] : memref<128x128xf32, #tpu.memory_space<vmem>>, vector<128x128xf32>
    %dot_general3A_252 = arith.constant dense<0.000000e+00> : vector<640x128xf32>
    %dot_general3A_253 = tpu.matmul %slice3A_77, %get3A_251, %dot_general3A_252 {dimension_numbers = #tpu.dot_dimension_numbers<[1], [0], [0], [1], [0, 0, 1, 1], [], []>, transpose_lhs_hint = false} : vector<640x128xf32>, vector<128x128xf32>, vector<640x128xf32> -> vector<640x128xf32>
    %get3A_254 = arith.constant 0 : index
    %get3A_255 = arith.constant 0 : index
    %get3A_256 = vector.load %arg6[%get3A_254, %get3A_255] : memref<1x128xf32, #tpu.memory_space<vmem>>, vector<1x128xf32>
    %add3A_257 = vector.broadcast %get3A_256 : vector<1x128xf32> to vector<640x128xf32>
    %add3A_258 = arith.addf %dot_general3A_253, %add3A_257 : vector<640x128xf32>
    %max3A_259 = arith.constant 0.000000e+00 : f32
    %max3A_260 = vector.broadcast %max3A_259 : f32 to vector<640x128xf32>
    %max3A_261 = arith.maximumf %add3A_258, %max3A_260 : vector<640x128xf32>
    %get3A_262 = arith.constant 0 : index
    %get3A_263 = arith.constant 0 : index
    %get3A_264 = vector.load %arg5[%get3A_262, %get3A_263] : memref<128x128xf32, #tpu.memory_space<vmem>>, vector<128x128xf32>
    %dot_general3A_265 = arith.constant dense<0.000000e+00> : vector<640x128xf32>
    %dot_general3A_266 = tpu.matmul %slice3A_78, %get3A_264, %dot_general3A_265 {dimension_numbers = #tpu.dot_dimension_numbers<[1], [0], [0], [1], [0, 0, 1, 1], [], []>, transpose_lhs_hint = false} : vector<640x128xf32>, vector<128x128xf32>, vector<640x128xf32> -> vector<640x128xf32>
    %get3A_267 = arith.constant 0 : index
    %get3A_268 = arith.constant 0 : index
    %get3A_269 = vector.load %arg6[%get3A_267, %get3A_268] : memref<1x128xf32, #tpu.memory_space<vmem>>, vector<1x128xf32>
    %add3A_270 = vector.broadcast %get3A_269 : vector<1x128xf32> to vector<640x128xf32>
    %add3A_271 = arith.addf %dot_general3A_266, %add3A_270 : vector<640x128xf32>
    %max3A_272 = arith.constant 0.000000e+00 : f32
    %max3A_273 = vector.broadcast %max3A_272 : f32 to vector<640x128xf32>
    %max3A_274 = arith.maximumf %add3A_271, %max3A_273 : vector<640x128xf32>
    %get3A_275 = arith.constant 0 : index
    %get3A_276 = arith.constant 0 : index
    %get3A_277 = vector.load %arg5[%get3A_275, %get3A_276] : memref<128x128xf32, #tpu.memory_space<vmem>>, vector<128x128xf32>
    %dot_general3A_278 = arith.constant dense<0.000000e+00> : vector<640x128xf32>
    %dot_general3A_279 = tpu.matmul %slice3A_79, %get3A_277, %dot_general3A_278 {dimension_numbers = #tpu.dot_dimension_numbers<[1], [0], [0], [1], [0, 0, 1, 1], [], []>, transpose_lhs_hint = false} : vector<640x128xf32>, vector<128x128xf32>, vector<640x128xf32> -> vector<640x128xf32>
    %get3A_280 = arith.constant 0 : index
    %get3A_281 = arith.constant 0 : index
    %get3A_282 = vector.load %arg6[%get3A_280, %get3A_281] : memref<1x128xf32, #tpu.memory_space<vmem>>, vector<1x128xf32>
    %add3A_283 = vector.broadcast %get3A_282 : vector<1x128xf32> to vector<640x128xf32>
    %add3A_284 = arith.addf %dot_general3A_279, %add3A_283 : vector<640x128xf32>
    %max3A_285 = arith.constant 0.000000e+00 : f32
    %max3A_286 = vector.broadcast %max3A_285 : f32 to vector<640x128xf32>
    %max3A_287 = arith.maximumf %add3A_284, %max3A_286 : vector<640x128xf32>
    %get3A_288 = arith.constant 0 : index
    %get3A_289 = arith.constant 0 : index
    %get3A_290 = vector.load %arg7[%get3A_288, %get3A_289] : memref<128x128xf32, #tpu.memory_space<vmem>>, vector<128x128xf32>
    %dot_general3A_291 = arith.constant dense<0.000000e+00> : vector<640x128xf32>
    %dot_general3A_292 = tpu.matmul %max3A_92, %get3A_290, %dot_general3A_291 {dimension_numbers = #tpu.dot_dimension_numbers<[1], [0], [0], [1], [0, 0, 1, 1], [], []>, transpose_lhs_hint = false} : vector<640x128xf32>, vector<128x128xf32>, vector<640x128xf32> -> vector<640x128xf32>
    %get3A_293 = arith.constant 0 : index
    %get3A_294 = arith.constant 0 : index
    %get3A_295 = vector.load %arg8[%get3A_293, %get3A_294] : memref<1x128xf32, #tpu.memory_space<vmem>>, vector<1x128xf32>
    %add3A_296 = vector.broadcast %get3A_295 : vector<1x128xf32> to vector<640x128xf32>
    %add3A_297 = arith.addf %dot_general3A_292, %add3A_296 : vector<640x128xf32>
    %get3A_298 = arith.constant 0 : index
    %get3A_299 = arith.constant 0 : index
    %get3A_300 = vector.load %arg7[%get3A_298, %get3A_299] : memref<128x128xf32, #tpu.memory_space<vmem>>, vector<128x128xf32>
    %dot_general3A_301 = arith.constant dense<0.000000e+00> : vector<640x128xf32>
    %dot_general3A_302 = tpu.matmul %max3A_105, %get3A_300, %dot_general3A_301 {dimension_numbers = #tpu.dot_dimension_numbers<[1], [0], [0], [1], [0, 0, 1, 1], [], []>, transpose_lhs_hint = false} : vector<640x128xf32>, vector<128x128xf32>, vector<640x128xf32> -> vector<640x128xf32>
    %get3A_303 = arith.constant 0 : index
    %get3A_304 = arith.constant 0 : index
    %get3A_305 = vector.load %arg8[%get3A_303, %get3A_304] : memref<1x128xf32, #tpu.memory_space<vmem>>, vector<1x128xf32>
    %add3A_306 = vector.broadcast %get3A_305 : vector<1x128xf32> to vector<640x128xf32>
    %add3A_307 = arith.addf %dot_general3A_302, %add3A_306 : vector<640x128xf32>
    %get3A_308 = arith.constant 0 : index
    %get3A_309 = arith.constant 0 : index
    %get3A_310 = vector.load %arg7[%get3A_308, %get3A_309] : memref<128x128xf32, #tpu.memory_space<vmem>>, vector<128x128xf32>
    %dot_general3A_311 = arith.constant dense<0.000000e+00> : vector<640x128xf32>
    %dot_general3A_312 = tpu.matmul %max3A_118, %get3A_310, %dot_general3A_311 {dimension_numbers = #tpu.dot_dimension_numbers<[1], [0], [0], [1], [0, 0, 1, 1], [], []>, transpose_lhs_hint = false} : vector<640x128xf32>, vector<128x128xf32>, vector<640x128xf32> -> vector<640x128xf32>
    %get3A_313 = arith.constant 0 : index
    %get3A_314 = arith.constant 0 : index
    %get3A_315 = vector.load %arg8[%get3A_313, %get3A_314] : memref<1x128xf32, #tpu.memory_space<vmem>>, vector<1x128xf32>
    %add3A_316 = vector.broadcast %get3A_315 : vector<1x128xf32> to vector<640x128xf32>
    %add3A_317 = arith.addf %dot_general3A_312, %add3A_316 : vector<640x128xf32>
    %get3A_318 = arith.constant 0 : index
    %get3A_319 = arith.constant 0 : index
    %get3A_320 = vector.load %arg7[%get3A_318, %get3A_319] : memref<128x128xf32, #tpu.memory_space<vmem>>, vector<128x128xf32>
    %dot_general3A_321 = arith.constant dense<0.000000e+00> : vector<640x128xf32>
    %dot_general3A_322 = tpu.matmul %max3A_131, %get3A_320, %dot_general3A_321 {dimension_numbers = #tpu.dot_dimension_numbers<[1], [0], [0], [1], [0, 0, 1, 1], [], []>, transpose_lhs_hint = false} : vector<640x128xf32>, vector<128x128xf32>, vector<640x128xf32> -> vector<640x128xf32>
    %get3A_323 = arith.constant 0 : index
    %get3A_324 = arith.constant 0 : index
    %get3A_325 = vector.load %arg8[%get3A_323, %get3A_324] : memref<1x128xf32, #tpu.memory_space<vmem>>, vector<1x128xf32>
    %add3A_326 = vector.broadcast %get3A_325 : vector<1x128xf32> to vector<640x128xf32>
    %add3A_327 = arith.addf %dot_general3A_322, %add3A_326 : vector<640x128xf32>
    %get3A_328 = arith.constant 0 : index
    %get3A_329 = arith.constant 0 : index
    %get3A_330 = vector.load %arg7[%get3A_328, %get3A_329] : memref<128x128xf32, #tpu.memory_space<vmem>>, vector<128x128xf32>
    %dot_general3A_331 = arith.constant dense<0.000000e+00> : vector<640x128xf32>
    %dot_general3A_332 = tpu.matmul %max3A_144, %get3A_330, %dot_general3A_331 {dimension_numbers = #tpu.dot_dimension_numbers<[1], [0], [0], [1], [0, 0, 1, 1], [], []>, transpose_lhs_hint = false} : vector<640x128xf32>, vector<128x128xf32>, vector<640x128xf32> -> vector<640x128xf32>
    %get3A_333 = arith.constant 0 : index
    %get3A_334 = arith.constant 0 : index
    %get3A_335 = vector.load %arg8[%get3A_333, %get3A_334] : memref<1x128xf32, #tpu.memory_space<vmem>>, vector<1x128xf32>
    %add3A_336 = vector.broadcast %get3A_335 : vector<1x128xf32> to vector<640x128xf32>
    %add3A_337 = arith.addf %dot_general3A_332, %add3A_336 : vector<640x128xf32>
    %get3A_338 = arith.constant 0 : index
    %get3A_339 = arith.constant 0 : index
    %get3A_340 = vector.load %arg7[%get3A_338, %get3A_339] : memref<128x128xf32, #tpu.memory_space<vmem>>, vector<128x128xf32>
    %dot_general3A_341 = arith.constant dense<0.000000e+00> : vector<640x128xf32>
    %dot_general3A_342 = tpu.matmul %max3A_157, %get3A_340, %dot_general3A_341 {dimension_numbers = #tpu.dot_dimension_numbers<[1], [0], [0], [1], [0, 0, 1, 1], [], []>, transpose_lhs_hint = false} : vector<640x128xf32>, vector<128x128xf32>, vector<640x128xf32> -> vector<640x128xf32>
    %get3A_343 = arith.constant 0 : index
    %get3A_344 = arith.constant 0 : index
    %get3A_345 = vector.load %arg8[%get3A_343, %get3A_344] : memref<1x128xf32, #tpu.memory_space<vmem>>, vector<1x128xf32>
    %add3A_346 = vector.broadcast %get3A_345 : vector<1x128xf32> to vector<640x128xf32>
    %add3A_347 = arith.addf %dot_general3A_342, %add3A_346 : vector<640x128xf32>
    %get3A_348 = arith.constant 0 : index
    %get3A_349 = arith.constant 0 : index
    %get3A_350 = vector.load %arg7[%get3A_348, %get3A_349] : memref<128x128xf32, #tpu.memory_space<vmem>>, vector<128x128xf32>
    %dot_general3A_351 = arith.constant dense<0.000000e+00> : vector<640x128xf32>
    %dot_general3A_352 = tpu.matmul %max3A_170, %get3A_350, %dot_general3A_351 {dimension_numbers = #tpu.dot_dimension_numbers<[1], [0], [0], [1], [0, 0, 1, 1], [], []>, transpose_lhs_hint = false} : vector<640x128xf32>, vector<128x128xf32>, vector<640x128xf32> -> vector<640x128xf32>
    %get3A_353 = arith.constant 0 : index
    %get3A_354 = arith.constant 0 : index
    %get3A_355 = vector.load %arg8[%get3A_353, %get3A_354] : memref<1x128xf32, #tpu.memory_space<vmem>>, vector<1x128xf32>
    %add3A_356 = vector.broadcast %get3A_355 : vector<1x128xf32> to vector<640x128xf32>
    %add3A_357 = arith.addf %dot_general3A_352, %add3A_356 : vector<640x128xf32>
    %get3A_358 = arith.constant 0 : index
    %get3A_359 = arith.constant 0 : index
    %get3A_360 = vector.load %arg7[%get3A_358, %get3A_359] : memref<128x128xf32, #tpu.memory_space<vmem>>, vector<128x128xf32>
    %dot_general3A_361 = arith.constant dense<0.000000e+00> : vector<640x128xf32>
    %dot_general3A_362 = tpu.matmul %max3A_183, %get3A_360, %dot_general3A_361 {dimension_numbers = #tpu.dot_dimension_numbers<[1], [0], [0], [1], [0, 0, 1, 1], [], []>, transpose_lhs_hint = false} : vector<640x128xf32>, vector<128x128xf32>, vector<640x128xf32> -> vector<640x128xf32>
    %get3A_363 = arith.constant 0 : index
    %get3A_364 = arith.constant 0 : index
    %get3A_365 = vector.load %arg8[%get3A_363, %get3A_364] : memref<1x128xf32, #tpu.memory_space<vmem>>, vector<1x128xf32>
    %add3A_366 = vector.broadcast %get3A_365 : vector<1x128xf32> to vector<640x128xf32>
    %add3A_367 = arith.addf %dot_general3A_362, %add3A_366 : vector<640x128xf32>
    %get3A_368 = arith.constant 0 : index
    %get3A_369 = arith.constant 0 : index
    %get3A_370 = vector.load %arg7[%get3A_368, %get3A_369] : memref<128x128xf32, #tpu.memory_space<vmem>>, vector<128x128xf32>
    %dot_general3A_371 = arith.constant dense<0.000000e+00> : vector<640x128xf32>
    %dot_general3A_372 = tpu.matmul %max3A_196, %get3A_370, %dot_general3A_371 {dimension_numbers = #tpu.dot_dimension_numbers<[1], [0], [0], [1], [0, 0, 1, 1], [], []>, transpose_lhs_hint = false} : vector<640x128xf32>, vector<128x128xf32>, vector<640x128xf32> -> vector<640x128xf32>
    %get3A_373 = arith.constant 0 : index
    %get3A_374 = arith.constant 0 : index
    %get3A_375 = vector.load %arg8[%get3A_373, %get3A_374] : memref<1x128xf32, #tpu.memory_space<vmem>>, vector<1x128xf32>
    %add3A_376 = vector.broadcast %get3A_375 : vector<1x128xf32> to vector<640x128xf32>
    %add3A_377 = arith.addf %dot_general3A_372, %add3A_376 : vector<640x128xf32>
    %get3A_378 = arith.constant 0 : index
    %get3A_379 = arith.constant 0 : index
    %get3A_380 = vector.load %arg7[%get3A_378, %get3A_379] : memref<128x128xf32, #tpu.memory_space<vmem>>, vector<128x128xf32>
    %dot_general3A_381 = arith.constant dense<0.000000e+00> : vector<640x128xf32>
    %dot_general3A_382 = tpu.matmul %max3A_209, %get3A_380, %dot_general3A_381 {dimension_numbers = #tpu.dot_dimension_numbers<[1], [0], [0], [1], [0, 0, 1, 1], [], []>, transpose_lhs_hint = false} : vector<640x128xf32>, vector<128x128xf32>, vector<640x128xf32> -> vector<640x128xf32>
    %get3A_383 = arith.constant 0 : index
    %get3A_384 = arith.constant 0 : index
    %get3A_385 = vector.load %arg8[%get3A_383, %get3A_384] : memref<1x128xf32, #tpu.memory_space<vmem>>, vector<1x128xf32>
    %add3A_386 = vector.broadcast %get3A_385 : vector<1x128xf32> to vector<640x128xf32>
    %add3A_387 = arith.addf %dot_general3A_382, %add3A_386 : vector<640x128xf32>
    %get3A_388 = arith.constant 0 : index
    %get3A_389 = arith.constant 0 : index
    %get3A_390 = vector.load %arg7[%get3A_388, %get3A_389] : memref<128x128xf32, #tpu.memory_space<vmem>>, vector<128x128xf32>
    %dot_general3A_391 = arith.constant dense<0.000000e+00> : vector<640x128xf32>
    %dot_general3A_392 = tpu.matmul %max3A_222, %get3A_390, %dot_general3A_391 {dimension_numbers = #tpu.dot_dimension_numbers<[1], [0], [0], [1], [0, 0, 1, 1], [], []>, transpose_lhs_hint = false} : vector<640x128xf32>, vector<128x128xf32>, vector<640x128xf32> -> vector<640x128xf32>
    %get3A_393 = arith.constant 0 : index
    %get3A_394 = arith.constant 0 : index
    %get3A_395 = vector.load %arg8[%get3A_393, %get3A_394] : memref<1x128xf32, #tpu.memory_space<vmem>>, vector<1x128xf32>
    %add3A_396 = vector.broadcast %get3A_395 : vector<1x128xf32> to vector<640x128xf32>
    %add3A_397 = arith.addf %dot_general3A_392, %add3A_396 : vector<640x128xf32>
    %get3A_398 = arith.constant 0 : index
    %get3A_399 = arith.constant 0 : index
    %get3A_400 = vector.load %arg7[%get3A_398, %get3A_399] : memref<128x128xf32, #tpu.memory_space<vmem>>, vector<128x128xf32>
    %dot_general3A_401 = arith.constant dense<0.000000e+00> : vector<640x128xf32>
    %dot_general3A_402 = tpu.matmul %max3A_235, %get3A_400, %dot_general3A_401 {dimension_numbers = #tpu.dot_dimension_numbers<[1], [0], [0], [1], [0, 0, 1, 1], [], []>, transpose_lhs_hint = false} : vector<640x128xf32>, vector<128x128xf32>, vector<640x128xf32> -> vector<640x128xf32>
    %get3A_403 = arith.constant 0 : index
    %get3A_404 = arith.constant 0 : index
    %get3A_405 = vector.load %arg8[%get3A_403, %get3A_404] : memref<1x128xf32, #tpu.memory_space<vmem>>, vector<1x128xf32>
    %add3A_406 = vector.broadcast %get3A_405 : vector<1x128xf32> to vector<640x128xf32>
    %add3A_407 = arith.addf %dot_general3A_402, %add3A_406 : vector<640x128xf32>
    %get3A_408 = arith.constant 0 : index
    %get3A_409 = arith.constant 0 : index
    %get3A_410 = vector.load %arg7[%get3A_408, %get3A_409] : memref<128x128xf32, #tpu.memory_space<vmem>>, vector<128x128xf32>
    %dot_general3A_411 = arith.constant dense<0.000000e+00> : vector<640x128xf32>
    %dot_general3A_412 = tpu.matmul %max3A_248, %get3A_410, %dot_general3A_411 {dimension_numbers = #tpu.dot_dimension_numbers<[1], [0], [0], [1], [0, 0, 1, 1], [], []>, transpose_lhs_hint = false} : vector<640x128xf32>, vector<128x128xf32>, vector<640x128xf32> -> vector<640x128xf32>
    %get3A_413 = arith.constant 0 : index
    %get3A_414 = arith.constant 0 : index
    %get3A_415 = vector.load %arg8[%get3A_413, %get3A_414] : memref<1x128xf32, #tpu.memory_space<vmem>>, vector<1x128xf32>
    %add3A_416 = vector.broadcast %get3A_415 : vector<1x128xf32> to vector<640x128xf32>
    %add3A_417 = arith.addf %dot_general3A_412, %add3A_416 : vector<640x128xf32>
    %get3A_418 = arith.constant 0 : index
    %get3A_419 = arith.constant 0 : index
    %get3A_420 = vector.load %arg7[%get3A_418, %get3A_419] : memref<128x128xf32, #tpu.memory_space<vmem>>, vector<128x128xf32>
    %dot_general3A_421 = arith.constant dense<0.000000e+00> : vector<640x128xf32>
    %dot_general3A_422 = tpu.matmul %max3A_261, %get3A_420, %dot_general3A_421 {dimension_numbers = #tpu.dot_dimension_numbers<[1], [0], [0], [1], [0, 0, 1, 1], [], []>, transpose_lhs_hint = false} : vector<640x128xf32>, vector<128x128xf32>, vector<640x128xf32> -> vector<640x128xf32>
    %get3A_423 = arith.constant 0 : index
    %get3A_424 = arith.constant 0 : index
    %get3A_425 = vector.load %arg8[%get3A_423, %get3A_424] : memref<1x128xf32, #tpu.memory_space<vmem>>, vector<1x128xf32>
    %add3A_426 = vector.broadcast %get3A_425 : vector<1x128xf32> to vector<640x128xf32>
    %add3A_427 = arith.addf %dot_general3A_422, %add3A_426 : vector<640x128xf32>
    %get3A_428 = arith.constant 0 : index
    %get3A_429 = arith.constant 0 : index
    %get3A_430 = vector.load %arg7[%get3A_428, %get3A_429] : memref<128x128xf32, #tpu.memory_space<vmem>>, vector<128x128xf32>
    %dot_general3A_431 = arith.constant dense<0.000000e+00> : vector<640x128xf32>
    %dot_general3A_432 = tpu.matmul %max3A_274, %get3A_430, %dot_general3A_431 {dimension_numbers = #tpu.dot_dimension_numbers<[1], [0], [0], [1], [0, 0, 1, 1], [], []>, transpose_lhs_hint = false} : vector<640x128xf32>, vector<128x128xf32>, vector<640x128xf32> -> vector<640x128xf32>
    %get3A_433 = arith.constant 0 : index
    %get3A_434 = arith.constant 0 : index
    %get3A_435 = vector.load %arg8[%get3A_433, %get3A_434] : memref<1x128xf32, #tpu.memory_space<vmem>>, vector<1x128xf32>
    %add3A_436 = vector.broadcast %get3A_435 : vector<1x128xf32> to vector<640x128xf32>
    %add3A_437 = arith.addf %dot_general3A_432, %add3A_436 : vector<640x128xf32>
    %get3A_438 = arith.constant 0 : index
    %get3A_439 = arith.constant 0 : index
    %get3A_440 = vector.load %arg7[%get3A_438, %get3A_439] : memref<128x128xf32, #tpu.memory_space<vmem>>, vector<128x128xf32>
    %dot_general3A_441 = arith.constant dense<0.000000e+00> : vector<640x128xf32>
    %dot_general3A_442 = tpu.matmul %max3A_287, %get3A_440, %dot_general3A_441 {dimension_numbers = #tpu.dot_dimension_numbers<[1], [0], [0], [1], [0, 0, 1, 1], [], []>, transpose_lhs_hint = false} : vector<640x128xf32>, vector<128x128xf32>, vector<640x128xf32> -> vector<640x128xf32>
    %get3A_443 = arith.constant 0 : index
    %get3A_444 = arith.constant 0 : index
    %get3A_445 = vector.load %arg8[%get3A_443, %get3A_444] : memref<1x128xf32, #tpu.memory_space<vmem>>, vector<1x128xf32>
    %add3A_446 = vector.broadcast %get3A_445 : vector<1x128xf32> to vector<640x128xf32>
    %add3A_447 = arith.addf %dot_general3A_442, %add3A_446 : vector<640x128xf32>
    %get3A_448 = arith.constant 0 : index
    %get3A_449 = arith.constant 0 : index
    %get3A_450 = vector.load %arg9[%get3A_448, %get3A_449] : memref<128x128xf32, #tpu.memory_space<vmem>>, vector<128x128xf32>
    %get3A_451 = arith.constant 0 : index
    %get3A_452 = arith.constant 0 : index
    %get3A_453 = vector.load %arg10[%get3A_451, %get3A_452] : memref<128x128xf32, #tpu.memory_space<vmem>>, vector<128x128xf32>
    %concatenate3A_454 = tpu.concatenate %get3A_450, %get3A_453 in 1 : vector<128x128xf32>, vector<128x128xf32> -> vector<128x256xf32>
    %concatenate3A_455 = tpu.concatenate %add3A_297, %add3A_307 in 0 : vector<640x128xf32>, vector<640x128xf32> -> vector<1280x128xf32>
    %dot_general3A_456 = arith.constant dense<0.000000e+00> : vector<1280x256xf32>
    %dot_general3A_457 = tpu.matmul %concatenate3A_455, %concatenate3A_454, %dot_general3A_456 {dimension_numbers = #tpu.dot_dimension_numbers<[1], [0], [0], [1], [0, 0, 1, 1], [], []>, transpose_lhs_hint = false} : vector<1280x128xf32>, vector<128x256xf32>, vector<1280x256xf32> -> vector<1280x256xf32>
    %slice3A_458 = vector.extract_strided_slice %dot_general3A_457 {offsets = [0, 0], sizes = [640, 256], strides = [1, 1]} : vector<1280x256xf32> to vector<640x256xf32>
    %slice3A_459 = vector.extract_strided_slice %dot_general3A_457 {offsets = [640, 0], sizes = [640, 256], strides = [1, 1]} : vector<1280x256xf32> to vector<640x256xf32>
    %concatenate3A_460 = tpu.concatenate %add3A_317, %add3A_327 in 0 : vector<640x128xf32>, vector<640x128xf32> -> vector<1280x128xf32>
    %dot_general3A_461 = arith.constant dense<0.000000e+00> : vector<1280x256xf32>
    %dot_general3A_462 = tpu.matmul %concatenate3A_460, %concatenate3A_454, %dot_general3A_461 {dimension_numbers = #tpu.dot_dimension_numbers<[1], [0], [0], [1], [0, 0, 1, 1], [], []>, transpose_lhs_hint = false} : vector<1280x128xf32>, vector<128x256xf32>, vector<1280x256xf32> -> vector<1280x256xf32>
    %slice3A_463 = vector.extract_strided_slice %dot_general3A_462 {offsets = [0, 0], sizes = [640, 256], strides = [1, 1]} : vector<1280x256xf32> to vector<640x256xf32>
    %slice3A_464 = vector.extract_strided_slice %dot_general3A_462 {offsets = [640, 0], sizes = [640, 256], strides = [1, 1]} : vector<1280x256xf32> to vector<640x256xf32>
    %concatenate3A_465 = tpu.concatenate %add3A_337, %add3A_347 in 0 : vector<640x128xf32>, vector<640x128xf32> -> vector<1280x128xf32>
    %dot_general3A_466 = arith.constant dense<0.000000e+00> : vector<1280x256xf32>
    %dot_general3A_467 = tpu.matmul %concatenate3A_465, %concatenate3A_454, %dot_general3A_466 {dimension_numbers = #tpu.dot_dimension_numbers<[1], [0], [0], [1], [0, 0, 1, 1], [], []>, transpose_lhs_hint = false} : vector<1280x128xf32>, vector<128x256xf32>, vector<1280x256xf32> -> vector<1280x256xf32>
    %slice3A_468 = vector.extract_strided_slice %dot_general3A_467 {offsets = [0, 0], sizes = [640, 256], strides = [1, 1]} : vector<1280x256xf32> to vector<640x256xf32>
    %slice3A_469 = vector.extract_strided_slice %dot_general3A_467 {offsets = [640, 0], sizes = [640, 256], strides = [1, 1]} : vector<1280x256xf32> to vector<640x256xf32>
    %concatenate3A_470 = tpu.concatenate %add3A_357, %add3A_367 in 0 : vector<640x128xf32>, vector<640x128xf32> -> vector<1280x128xf32>
    %dot_general3A_471 = arith.constant dense<0.000000e+00> : vector<1280x256xf32>
    %dot_general3A_472 = tpu.matmul %concatenate3A_470, %concatenate3A_454, %dot_general3A_471 {dimension_numbers = #tpu.dot_dimension_numbers<[1], [0], [0], [1], [0, 0, 1, 1], [], []>, transpose_lhs_hint = false} : vector<1280x128xf32>, vector<128x256xf32>, vector<1280x256xf32> -> vector<1280x256xf32>
    %slice3A_473 = vector.extract_strided_slice %dot_general3A_472 {offsets = [0, 0], sizes = [640, 256], strides = [1, 1]} : vector<1280x256xf32> to vector<640x256xf32>
    %slice3A_474 = vector.extract_strided_slice %dot_general3A_472 {offsets = [640, 0], sizes = [640, 256], strides = [1, 1]} : vector<1280x256xf32> to vector<640x256xf32>
    %concatenate3A_475 = tpu.concatenate %add3A_377, %add3A_387 in 0 : vector<640x128xf32>, vector<640x128xf32> -> vector<1280x128xf32>
    %dot_general3A_476 = arith.constant dense<0.000000e+00> : vector<1280x256xf32>
    %dot_general3A_477 = tpu.matmul %concatenate3A_475, %concatenate3A_454, %dot_general3A_476 {dimension_numbers = #tpu.dot_dimension_numbers<[1], [0], [0], [1], [0, 0, 1, 1], [], []>, transpose_lhs_hint = false} : vector<1280x128xf32>, vector<128x256xf32>, vector<1280x256xf32> -> vector<1280x256xf32>
    %slice3A_478 = vector.extract_strided_slice %dot_general3A_477 {offsets = [0, 0], sizes = [640, 256], strides = [1, 1]} : vector<1280x256xf32> to vector<640x256xf32>
    %slice3A_479 = vector.extract_strided_slice %dot_general3A_477 {offsets = [640, 0], sizes = [640, 256], strides = [1, 1]} : vector<1280x256xf32> to vector<640x256xf32>
    %concatenate3A_480 = tpu.concatenate %add3A_397, %add3A_407 in 0 : vector<640x128xf32>, vector<640x128xf32> -> vector<1280x128xf32>
    %dot_general3A_481 = arith.constant dense<0.000000e+00> : vector<1280x256xf32>
    %dot_general3A_482 = tpu.matmul %concatenate3A_480, %concatenate3A_454, %dot_general3A_481 {dimension_numbers = #tpu.dot_dimension_numbers<[1], [0], [0], [1], [0, 0, 1, 1], [], []>, transpose_lhs_hint = false} : vector<1280x128xf32>, vector<128x256xf32>, vector<1280x256xf32> -> vector<1280x256xf32>
    %slice3A_483 = vector.extract_strided_slice %dot_general3A_482 {offsets = [0, 0], sizes = [640, 256], strides = [1, 1]} : vector<1280x256xf32> to vector<640x256xf32>
    %slice3A_484 = vector.extract_strided_slice %dot_general3A_482 {offsets = [640, 0], sizes = [640, 256], strides = [1, 1]} : vector<1280x256xf32> to vector<640x256xf32>
    %concatenate3A_485 = tpu.concatenate %add3A_417, %add3A_427 in 0 : vector<640x128xf32>, vector<640x128xf32> -> vector<1280x128xf32>
    %dot_general3A_486 = arith.constant dense<0.000000e+00> : vector<1280x256xf32>
    %dot_general3A_487 = tpu.matmul %concatenate3A_485, %concatenate3A_454, %dot_general3A_486 {dimension_numbers = #tpu.dot_dimension_numbers<[1], [0], [0], [1], [0, 0, 1, 1], [], []>, transpose_lhs_hint = false} : vector<1280x128xf32>, vector<128x256xf32>, vector<1280x256xf32> -> vector<1280x256xf32>
    %slice3A_488 = vector.extract_strided_slice %dot_general3A_487 {offsets = [0, 0], sizes = [640, 256], strides = [1, 1]} : vector<1280x256xf32> to vector<640x256xf32>
    %slice3A_489 = vector.extract_strided_slice %dot_general3A_487 {offsets = [640, 0], sizes = [640, 256], strides = [1, 1]} : vector<1280x256xf32> to vector<640x256xf32>
    %concatenate3A_490 = tpu.concatenate %add3A_437, %add3A_447 in 0 : vector<640x128xf32>, vector<640x128xf32> -> vector<1280x128xf32>
    %dot_general3A_491 = arith.constant dense<0.000000e+00> : vector<1280x256xf32>
    %dot_general3A_492 = tpu.matmul %concatenate3A_490, %concatenate3A_454, %dot_general3A_491 {dimension_numbers = #tpu.dot_dimension_numbers<[1], [0], [0], [1], [0, 0, 1, 1], [], []>, transpose_lhs_hint = false} : vector<1280x128xf32>, vector<128x256xf32>, vector<1280x256xf32> -> vector<1280x256xf32>
    %slice3A_493 = vector.extract_strided_slice %dot_general3A_492 {offsets = [0, 0], sizes = [640, 256], strides = [1, 1]} : vector<1280x256xf32> to vector<640x256xf32>
    %slice3A_494 = vector.extract_strided_slice %dot_general3A_492 {offsets = [640, 0], sizes = [640, 256], strides = [1, 1]} : vector<1280x256xf32> to vector<640x256xf32>
    %slice3A_495 = vector.extract_strided_slice %slice3A_458 {offsets = [0, 128], sizes = [640, 128], strides = [1, 1]} : vector<640x256xf32> to vector<640x128xf32>
    %slice3A_496 = vector.extract_strided_slice %slice3A_459 {offsets = [0, 128], sizes = [640, 128], strides = [1, 1]} : vector<640x256xf32> to vector<640x128xf32>
    %concatenate3A_497 = tpu.concatenate %slice3A_495, %slice3A_496 in 1 : vector<640x128xf32>, vector<640x128xf32> -> vector<640x256xf32>
    %dot_general3A_498 = arith.constant dense<0.000000e+00> : vector<640x256xf32>
    %dot_general3A_499 = tpu.matmul %get3A_1, %concatenate3A_497, %dot_general3A_498 {dimension_numbers = #tpu.dot_dimension_numbers<[1], [0], [0], [1], [0, 0, 1, 1], [], []>, transpose_lhs_hint = false} : vector<640x640xf32>, vector<640x256xf32>, vector<640x256xf32> -> vector<640x256xf32>
    %slice3A_500 = vector.extract_strided_slice %dot_general3A_499 {offsets = [0, 0], sizes = [640, 128], strides = [1, 1]} : vector<640x256xf32> to vector<640x128xf32>
    %slice3A_501 = vector.extract_strided_slice %dot_general3A_499 {offsets = [0, 128], sizes = [640, 128], strides = [1, 1]} : vector<640x256xf32> to vector<640x128xf32>
    %slice3A_502 = vector.extract_strided_slice %slice3A_463 {offsets = [0, 128], sizes = [640, 128], strides = [1, 1]} : vector<640x256xf32> to vector<640x128xf32>
    %slice3A_503 = vector.extract_strided_slice %slice3A_464 {offsets = [0, 128], sizes = [640, 128], strides = [1, 1]} : vector<640x256xf32> to vector<640x128xf32>
    %concatenate3A_504 = tpu.concatenate %slice3A_502, %slice3A_503 in 1 : vector<640x128xf32>, vector<640x128xf32> -> vector<640x256xf32>
    %dot_general3A_505 = arith.constant dense<0.000000e+00> : vector<640x256xf32>
    %dot_general3A_506 = tpu.matmul %get3A_1, %concatenate3A_504, %dot_general3A_505 {dimension_numbers = #tpu.dot_dimension_numbers<[1], [0], [0], [1], [0, 0, 1, 1], [], []>, transpose_lhs_hint = false} : vector<640x640xf32>, vector<640x256xf32>, vector<640x256xf32> -> vector<640x256xf32>
    %slice3A_507 = vector.extract_strided_slice %dot_general3A_506 {offsets = [0, 0], sizes = [640, 128], strides = [1, 1]} : vector<640x256xf32> to vector<640x128xf32>
    %slice3A_508 = vector.extract_strided_slice %dot_general3A_506 {offsets = [0, 128], sizes = [640, 128], strides = [1, 1]} : vector<640x256xf32> to vector<640x128xf32>
    %slice3A_509 = vector.extract_strided_slice %slice3A_468 {offsets = [0, 128], sizes = [640, 128], strides = [1, 1]} : vector<640x256xf32> to vector<640x128xf32>
    %slice3A_510 = vector.extract_strided_slice %slice3A_469 {offsets = [0, 128], sizes = [640, 128], strides = [1, 1]} : vector<640x256xf32> to vector<640x128xf32>
    %concatenate3A_511 = tpu.concatenate %slice3A_509, %slice3A_510 in 1 : vector<640x128xf32>, vector<640x128xf32> -> vector<640x256xf32>
    %dot_general3A_512 = arith.constant dense<0.000000e+00> : vector<640x256xf32>
    %dot_general3A_513 = tpu.matmul %get3A_1, %concatenate3A_511, %dot_general3A_512 {dimension_numbers = #tpu.dot_dimension_numbers<[1], [0], [0], [1], [0, 0, 1, 1], [], []>, transpose_lhs_hint = false} : vector<640x640xf32>, vector<640x256xf32>, vector<640x256xf32> -> vector<640x256xf32>
    %slice3A_514 = vector.extract_strided_slice %dot_general3A_513 {offsets = [0, 0], sizes = [640, 128], strides = [1, 1]} : vector<640x256xf32> to vector<640x128xf32>
    %slice3A_515 = vector.extract_strided_slice %dot_general3A_513 {offsets = [0, 128], sizes = [640, 128], strides = [1, 1]} : vector<640x256xf32> to vector<640x128xf32>
    %slice3A_516 = vector.extract_strided_slice %slice3A_473 {offsets = [0, 128], sizes = [640, 128], strides = [1, 1]} : vector<640x256xf32> to vector<640x128xf32>
    %slice3A_517 = vector.extract_strided_slice %slice3A_474 {offsets = [0, 128], sizes = [640, 128], strides = [1, 1]} : vector<640x256xf32> to vector<640x128xf32>
    %concatenate3A_518 = tpu.concatenate %slice3A_516, %slice3A_517 in 1 : vector<640x128xf32>, vector<640x128xf32> -> vector<640x256xf32>
    %dot_general3A_519 = arith.constant dense<0.000000e+00> : vector<640x256xf32>
    %dot_general3A_520 = tpu.matmul %get3A_1, %concatenate3A_518, %dot_general3A_519 {dimension_numbers = #tpu.dot_dimension_numbers<[1], [0], [0], [1], [0, 0, 1, 1], [], []>, transpose_lhs_hint = false} : vector<640x640xf32>, vector<640x256xf32>, vector<640x256xf32> -> vector<640x256xf32>
    %slice3A_521 = vector.extract_strided_slice %dot_general3A_520 {offsets = [0, 0], sizes = [640, 128], strides = [1, 1]} : vector<640x256xf32> to vector<640x128xf32>
    %slice3A_522 = vector.extract_strided_slice %dot_general3A_520 {offsets = [0, 128], sizes = [640, 128], strides = [1, 1]} : vector<640x256xf32> to vector<640x128xf32>
    %slice3A_523 = vector.extract_strided_slice %slice3A_478 {offsets = [0, 128], sizes = [640, 128], strides = [1, 1]} : vector<640x256xf32> to vector<640x128xf32>
    %slice3A_524 = vector.extract_strided_slice %slice3A_479 {offsets = [0, 128], sizes = [640, 128], strides = [1, 1]} : vector<640x256xf32> to vector<640x128xf32>
    %concatenate3A_525 = tpu.concatenate %slice3A_523, %slice3A_524 in 1 : vector<640x128xf32>, vector<640x128xf32> -> vector<640x256xf32>
    %dot_general3A_526 = arith.constant dense<0.000000e+00> : vector<640x256xf32>
    %dot_general3A_527 = tpu.matmul %get3A_1, %concatenate3A_525, %dot_general3A_526 {dimension_numbers = #tpu.dot_dimension_numbers<[1], [0], [0], [1], [0, 0, 1, 1], [], []>, transpose_lhs_hint = false} : vector<640x640xf32>, vector<640x256xf32>, vector<640x256xf32> -> vector<640x256xf32>
    %slice3A_528 = vector.extract_strided_slice %dot_general3A_527 {offsets = [0, 0], sizes = [640, 128], strides = [1, 1]} : vector<640x256xf32> to vector<640x128xf32>
    %slice3A_529 = vector.extract_strided_slice %dot_general3A_527 {offsets = [0, 128], sizes = [640, 128], strides = [1, 1]} : vector<640x256xf32> to vector<640x128xf32>
    %slice3A_530 = vector.extract_strided_slice %slice3A_483 {offsets = [0, 128], sizes = [640, 128], strides = [1, 1]} : vector<640x256xf32> to vector<640x128xf32>
    %slice3A_531 = vector.extract_strided_slice %slice3A_484 {offsets = [0, 128], sizes = [640, 128], strides = [1, 1]} : vector<640x256xf32> to vector<640x128xf32>
    %concatenate3A_532 = tpu.concatenate %slice3A_530, %slice3A_531 in 1 : vector<640x128xf32>, vector<640x128xf32> -> vector<640x256xf32>
    %dot_general3A_533 = arith.constant dense<0.000000e+00> : vector<640x256xf32>
    %dot_general3A_534 = tpu.matmul %get3A_1, %concatenate3A_532, %dot_general3A_533 {dimension_numbers = #tpu.dot_dimension_numbers<[1], [0], [0], [1], [0, 0, 1, 1], [], []>, transpose_lhs_hint = false} : vector<640x640xf32>, vector<640x256xf32>, vector<640x256xf32> -> vector<640x256xf32>
    %slice3A_535 = vector.extract_strided_slice %dot_general3A_534 {offsets = [0, 0], sizes = [640, 128], strides = [1, 1]} : vector<640x256xf32> to vector<640x128xf32>
    %slice3A_536 = vector.extract_strided_slice %dot_general3A_534 {offsets = [0, 128], sizes = [640, 128], strides = [1, 1]} : vector<640x256xf32> to vector<640x128xf32>
    %slice3A_537 = vector.extract_strided_slice %slice3A_488 {offsets = [0, 128], sizes = [640, 128], strides = [1, 1]} : vector<640x256xf32> to vector<640x128xf32>
    %slice3A_538 = vector.extract_strided_slice %slice3A_489 {offsets = [0, 128], sizes = [640, 128], strides = [1, 1]} : vector<640x256xf32> to vector<640x128xf32>
    %concatenate3A_539 = tpu.concatenate %slice3A_537, %slice3A_538 in 1 : vector<640x128xf32>, vector<640x128xf32> -> vector<640x256xf32>
    %dot_general3A_540 = arith.constant dense<0.000000e+00> : vector<640x256xf32>
    %dot_general3A_541 = tpu.matmul %get3A_1, %concatenate3A_539, %dot_general3A_540 {dimension_numbers = #tpu.dot_dimension_numbers<[1], [0], [0], [1], [0, 0, 1, 1], [], []>, transpose_lhs_hint = false} : vector<640x640xf32>, vector<640x256xf32>, vector<640x256xf32> -> vector<640x256xf32>
    %slice3A_542 = vector.extract_strided_slice %dot_general3A_541 {offsets = [0, 0], sizes = [640, 128], strides = [1, 1]} : vector<640x256xf32> to vector<640x128xf32>
    %slice3A_543 = vector.extract_strided_slice %dot_general3A_541 {offsets = [0, 128], sizes = [640, 128], strides = [1, 1]} : vector<640x256xf32> to vector<640x128xf32>
    %slice3A_544 = vector.extract_strided_slice %slice3A_493 {offsets = [0, 128], sizes = [640, 128], strides = [1, 1]} : vector<640x256xf32> to vector<640x128xf32>
    %slice3A_545 = vector.extract_strided_slice %slice3A_494 {offsets = [0, 128], sizes = [640, 128], strides = [1, 1]} : vector<640x256xf32> to vector<640x128xf32>
    %concatenate3A_546 = tpu.concatenate %slice3A_544, %slice3A_545 in 1 : vector<640x128xf32>, vector<640x128xf32> -> vector<640x256xf32>
    %dot_general3A_547 = arith.constant dense<0.000000e+00> : vector<640x256xf32>
    %dot_general3A_548 = tpu.matmul %get3A_1, %concatenate3A_546, %dot_general3A_547 {dimension_numbers = #tpu.dot_dimension_numbers<[1], [0], [0], [1], [0, 0, 1, 1], [], []>, transpose_lhs_hint = false} : vector<640x640xf32>, vector<640x256xf32>, vector<640x256xf32> -> vector<640x256xf32>
    %slice3A_549 = vector.extract_strided_slice %dot_general3A_548 {offsets = [0, 0], sizes = [640, 128], strides = [1, 1]} : vector<640x256xf32> to vector<640x128xf32>
    %slice3A_550 = vector.extract_strided_slice %dot_general3A_548 {offsets = [0, 128], sizes = [640, 128], strides = [1, 1]} : vector<640x256xf32> to vector<640x128xf32>
    %get3A_551 = arith.constant 0 : index
    %get3A_552 = arith.constant 0 : index
    %get3A_553 = vector.load %arg11[%get3A_551, %get3A_552] : memref<1x128xf32, #tpu.memory_space<vmem>>, vector<1x128xf32>
    %get3A_554 = arith.constant 0 : index
    %get3A_555 = arith.constant 0 : index
    %get3A_556 = vector.load %arg12[%get3A_554, %get3A_555] : memref<1x128xf32, #tpu.memory_space<vmem>>, vector<1x128xf32>
    %mul3A_557 = vector.broadcast %get3A_556 : vector<1x128xf32> to vector<640x128xf32>
    %mul3A_558 = vector.broadcast %mul3A : vector<640x1xf32> to vector<640x128xf32>
    %mul3A_559 = arith.mulf %mul3A_557, %mul3A_558 : vector<640x128xf32>
    %add3A_560 = vector.broadcast %get3A_553 : vector<1x128xf32> to vector<640x128xf32>
    %add3A_561 = arith.addf %add3A_560, %mul3A_559 : vector<640x128xf32>
    %get3A_562 = arith.constant 0 : index
    %get3A_563 = arith.constant 0 : index
    %get3A_564 = vector.load %arg13[%get3A_562, %get3A_563] : memref<1x128xf32, #tpu.memory_space<vmem>>, vector<1x128xf32>
    %mul3A_565 = arith.constant 0.999994993 : f32
    %mul3A_566 = vector.broadcast %mul3A_565 : f32 to vector<1x128xf32>
    %mul3A_567 = arith.mulf %mul3A_566, %get3A_564 : vector<1x128xf32>
    %slice3A_568 = vector.extract_strided_slice %slice3A_458 {offsets = [0, 0], sizes = [640, 128], strides = [1, 1]} : vector<640x256xf32> to vector<640x128xf32>
    %mul3A_569 = vector.broadcast %div3A_6 : vector<640x1xf32> to vector<640x128xf32>
    %mul3A_570 = arith.mulf %slice3A_500, %mul3A_569 : vector<640x128xf32>
    %add3A_571 = arith.addf %slice3A_568, %mul3A_570 : vector<640x128xf32>
    %add3A_572 = arith.addf %add3A_571, %add3A_561 : vector<640x128xf32>
    %add3A_573 = arith.addf %add3A_572, %add3A_297 : vector<640x128xf32>
    %mul3A_574 = vector.broadcast %mul3A_567 : vector<1x128xf32> to vector<640x128xf32>
    %mul3A_575 = arith.mulf %add3A_573, %mul3A_574 : vector<640x128xf32>
    %get3A_576 = arith.constant 0 : index
    %get3A_577 = arith.constant 0 : index
    %get3A_578 = vector.load %arg14[%get3A_576, %get3A_577] : memref<1x128xf32, #tpu.memory_space<vmem>>, vector<1x128xf32>
    %add3A_579 = vector.broadcast %get3A_578 : vector<1x128xf32> to vector<640x128xf32>
    %add3A_580 = arith.addf %mul3A_575, %add3A_579 : vector<640x128xf32>
    %max3A_581 = arith.constant 0.000000e+00 : f32
    %max3A_582 = vector.broadcast %max3A_581 : f32 to vector<640x128xf32>
    %max3A_583 = arith.maximumf %add3A_580, %max3A_582 : vector<640x128xf32>
    %slice3A_584 = vector.extract_strided_slice %slice3A_459 {offsets = [0, 0], sizes = [640, 128], strides = [1, 1]} : vector<640x256xf32> to vector<640x128xf32>
    %mul3A_585 = vector.broadcast %div3A_6 : vector<640x1xf32> to vector<640x128xf32>
    %mul3A_586 = arith.mulf %slice3A_501, %mul3A_585 : vector<640x128xf32>
    %add3A_587 = arith.addf %slice3A_584, %mul3A_586 : vector<640x128xf32>
    %add3A_588 = arith.addf %add3A_587, %add3A_561 : vector<640x128xf32>
    %add3A_589 = arith.addf %add3A_588, %add3A_307 : vector<640x128xf32>
    %mul3A_590 = vector.broadcast %mul3A_567 : vector<1x128xf32> to vector<640x128xf32>
    %mul3A_591 = arith.mulf %add3A_589, %mul3A_590 : vector<640x128xf32>
    %get3A_592 = arith.constant 0 : index
    %get3A_593 = arith.constant 0 : index
    %get3A_594 = vector.load %arg14[%get3A_592, %get3A_593] : memref<1x128xf32, #tpu.memory_space<vmem>>, vector<1x128xf32>
    %add3A_595 = vector.broadcast %get3A_594 : vector<1x128xf32> to vector<640x128xf32>
    %add3A_596 = arith.addf %mul3A_591, %add3A_595 : vector<640x128xf32>
    %max3A_597 = arith.constant 0.000000e+00 : f32
    %max3A_598 = vector.broadcast %max3A_597 : f32 to vector<640x128xf32>
    %max3A_599 = arith.maximumf %add3A_596, %max3A_598 : vector<640x128xf32>
    %slice3A_600 = vector.extract_strided_slice %slice3A_463 {offsets = [0, 0], sizes = [640, 128], strides = [1, 1]} : vector<640x256xf32> to vector<640x128xf32>
    %mul3A_601 = vector.broadcast %div3A_6 : vector<640x1xf32> to vector<640x128xf32>
    %mul3A_602 = arith.mulf %slice3A_507, %mul3A_601 : vector<640x128xf32>
    %add3A_603 = arith.addf %slice3A_600, %mul3A_602 : vector<640x128xf32>
    %add3A_604 = arith.addf %add3A_603, %add3A_561 : vector<640x128xf32>
    %add3A_605 = arith.addf %add3A_604, %add3A_317 : vector<640x128xf32>
    %mul3A_606 = vector.broadcast %mul3A_567 : vector<1x128xf32> to vector<640x128xf32>
    %mul3A_607 = arith.mulf %add3A_605, %mul3A_606 : vector<640x128xf32>
    %get3A_608 = arith.constant 0 : index
    %get3A_609 = arith.constant 0 : index
    %get3A_610 = vector.load %arg14[%get3A_608, %get3A_609] : memref<1x128xf32, #tpu.memory_space<vmem>>, vector<1x128xf32>
    %add3A_611 = vector.broadcast %get3A_610 : vector<1x128xf32> to vector<640x128xf32>
    %add3A_612 = arith.addf %mul3A_607, %add3A_611 : vector<640x128xf32>
    %max3A_613 = arith.constant 0.000000e+00 : f32
    %max3A_614 = vector.broadcast %max3A_613 : f32 to vector<640x128xf32>
    %max3A_615 = arith.maximumf %add3A_612, %max3A_614 : vector<640x128xf32>
    %slice3A_616 = vector.extract_strided_slice %slice3A_464 {offsets = [0, 0], sizes = [640, 128], strides = [1, 1]} : vector<640x256xf32> to vector<640x128xf32>
    %mul3A_617 = vector.broadcast %div3A_6 : vector<640x1xf32> to vector<640x128xf32>
    %mul3A_618 = arith.mulf %slice3A_508, %mul3A_617 : vector<640x128xf32>
    %add3A_619 = arith.addf %slice3A_616, %mul3A_618 : vector<640x128xf32>
    %add3A_620 = arith.addf %add3A_619, %add3A_561 : vector<640x128xf32>
    %add3A_621 = arith.addf %add3A_620, %add3A_327 : vector<640x128xf32>
    %mul3A_622 = vector.broadcast %mul3A_567 : vector<1x128xf32> to vector<640x128xf32>
    %mul3A_623 = arith.mulf %add3A_621, %mul3A_622 : vector<640x128xf32>
    %get3A_624 = arith.constant 0 : index
    %get3A_625 = arith.constant 0 : index
    %get3A_626 = vector.load %arg14[%get3A_624, %get3A_625] : memref<1x128xf32, #tpu.memory_space<vmem>>, vector<1x128xf32>
    %add3A_627 = vector.broadcast %get3A_626 : vector<1x128xf32> to vector<640x128xf32>
    %add3A_628 = arith.addf %mul3A_623, %add3A_627 : vector<640x128xf32>
    %max3A_629 = arith.constant 0.000000e+00 : f32
    %max3A_630 = vector.broadcast %max3A_629 : f32 to vector<640x128xf32>
    %max3A_631 = arith.maximumf %add3A_628, %max3A_630 : vector<640x128xf32>
    %slice3A_632 = vector.extract_strided_slice %slice3A_468 {offsets = [0, 0], sizes = [640, 128], strides = [1, 1]} : vector<640x256xf32> to vector<640x128xf32>
    %mul3A_633 = vector.broadcast %div3A_6 : vector<640x1xf32> to vector<640x128xf32>
    %mul3A_634 = arith.mulf %slice3A_514, %mul3A_633 : vector<640x128xf32>
    %add3A_635 = arith.addf %slice3A_632, %mul3A_634 : vector<640x128xf32>
    %add3A_636 = arith.addf %add3A_635, %add3A_561 : vector<640x128xf32>
    %add3A_637 = arith.addf %add3A_636, %add3A_337 : vector<640x128xf32>
    %mul3A_638 = vector.broadcast %mul3A_567 : vector<1x128xf32> to vector<640x128xf32>
    %mul3A_639 = arith.mulf %add3A_637, %mul3A_638 : vector<640x128xf32>
    %get3A_640 = arith.constant 0 : index
    %get3A_641 = arith.constant 0 : index
    %get3A_642 = vector.load %arg14[%get3A_640, %get3A_641] : memref<1x128xf32, #tpu.memory_space<vmem>>, vector<1x128xf32>
    %add3A_643 = vector.broadcast %get3A_642 : vector<1x128xf32> to vector<640x128xf32>
    %add3A_644 = arith.addf %mul3A_639, %add3A_643 : vector<640x128xf32>
    %max3A_645 = arith.constant 0.000000e+00 : f32
    %max3A_646 = vector.broadcast %max3A_645 : f32 to vector<640x128xf32>
    %max3A_647 = arith.maximumf %add3A_644, %max3A_646 : vector<640x128xf32>
    %slice3A_648 = vector.extract_strided_slice %slice3A_469 {offsets = [0, 0], sizes = [640, 128], strides = [1, 1]} : vector<640x256xf32> to vector<640x128xf32>
    %mul3A_649 = vector.broadcast %div3A_6 : vector<640x1xf32> to vector<640x128xf32>
    %mul3A_650 = arith.mulf %slice3A_515, %mul3A_649 : vector<640x128xf32>
    %add3A_651 = arith.addf %slice3A_648, %mul3A_650 : vector<640x128xf32>
    %add3A_652 = arith.addf %add3A_651, %add3A_561 : vector<640x128xf32>
    %add3A_653 = arith.addf %add3A_652, %add3A_347 : vector<640x128xf32>
    %mul3A_654 = vector.broadcast %mul3A_567 : vector<1x128xf32> to vector<640x128xf32>
    %mul3A_655 = arith.mulf %add3A_653, %mul3A_654 : vector<640x128xf32>
    %get3A_656 = arith.constant 0 : index
    %get3A_657 = arith.constant 0 : index
    %get3A_658 = vector.load %arg14[%get3A_656, %get3A_657] : memref<1x128xf32, #tpu.memory_space<vmem>>, vector<1x128xf32>
    %add3A_659 = vector.broadcast %get3A_658 : vector<1x128xf32> to vector<640x128xf32>
    %add3A_660 = arith.addf %mul3A_655, %add3A_659 : vector<640x128xf32>
    %max3A_661 = arith.constant 0.000000e+00 : f32
    %max3A_662 = vector.broadcast %max3A_661 : f32 to vector<640x128xf32>
    %max3A_663 = arith.maximumf %add3A_660, %max3A_662 : vector<640x128xf32>
    %slice3A_664 = vector.extract_strided_slice %slice3A_473 {offsets = [0, 0], sizes = [640, 128], strides = [1, 1]} : vector<640x256xf32> to vector<640x128xf32>
    %mul3A_665 = vector.broadcast %div3A_6 : vector<640x1xf32> to vector<640x128xf32>
    %mul3A_666 = arith.mulf %slice3A_521, %mul3A_665 : vector<640x128xf32>
    %add3A_667 = arith.addf %slice3A_664, %mul3A_666 : vector<640x128xf32>
    %add3A_668 = arith.addf %add3A_667, %add3A_561 : vector<640x128xf32>
    %add3A_669 = arith.addf %add3A_668, %add3A_357 : vector<640x128xf32>
    %mul3A_670 = vector.broadcast %mul3A_567 : vector<1x128xf32> to vector<640x128xf32>
    %mul3A_671 = arith.mulf %add3A_669, %mul3A_670 : vector<640x128xf32>
    %get3A_672 = arith.constant 0 : index
    %get3A_673 = arith.constant 0 : index
    %get3A_674 = vector.load %arg14[%get3A_672, %get3A_673] : memref<1x128xf32, #tpu.memory_space<vmem>>, vector<1x128xf32>
    %add3A_675 = vector.broadcast %get3A_674 : vector<1x128xf32> to vector<640x128xf32>
    %add3A_676 = arith.addf %mul3A_671, %add3A_675 : vector<640x128xf32>
    %max3A_677 = arith.constant 0.000000e+00 : f32
    %max3A_678 = vector.broadcast %max3A_677 : f32 to vector<640x128xf32>
    %max3A_679 = arith.maximumf %add3A_676, %max3A_678 : vector<640x128xf32>
    %slice3A_680 = vector.extract_strided_slice %slice3A_474 {offsets = [0, 0], sizes = [640, 128], strides = [1, 1]} : vector<640x256xf32> to vector<640x128xf32>
    %mul3A_681 = vector.broadcast %div3A_6 : vector<640x1xf32> to vector<640x128xf32>
    %mul3A_682 = arith.mulf %slice3A_522, %mul3A_681 : vector<640x128xf32>
    %add3A_683 = arith.addf %slice3A_680, %mul3A_682 : vector<640x128xf32>
    %add3A_684 = arith.addf %add3A_683, %add3A_561 : vector<640x128xf32>
    %add3A_685 = arith.addf %add3A_684, %add3A_367 : vector<640x128xf32>
    %mul3A_686 = vector.broadcast %mul3A_567 : vector<1x128xf32> to vector<640x128xf32>
    %mul3A_687 = arith.mulf %add3A_685, %mul3A_686 : vector<640x128xf32>
    %get3A_688 = arith.constant 0 : index
    %get3A_689 = arith.constant 0 : index
    %get3A_690 = vector.load %arg14[%get3A_688, %get3A_689] : memref<1x128xf32, #tpu.memory_space<vmem>>, vector<1x128xf32>
    %add3A_691 = vector.broadcast %get3A_690 : vector<1x128xf32> to vector<640x128xf32>
    %add3A_692 = arith.addf %mul3A_687, %add3A_691 : vector<640x128xf32>
    %max3A_693 = arith.constant 0.000000e+00 : f32
    %max3A_694 = vector.broadcast %max3A_693 : f32 to vector<640x128xf32>
    %max3A_695 = arith.maximumf %add3A_692, %max3A_694 : vector<640x128xf32>
    %slice3A_696 = vector.extract_strided_slice %slice3A_478 {offsets = [0, 0], sizes = [640, 128], strides = [1, 1]} : vector<640x256xf32> to vector<640x128xf32>
    %mul3A_697 = vector.broadcast %div3A_6 : vector<640x1xf32> to vector<640x128xf32>
    %mul3A_698 = arith.mulf %slice3A_528, %mul3A_697 : vector<640x128xf32>
    %add3A_699 = arith.addf %slice3A_696, %mul3A_698 : vector<640x128xf32>
    %add3A_700 = arith.addf %add3A_699, %add3A_561 : vector<640x128xf32>
    %add3A_701 = arith.addf %add3A_700, %add3A_377 : vector<640x128xf32>
    %mul3A_702 = vector.broadcast %mul3A_567 : vector<1x128xf32> to vector<640x128xf32>
    %mul3A_703 = arith.mulf %add3A_701, %mul3A_702 : vector<640x128xf32>
    %get3A_704 = arith.constant 0 : index
    %get3A_705 = arith.constant 0 : index
    %get3A_706 = vector.load %arg14[%get3A_704, %get3A_705] : memref<1x128xf32, #tpu.memory_space<vmem>>, vector<1x128xf32>
    %add3A_707 = vector.broadcast %get3A_706 : vector<1x128xf32> to vector<640x128xf32>
    %add3A_708 = arith.addf %mul3A_703, %add3A_707 : vector<640x128xf32>
    %max3A_709 = arith.constant 0.000000e+00 : f32
    %max3A_710 = vector.broadcast %max3A_709 : f32 to vector<640x128xf32>
    %max3A_711 = arith.maximumf %add3A_708, %max3A_710 : vector<640x128xf32>
    %slice3A_712 = vector.extract_strided_slice %slice3A_479 {offsets = [0, 0], sizes = [640, 128], strides = [1, 1]} : vector<640x256xf32> to vector<640x128xf32>
    %mul3A_713 = vector.broadcast %div3A_6 : vector<640x1xf32> to vector<640x128xf32>
    %mul3A_714 = arith.mulf %slice3A_529, %mul3A_713 : vector<640x128xf32>
    %add3A_715 = arith.addf %slice3A_712, %mul3A_714 : vector<640x128xf32>
    %add3A_716 = arith.addf %add3A_715, %add3A_561 : vector<640x128xf32>
    %add3A_717 = arith.addf %add3A_716, %add3A_387 : vector<640x128xf32>
    %mul3A_718 = vector.broadcast %mul3A_567 : vector<1x128xf32> to vector<640x128xf32>
    %mul3A_719 = arith.mulf %add3A_717, %mul3A_718 : vector<640x128xf32>
    %get3A_720 = arith.constant 0 : index
    %get3A_721 = arith.constant 0 : index
    %get3A_722 = vector.load %arg14[%get3A_720, %get3A_721] : memref<1x128xf32, #tpu.memory_space<vmem>>, vector<1x128xf32>
    %add3A_723 = vector.broadcast %get3A_722 : vector<1x128xf32> to vector<640x128xf32>
    %add3A_724 = arith.addf %mul3A_719, %add3A_723 : vector<640x128xf32>
    %max3A_725 = arith.constant 0.000000e+00 : f32
    %max3A_726 = vector.broadcast %max3A_725 : f32 to vector<640x128xf32>
    %max3A_727 = arith.maximumf %add3A_724, %max3A_726 : vector<640x128xf32>
    %slice3A_728 = vector.extract_strided_slice %slice3A_483 {offsets = [0, 0], sizes = [640, 128], strides = [1, 1]} : vector<640x256xf32> to vector<640x128xf32>
    %mul3A_729 = vector.broadcast %div3A_6 : vector<640x1xf32> to vector<640x128xf32>
    %mul3A_730 = arith.mulf %slice3A_535, %mul3A_729 : vector<640x128xf32>
    %add3A_731 = arith.addf %slice3A_728, %mul3A_730 : vector<640x128xf32>
    %add3A_732 = arith.addf %add3A_731, %add3A_561 : vector<640x128xf32>
    %add3A_733 = arith.addf %add3A_732, %add3A_397 : vector<640x128xf32>
    %mul3A_734 = vector.broadcast %mul3A_567 : vector<1x128xf32> to vector<640x128xf32>
    %mul3A_735 = arith.mulf %add3A_733, %mul3A_734 : vector<640x128xf32>
    %get3A_736 = arith.constant 0 : index
    %get3A_737 = arith.constant 0 : index
    %get3A_738 = vector.load %arg14[%get3A_736, %get3A_737] : memref<1x128xf32, #tpu.memory_space<vmem>>, vector<1x128xf32>
    %add3A_739 = vector.broadcast %get3A_738 : vector<1x128xf32> to vector<640x128xf32>
    %add3A_740 = arith.addf %mul3A_735, %add3A_739 : vector<640x128xf32>
    %max3A_741 = arith.constant 0.000000e+00 : f32
    %max3A_742 = vector.broadcast %max3A_741 : f32 to vector<640x128xf32>
    %max3A_743 = arith.maximumf %add3A_740, %max3A_742 : vector<640x128xf32>
    %slice3A_744 = vector.extract_strided_slice %slice3A_484 {offsets = [0, 0], sizes = [640, 128], strides = [1, 1]} : vector<640x256xf32> to vector<640x128xf32>
    %mul3A_745 = vector.broadcast %div3A_6 : vector<640x1xf32> to vector<640x128xf32>
    %mul3A_746 = arith.mulf %slice3A_536, %mul3A_745 : vector<640x128xf32>
    %add3A_747 = arith.addf %slice3A_744, %mul3A_746 : vector<640x128xf32>
    %add3A_748 = arith.addf %add3A_747, %add3A_561 : vector<640x128xf32>
    %add3A_749 = arith.addf %add3A_748, %add3A_407 : vector<640x128xf32>
    %mul3A_750 = vector.broadcast %mul3A_567 : vector<1x128xf32> to vector<640x128xf32>
    %mul3A_751 = arith.mulf %add3A_749, %mul3A_750 : vector<640x128xf32>
    %get3A_752 = arith.constant 0 : index
    %get3A_753 = arith.constant 0 : index
    %get3A_754 = vector.load %arg14[%get3A_752, %get3A_753] : memref<1x128xf32, #tpu.memory_space<vmem>>, vector<1x128xf32>
    %add3A_755 = vector.broadcast %get3A_754 : vector<1x128xf32> to vector<640x128xf32>
    %add3A_756 = arith.addf %mul3A_751, %add3A_755 : vector<640x128xf32>
    %max3A_757 = arith.constant 0.000000e+00 : f32
    %max3A_758 = vector.broadcast %max3A_757 : f32 to vector<640x128xf32>
    %max3A_759 = arith.maximumf %add3A_756, %max3A_758 : vector<640x128xf32>
    %slice3A_760 = vector.extract_strided_slice %slice3A_488 {offsets = [0, 0], sizes = [640, 128], strides = [1, 1]} : vector<640x256xf32> to vector<640x128xf32>
    %mul3A_761 = vector.broadcast %div3A_6 : vector<640x1xf32> to vector<640x128xf32>
    %mul3A_762 = arith.mulf %slice3A_542, %mul3A_761 : vector<640x128xf32>
    %add3A_763 = arith.addf %slice3A_760, %mul3A_762 : vector<640x128xf32>
    %add3A_764 = arith.addf %add3A_763, %add3A_561 : vector<640x128xf32>
    %add3A_765 = arith.addf %add3A_764, %add3A_417 : vector<640x128xf32>
    %mul3A_766 = vector.broadcast %mul3A_567 : vector<1x128xf32> to vector<640x128xf32>
    %mul3A_767 = arith.mulf %add3A_765, %mul3A_766 : vector<640x128xf32>
    %get3A_768 = arith.constant 0 : index
    %get3A_769 = arith.constant 0 : index
    %get3A_770 = vector.load %arg14[%get3A_768, %get3A_769] : memref<1x128xf32, #tpu.memory_space<vmem>>, vector<1x128xf32>
    %add3A_771 = vector.broadcast %get3A_770 : vector<1x128xf32> to vector<640x128xf32>
    %add3A_772 = arith.addf %mul3A_767, %add3A_771 : vector<640x128xf32>
    %max3A_773 = arith.constant 0.000000e+00 : f32
    %max3A_774 = vector.broadcast %max3A_773 : f32 to vector<640x128xf32>
    %max3A_775 = arith.maximumf %add3A_772, %max3A_774 : vector<640x128xf32>
    %slice3A_776 = vector.extract_strided_slice %slice3A_489 {offsets = [0, 0], sizes = [640, 128], strides = [1, 1]} : vector<640x256xf32> to vector<640x128xf32>
    %mul3A_777 = vector.broadcast %div3A_6 : vector<640x1xf32> to vector<640x128xf32>
    %mul3A_778 = arith.mulf %slice3A_543, %mul3A_777 : vector<640x128xf32>
    %add3A_779 = arith.addf %slice3A_776, %mul3A_778 : vector<640x128xf32>
    %add3A_780 = arith.addf %add3A_779, %add3A_561 : vector<640x128xf32>
    %add3A_781 = arith.addf %add3A_780, %add3A_427 : vector<640x128xf32>
    %mul3A_782 = vector.broadcast %mul3A_567 : vector<1x128xf32> to vector<640x128xf32>
    %mul3A_783 = arith.mulf %add3A_781, %mul3A_782 : vector<640x128xf32>
    %get3A_784 = arith.constant 0 : index
    %get3A_785 = arith.constant 0 : index
    %get3A_786 = vector.load %arg14[%get3A_784, %get3A_785] : memref<1x128xf32, #tpu.memory_space<vmem>>, vector<1x128xf32>
    %add3A_787 = vector.broadcast %get3A_786 : vector<1x128xf32> to vector<640x128xf32>
    %add3A_788 = arith.addf %mul3A_783, %add3A_787 : vector<640x128xf32>
    %max3A_789 = arith.constant 0.000000e+00 : f32
    %max3A_790 = vector.broadcast %max3A_789 : f32 to vector<640x128xf32>
    %max3A_791 = arith.maximumf %add3A_788, %max3A_790 : vector<640x128xf32>
    %slice3A_792 = vector.extract_strided_slice %slice3A_493 {offsets = [0, 0], sizes = [640, 128], strides = [1, 1]} : vector<640x256xf32> to vector<640x128xf32>
    %mul3A_793 = vector.broadcast %div3A_6 : vector<640x1xf32> to vector<640x128xf32>
    %mul3A_794 = arith.mulf %slice3A_549, %mul3A_793 : vector<640x128xf32>
    %add3A_795 = arith.addf %slice3A_792, %mul3A_794 : vector<640x128xf32>
    %add3A_796 = arith.addf %add3A_795, %add3A_561 : vector<640x128xf32>
    %add3A_797 = arith.addf %add3A_796, %add3A_437 : vector<640x128xf32>
    %mul3A_798 = vector.broadcast %mul3A_567 : vector<1x128xf32> to vector<640x128xf32>
    %mul3A_799 = arith.mulf %add3A_797, %mul3A_798 : vector<640x128xf32>
    %get3A_800 = arith.constant 0 : index
    %get3A_801 = arith.constant 0 : index
    %get3A_802 = vector.load %arg14[%get3A_800, %get3A_801] : memref<1x128xf32, #tpu.memory_space<vmem>>, vector<1x128xf32>
    %add3A_803 = vector.broadcast %get3A_802 : vector<1x128xf32> to vector<640x128xf32>
    %add3A_804 = arith.addf %mul3A_799, %add3A_803 : vector<640x128xf32>
    %max3A_805 = arith.constant 0.000000e+00 : f32
    %max3A_806 = vector.broadcast %max3A_805 : f32 to vector<640x128xf32>
    %max3A_807 = arith.maximumf %add3A_804, %max3A_806 : vector<640x128xf32>
    %slice3A_808 = vector.extract_strided_slice %slice3A_494 {offsets = [0, 0], sizes = [640, 128], strides = [1, 1]} : vector<640x256xf32> to vector<640x128xf32>
    %mul3A_809 = vector.broadcast %div3A_6 : vector<640x1xf32> to vector<640x128xf32>
    %mul3A_810 = arith.mulf %slice3A_550, %mul3A_809 : vector<640x128xf32>
    %add3A_811 = arith.addf %slice3A_808, %mul3A_810 : vector<640x128xf32>
    %add3A_812 = arith.addf %add3A_811, %add3A_561 : vector<640x128xf32>
    %add3A_813 = arith.addf %add3A_812, %add3A_447 : vector<640x128xf32>
    %mul3A_814 = vector.broadcast %mul3A_567 : vector<1x128xf32> to vector<640x128xf32>
    %mul3A_815 = arith.mulf %add3A_813, %mul3A_814 : vector<640x128xf32>
    %get3A_816 = arith.constant 0 : index
    %get3A_817 = arith.constant 0 : index
    %get3A_818 = vector.load %arg14[%get3A_816, %get3A_817] : memref<1x128xf32, #tpu.memory_space<vmem>>, vector<1x128xf32>
    %add3A_819 = vector.broadcast %get3A_818 : vector<1x128xf32> to vector<640x128xf32>
    %add3A_820 = arith.addf %mul3A_815, %add3A_819 : vector<640x128xf32>
    %max3A_821 = arith.constant 0.000000e+00 : f32
    %max3A_822 = vector.broadcast %max3A_821 : f32 to vector<640x128xf32>
    %max3A_823 = arith.maximumf %add3A_820, %max3A_822 : vector<640x128xf32>
    %get3A_824 = arith.constant 0 : index
    %get3A_825 = arith.constant 0 : index
    %get3A_826 = vector.load %arg15[%get3A_824, %get3A_825] : memref<128x128xf32, #tpu.memory_space<vmem>>, vector<128x128xf32>
    %get3A_827 = arith.constant 0 : index
    %get3A_828 = arith.constant 0 : index
    %get3A_829 = vector.load %arg16[%get3A_827, %get3A_828] : memref<128x128xf32, #tpu.memory_space<vmem>>, vector<128x128xf32>
    %concatenate3A_830 = tpu.concatenate %get3A_826, %get3A_829 in 1 : vector<128x128xf32>, vector<128x128xf32> -> vector<128x256xf32>
    %concatenate3A_831 = tpu.concatenate %max3A_583, %max3A_599 in 0 : vector<640x128xf32>, vector<640x128xf32> -> vector<1280x128xf32>
    %dot_general3A_832 = arith.constant dense<0.000000e+00> : vector<1280x256xf32>
    %dot_general3A_833 = tpu.matmul %concatenate3A_831, %concatenate3A_830, %dot_general3A_832 {dimension_numbers = #tpu.dot_dimension_numbers<[1], [0], [0], [1], [0, 0, 1, 1], [], []>, transpose_lhs_hint = false} : vector<1280x128xf32>, vector<128x256xf32>, vector<1280x256xf32> -> vector<1280x256xf32>
    %slice3A_834 = vector.extract_strided_slice %dot_general3A_833 {offsets = [0, 0], sizes = [640, 256], strides = [1, 1]} : vector<1280x256xf32> to vector<640x256xf32>
    %slice3A_835 = vector.extract_strided_slice %dot_general3A_833 {offsets = [640, 0], sizes = [640, 256], strides = [1, 1]} : vector<1280x256xf32> to vector<640x256xf32>
    %concatenate3A_836 = tpu.concatenate %max3A_615, %max3A_631 in 0 : vector<640x128xf32>, vector<640x128xf32> -> vector<1280x128xf32>
    %dot_general3A_837 = arith.constant dense<0.000000e+00> : vector<1280x256xf32>
    %dot_general3A_838 = tpu.matmul %concatenate3A_836, %concatenate3A_830, %dot_general3A_837 {dimension_numbers = #tpu.dot_dimension_numbers<[1], [0], [0], [1], [0, 0, 1, 1], [], []>, transpose_lhs_hint = false} : vector<1280x128xf32>, vector<128x256xf32>, vector<1280x256xf32> -> vector<1280x256xf32>
    %slice3A_839 = vector.extract_strided_slice %dot_general3A_838 {offsets = [0, 0], sizes = [640, 256], strides = [1, 1]} : vector<1280x256xf32> to vector<640x256xf32>
    %slice3A_840 = vector.extract_strided_slice %dot_general3A_838 {offsets = [640, 0], sizes = [640, 256], strides = [1, 1]} : vector<1280x256xf32> to vector<640x256xf32>
    %concatenate3A_841 = tpu.concatenate %max3A_647, %max3A_663 in 0 : vector<640x128xf32>, vector<640x128xf32> -> vector<1280x128xf32>
    %dot_general3A_842 = arith.constant dense<0.000000e+00> : vector<1280x256xf32>
    %dot_general3A_843 = tpu.matmul %concatenate3A_841, %concatenate3A_830, %dot_general3A_842 {dimension_numbers = #tpu.dot_dimension_numbers<[1], [0], [0], [1], [0, 0, 1, 1], [], []>, transpose_lhs_hint = false} : vector<1280x128xf32>, vector<128x256xf32>, vector<1280x256xf32> -> vector<1280x256xf32>
    %slice3A_844 = vector.extract_strided_slice %dot_general3A_843 {offsets = [0, 0], sizes = [640, 256], strides = [1, 1]} : vector<1280x256xf32> to vector<640x256xf32>
    %slice3A_845 = vector.extract_strided_slice %dot_general3A_843 {offsets = [640, 0], sizes = [640, 256], strides = [1, 1]} : vector<1280x256xf32> to vector<640x256xf32>
    %concatenate3A_846 = tpu.concatenate %max3A_679, %max3A_695 in 0 : vector<640x128xf32>, vector<640x128xf32> -> vector<1280x128xf32>
    %dot_general3A_847 = arith.constant dense<0.000000e+00> : vector<1280x256xf32>
    %dot_general3A_848 = tpu.matmul %concatenate3A_846, %concatenate3A_830, %dot_general3A_847 {dimension_numbers = #tpu.dot_dimension_numbers<[1], [0], [0], [1], [0, 0, 1, 1], [], []>, transpose_lhs_hint = false} : vector<1280x128xf32>, vector<128x256xf32>, vector<1280x256xf32> -> vector<1280x256xf32>
    %slice3A_849 = vector.extract_strided_slice %dot_general3A_848 {offsets = [0, 0], sizes = [640, 256], strides = [1, 1]} : vector<1280x256xf32> to vector<640x256xf32>
    %slice3A_850 = vector.extract_strided_slice %dot_general3A_848 {offsets = [640, 0], sizes = [640, 256], strides = [1, 1]} : vector<1280x256xf32> to vector<640x256xf32>
    %concatenate3A_851 = tpu.concatenate %max3A_711, %max3A_727 in 0 : vector<640x128xf32>, vector<640x128xf32> -> vector<1280x128xf32>
    %dot_general3A_852 = arith.constant dense<0.000000e+00> : vector<1280x256xf32>
    %dot_general3A_853 = tpu.matmul %concatenate3A_851, %concatenate3A_830, %dot_general3A_852 {dimension_numbers = #tpu.dot_dimension_numbers<[1], [0], [0], [1], [0, 0, 1, 1], [], []>, transpose_lhs_hint = false} : vector<1280x128xf32>, vector<128x256xf32>, vector<1280x256xf32> -> vector<1280x256xf32>
    %slice3A_854 = vector.extract_strided_slice %dot_general3A_853 {offsets = [0, 0], sizes = [640, 256], strides = [1, 1]} : vector<1280x256xf32> to vector<640x256xf32>
    %slice3A_855 = vector.extract_strided_slice %dot_general3A_853 {offsets = [640, 0], sizes = [640, 256], strides = [1, 1]} : vector<1280x256xf32> to vector<640x256xf32>
    %concatenate3A_856 = tpu.concatenate %max3A_743, %max3A_759 in 0 : vector<640x128xf32>, vector<640x128xf32> -> vector<1280x128xf32>
    %dot_general3A_857 = arith.constant dense<0.000000e+00> : vector<1280x256xf32>
    %dot_general3A_858 = tpu.matmul %concatenate3A_856, %concatenate3A_830, %dot_general3A_857 {dimension_numbers = #tpu.dot_dimension_numbers<[1], [0], [0], [1], [0, 0, 1, 1], [], []>, transpose_lhs_hint = false} : vector<1280x128xf32>, vector<128x256xf32>, vector<1280x256xf32> -> vector<1280x256xf32>
    %slice3A_859 = vector.extract_strided_slice %dot_general3A_858 {offsets = [0, 0], sizes = [640, 256], strides = [1, 1]} : vector<1280x256xf32> to vector<640x256xf32>
    %slice3A_860 = vector.extract_strided_slice %dot_general3A_858 {offsets = [640, 0], sizes = [640, 256], strides = [1, 1]} : vector<1280x256xf32> to vector<640x256xf32>
    %concatenate3A_861 = tpu.concatenate %max3A_775, %max3A_791 in 0 : vector<640x128xf32>, vector<640x128xf32> -> vector<1280x128xf32>
    %dot_general3A_862 = arith.constant dense<0.000000e+00> : vector<1280x256xf32>
    %dot_general3A_863 = tpu.matmul %concatenate3A_861, %concatenate3A_830, %dot_general3A_862 {dimension_numbers = #tpu.dot_dimension_numbers<[1], [0], [0], [1], [0, 0, 1, 1], [], []>, transpose_lhs_hint = false} : vector<1280x128xf32>, vector<128x256xf32>, vector<1280x256xf32> -> vector<1280x256xf32>
    %slice3A_864 = vector.extract_strided_slice %dot_general3A_863 {offsets = [0, 0], sizes = [640, 256], strides = [1, 1]} : vector<1280x256xf32> to vector<640x256xf32>
    %slice3A_865 = vector.extract_strided_slice %dot_general3A_863 {offsets = [640, 0], sizes = [640, 256], strides = [1, 1]} : vector<1280x256xf32> to vector<640x256xf32>
    %concatenate3A_866 = tpu.concatenate %max3A_807, %max3A_823 in 0 : vector<640x128xf32>, vector<640x128xf32> -> vector<1280x128xf32>
    %dot_general3A_867 = arith.constant dense<0.000000e+00> : vector<1280x256xf32>
    %dot_general3A_868 = tpu.matmul %concatenate3A_866, %concatenate3A_830, %dot_general3A_867 {dimension_numbers = #tpu.dot_dimension_numbers<[1], [0], [0], [1], [0, 0, 1, 1], [], []>, transpose_lhs_hint = false} : vector<1280x128xf32>, vector<128x256xf32>, vector<1280x256xf32> -> vector<1280x256xf32>
    %slice3A_869 = vector.extract_strided_slice %dot_general3A_868 {offsets = [0, 0], sizes = [640, 256], strides = [1, 1]} : vector<1280x256xf32> to vector<640x256xf32>
    %slice3A_870 = vector.extract_strided_slice %dot_general3A_868 {offsets = [640, 0], sizes = [640, 256], strides = [1, 1]} : vector<1280x256xf32> to vector<640x256xf32>
    %slice3A_871 = vector.extract_strided_slice %slice3A_834 {offsets = [0, 128], sizes = [640, 128], strides = [1, 1]} : vector<640x256xf32> to vector<640x128xf32>
    %slice3A_872 = vector.extract_strided_slice %slice3A_835 {offsets = [0, 128], sizes = [640, 128], strides = [1, 1]} : vector<640x256xf32> to vector<640x128xf32>
    %concatenate3A_873 = tpu.concatenate %slice3A_871, %slice3A_872 in 1 : vector<640x128xf32>, vector<640x128xf32> -> vector<640x256xf32>
    %dot_general3A_874 = arith.constant dense<0.000000e+00> : vector<640x256xf32>
    %dot_general3A_875 = tpu.matmul %get3A_1, %concatenate3A_873, %dot_general3A_874 {dimension_numbers = #tpu.dot_dimension_numbers<[1], [0], [0], [1], [0, 0, 1, 1], [], []>, transpose_lhs_hint = false} : vector<640x640xf32>, vector<640x256xf32>, vector<640x256xf32> -> vector<640x256xf32>
    %slice3A_876 = vector.extract_strided_slice %dot_general3A_875 {offsets = [0, 0], sizes = [640, 128], strides = [1, 1]} : vector<640x256xf32> to vector<640x128xf32>
    %slice3A_877 = vector.extract_strided_slice %dot_general3A_875 {offsets = [0, 128], sizes = [640, 128], strides = [1, 1]} : vector<640x256xf32> to vector<640x128xf32>
    %slice3A_878 = vector.extract_strided_slice %slice3A_839 {offsets = [0, 128], sizes = [640, 128], strides = [1, 1]} : vector<640x256xf32> to vector<640x128xf32>
    %slice3A_879 = vector.extract_strided_slice %slice3A_840 {offsets = [0, 128], sizes = [640, 128], strides = [1, 1]} : vector<640x256xf32> to vector<640x128xf32>
    %concatenate3A_880 = tpu.concatenate %slice3A_878, %slice3A_879 in 1 : vector<640x128xf32>, vector<640x128xf32> -> vector<640x256xf32>
    %dot_general3A_881 = arith.constant dense<0.000000e+00> : vector<640x256xf32>
    %dot_general3A_882 = tpu.matmul %get3A_1, %concatenate3A_880, %dot_general3A_881 {dimension_numbers = #tpu.dot_dimension_numbers<[1], [0], [0], [1], [0, 0, 1, 1], [], []>, transpose_lhs_hint = false} : vector<640x640xf32>, vector<640x256xf32>, vector<640x256xf32> -> vector<640x256xf32>
    %slice3A_883 = vector.extract_strided_slice %dot_general3A_882 {offsets = [0, 0], sizes = [640, 128], strides = [1, 1]} : vector<640x256xf32> to vector<640x128xf32>
    %slice3A_884 = vector.extract_strided_slice %dot_general3A_882 {offsets = [0, 128], sizes = [640, 128], strides = [1, 1]} : vector<640x256xf32> to vector<640x128xf32>
    %slice3A_885 = vector.extract_strided_slice %slice3A_844 {offsets = [0, 128], sizes = [640, 128], strides = [1, 1]} : vector<640x256xf32> to vector<640x128xf32>
    %slice3A_886 = vector.extract_strided_slice %slice3A_845 {offsets = [0, 128], sizes = [640, 128], strides = [1, 1]} : vector<640x256xf32> to vector<640x128xf32>
    %concatenate3A_887 = tpu.concatenate %slice3A_885, %slice3A_886 in 1 : vector<640x128xf32>, vector<640x128xf32> -> vector<640x256xf32>
    %dot_general3A_888 = arith.constant dense<0.000000e+00> : vector<640x256xf32>
    %dot_general3A_889 = tpu.matmul %get3A_1, %concatenate3A_887, %dot_general3A_888 {dimension_numbers = #tpu.dot_dimension_numbers<[1], [0], [0], [1], [0, 0, 1, 1], [], []>, transpose_lhs_hint = false} : vector<640x640xf32>, vector<640x256xf32>, vector<640x256xf32> -> vector<640x256xf32>
    %slice3A_890 = vector.extract_strided_slice %dot_general3A_889 {offsets = [0, 0], sizes = [640, 128], strides = [1, 1]} : vector<640x256xf32> to vector<640x128xf32>
    %slice3A_891 = vector.extract_strided_slice %dot_general3A_889 {offsets = [0, 128], sizes = [640, 128], strides = [1, 1]} : vector<640x256xf32> to vector<640x128xf32>
    %slice3A_892 = vector.extract_strided_slice %slice3A_849 {offsets = [0, 128], sizes = [640, 128], strides = [1, 1]} : vector<640x256xf32> to vector<640x128xf32>
    %slice3A_893 = vector.extract_strided_slice %slice3A_850 {offsets = [0, 128], sizes = [640, 128], strides = [1, 1]} : vector<640x256xf32> to vector<640x128xf32>
    %concatenate3A_894 = tpu.concatenate %slice3A_892, %slice3A_893 in 1 : vector<640x128xf32>, vector<640x128xf32> -> vector<640x256xf32>
    %dot_general3A_895 = arith.constant dense<0.000000e+00> : vector<640x256xf32>
    %dot_general3A_896 = tpu.matmul %get3A_1, %concatenate3A_894, %dot_general3A_895 {dimension_numbers = #tpu.dot_dimension_numbers<[1], [0], [0], [1], [0, 0, 1, 1], [], []>, transpose_lhs_hint = false} : vector<640x640xf32>, vector<640x256xf32>, vector<640x256xf32> -> vector<640x256xf32>
    %slice3A_897 = vector.extract_strided_slice %dot_general3A_896 {offsets = [0, 0], sizes = [640, 128], strides = [1, 1]} : vector<640x256xf32> to vector<640x128xf32>
    %slice3A_898 = vector.extract_strided_slice %dot_general3A_896 {offsets = [0, 128], sizes = [640, 128], strides = [1, 1]} : vector<640x256xf32> to vector<640x128xf32>
    %slice3A_899 = vector.extract_strided_slice %slice3A_854 {offsets = [0, 128], sizes = [640, 128], strides = [1, 1]} : vector<640x256xf32> to vector<640x128xf32>
    %slice3A_900 = vector.extract_strided_slice %slice3A_855 {offsets = [0, 128], sizes = [640, 128], strides = [1, 1]} : vector<640x256xf32> to vector<640x128xf32>
    %concatenate3A_901 = tpu.concatenate %slice3A_899, %slice3A_900 in 1 : vector<640x128xf32>, vector<640x128xf32> -> vector<640x256xf32>
    %dot_general3A_902 = arith.constant dense<0.000000e+00> : vector<640x256xf32>
    %dot_general3A_903 = tpu.matmul %get3A_1, %concatenate3A_901, %dot_general3A_902 {dimension_numbers = #tpu.dot_dimension_numbers<[1], [0], [0], [1], [0, 0, 1, 1], [], []>, transpose_lhs_hint = false} : vector<640x640xf32>, vector<640x256xf32>, vector<640x256xf32> -> vector<640x256xf32>
    %slice3A_904 = vector.extract_strided_slice %dot_general3A_903 {offsets = [0, 0], sizes = [640, 128], strides = [1, 1]} : vector<640x256xf32> to vector<640x128xf32>
    %slice3A_905 = vector.extract_strided_slice %dot_general3A_903 {offsets = [0, 128], sizes = [640, 128], strides = [1, 1]} : vector<640x256xf32> to vector<640x128xf32>
    %slice3A_906 = vector.extract_strided_slice %slice3A_859 {offsets = [0, 128], sizes = [640, 128], strides = [1, 1]} : vector<640x256xf32> to vector<640x128xf32>
    %slice3A_907 = vector.extract_strided_slice %slice3A_860 {offsets = [0, 128], sizes = [640, 128], strides = [1, 1]} : vector<640x256xf32> to vector<640x128xf32>
    %concatenate3A_908 = tpu.concatenate %slice3A_906, %slice3A_907 in 1 : vector<640x128xf32>, vector<640x128xf32> -> vector<640x256xf32>
    %dot_general3A_909 = arith.constant dense<0.000000e+00> : vector<640x256xf32>
    %dot_general3A_910 = tpu.matmul %get3A_1, %concatenate3A_908, %dot_general3A_909 {dimension_numbers = #tpu.dot_dimension_numbers<[1], [0], [0], [1], [0, 0, 1, 1], [], []>, transpose_lhs_hint = false} : vector<640x640xf32>, vector<640x256xf32>, vector<640x256xf32> -> vector<640x256xf32>
    %slice3A_911 = vector.extract_strided_slice %dot_general3A_910 {offsets = [0, 0], sizes = [640, 128], strides = [1, 1]} : vector<640x256xf32> to vector<640x128xf32>
    %slice3A_912 = vector.extract_strided_slice %dot_general3A_910 {offsets = [0, 128], sizes = [640, 128], strides = [1, 1]} : vector<640x256xf32> to vector<640x128xf32>
    %slice3A_913 = vector.extract_strided_slice %slice3A_864 {offsets = [0, 128], sizes = [640, 128], strides = [1, 1]} : vector<640x256xf32> to vector<640x128xf32>
    %slice3A_914 = vector.extract_strided_slice %slice3A_865 {offsets = [0, 128], sizes = [640, 128], strides = [1, 1]} : vector<640x256xf32> to vector<640x128xf32>
    %concatenate3A_915 = tpu.concatenate %slice3A_913, %slice3A_914 in 1 : vector<640x128xf32>, vector<640x128xf32> -> vector<640x256xf32>
    %dot_general3A_916 = arith.constant dense<0.000000e+00> : vector<640x256xf32>
    %dot_general3A_917 = tpu.matmul %get3A_1, %concatenate3A_915, %dot_general3A_916 {dimension_numbers = #tpu.dot_dimension_numbers<[1], [0], [0], [1], [0, 0, 1, 1], [], []>, transpose_lhs_hint = false} : vector<640x640xf32>, vector<640x256xf32>, vector<640x256xf32> -> vector<640x256xf32>
    %slice3A_918 = vector.extract_strided_slice %dot_general3A_917 {offsets = [0, 0], sizes = [640, 128], strides = [1, 1]} : vector<640x256xf32> to vector<640x128xf32>
    %slice3A_919 = vector.extract_strided_slice %dot_general3A_917 {offsets = [0, 128], sizes = [640, 128], strides = [1, 1]} : vector<640x256xf32> to vector<640x128xf32>
    %slice3A_920 = vector.extract_strided_slice %slice3A_869 {offsets = [0, 128], sizes = [640, 128], strides = [1, 1]} : vector<640x256xf32> to vector<640x128xf32>
    %slice3A_921 = vector.extract_strided_slice %slice3A_870 {offsets = [0, 128], sizes = [640, 128], strides = [1, 1]} : vector<640x256xf32> to vector<640x128xf32>
    %concatenate3A_922 = tpu.concatenate %slice3A_920, %slice3A_921 in 1 : vector<640x128xf32>, vector<640x128xf32> -> vector<640x256xf32>
    %dot_general3A_923 = arith.constant dense<0.000000e+00> : vector<640x256xf32>
    %dot_general3A_924 = tpu.matmul %get3A_1, %concatenate3A_922, %dot_general3A_923 {dimension_numbers = #tpu.dot_dimension_numbers<[1], [0], [0], [1], [0, 0, 1, 1], [], []>, transpose_lhs_hint = false} : vector<640x640xf32>, vector<640x256xf32>, vector<640x256xf32> -> vector<640x256xf32>
    %slice3A_925 = vector.extract_strided_slice %dot_general3A_924 {offsets = [0, 0], sizes = [640, 128], strides = [1, 1]} : vector<640x256xf32> to vector<640x128xf32>
    %slice3A_926 = vector.extract_strided_slice %dot_general3A_924 {offsets = [0, 128], sizes = [640, 128], strides = [1, 1]} : vector<640x256xf32> to vector<640x128xf32>
    %get3A_927 = arith.constant 0 : index
    %get3A_928 = arith.constant 0 : index
    %get3A_929 = vector.load %arg17[%get3A_927, %get3A_928] : memref<1x128xf32, #tpu.memory_space<vmem>>, vector<1x128xf32>
    %get3A_930 = arith.constant 0 : index
    %get3A_931 = arith.constant 0 : index
    %get3A_932 = vector.load %arg18[%get3A_930, %get3A_931] : memref<1x128xf32, #tpu.memory_space<vmem>>, vector<1x128xf32>
    %mul3A_933 = vector.broadcast %get3A_932 : vector<1x128xf32> to vector<640x128xf32>
    %mul3A_934 = vector.broadcast %mul3A : vector<640x1xf32> to vector<640x128xf32>
    %mul3A_935 = arith.mulf %mul3A_933, %mul3A_934 : vector<640x128xf32>
    %add3A_936 = vector.broadcast %get3A_929 : vector<1x128xf32> to vector<640x128xf32>
    %add3A_937 = arith.addf %add3A_936, %mul3A_935 : vector<640x128xf32>
    %get3A_938 = arith.constant 0 : index
    %get3A_939 = arith.constant 0 : index
    %get3A_940 = vector.load %arg19[%get3A_938, %get3A_939] : memref<1x128xf32, #tpu.memory_space<vmem>>, vector<1x128xf32>
    %mul3A_941 = arith.constant 0.999994993 : f32
    %mul3A_942 = vector.broadcast %mul3A_941 : f32 to vector<1x128xf32>
    %mul3A_943 = arith.mulf %mul3A_942, %get3A_940 : vector<1x128xf32>
    %slice3A_944 = vector.extract_strided_slice %slice3A_834 {offsets = [0, 0], sizes = [640, 128], strides = [1, 1]} : vector<640x256xf32> to vector<640x128xf32>
    %mul3A_945 = vector.broadcast %div3A_6 : vector<640x1xf32> to vector<640x128xf32>
    %mul3A_946 = arith.mulf %slice3A_876, %mul3A_945 : vector<640x128xf32>
    %add3A_947 = arith.addf %slice3A_944, %mul3A_946 : vector<640x128xf32>
    %add3A_948 = arith.addf %add3A_947, %add3A_937 : vector<640x128xf32>
    %add3A_949 = arith.addf %add3A_948, %max3A_583 : vector<640x128xf32>
    %mul3A_950 = vector.broadcast %mul3A_943 : vector<1x128xf32> to vector<640x128xf32>
    %mul3A_951 = arith.mulf %add3A_949, %mul3A_950 : vector<640x128xf32>
    %get3A_952 = arith.constant 0 : index
    %get3A_953 = arith.constant 0 : index
    %get3A_954 = vector.load %arg20[%get3A_952, %get3A_953] : memref<1x128xf32, #tpu.memory_space<vmem>>, vector<1x128xf32>
    %add3A_955 = vector.broadcast %get3A_954 : vector<1x128xf32> to vector<640x128xf32>
    %add3A_956 = arith.addf %mul3A_951, %add3A_955 : vector<640x128xf32>
    %max3A_957 = arith.constant 0.000000e+00 : f32
    %max3A_958 = vector.broadcast %max3A_957 : f32 to vector<640x128xf32>
    %max3A_959 = arith.maximumf %add3A_956, %max3A_958 : vector<640x128xf32>
    %slice3A_960 = vector.extract_strided_slice %slice3A_835 {offsets = [0, 0], sizes = [640, 128], strides = [1, 1]} : vector<640x256xf32> to vector<640x128xf32>
    %mul3A_961 = vector.broadcast %div3A_6 : vector<640x1xf32> to vector<640x128xf32>
    %mul3A_962 = arith.mulf %slice3A_877, %mul3A_961 : vector<640x128xf32>
    %add3A_963 = arith.addf %slice3A_960, %mul3A_962 : vector<640x128xf32>
    %add3A_964 = arith.addf %add3A_963, %add3A_937 : vector<640x128xf32>
    %add3A_965 = arith.addf %add3A_964, %max3A_599 : vector<640x128xf32>
    %mul3A_966 = vector.broadcast %mul3A_943 : vector<1x128xf32> to vector<640x128xf32>
    %mul3A_967 = arith.mulf %add3A_965, %mul3A_966 : vector<640x128xf32>
    %get3A_968 = arith.constant 0 : index
    %get3A_969 = arith.constant 0 : index
    %get3A_970 = vector.load %arg20[%get3A_968, %get3A_969] : memref<1x128xf32, #tpu.memory_space<vmem>>, vector<1x128xf32>
    %add3A_971 = vector.broadcast %get3A_970 : vector<1x128xf32> to vector<640x128xf32>
    %add3A_972 = arith.addf %mul3A_967, %add3A_971 : vector<640x128xf32>
    %max3A_973 = arith.constant 0.000000e+00 : f32
    %max3A_974 = vector.broadcast %max3A_973 : f32 to vector<640x128xf32>
    %max3A_975 = arith.maximumf %add3A_972, %max3A_974 : vector<640x128xf32>
    %slice3A_976 = vector.extract_strided_slice %slice3A_839 {offsets = [0, 0], sizes = [640, 128], strides = [1, 1]} : vector<640x256xf32> to vector<640x128xf32>
    %mul3A_977 = vector.broadcast %div3A_6 : vector<640x1xf32> to vector<640x128xf32>
    %mul3A_978 = arith.mulf %slice3A_883, %mul3A_977 : vector<640x128xf32>
    %add3A_979 = arith.addf %slice3A_976, %mul3A_978 : vector<640x128xf32>
    %add3A_980 = arith.addf %add3A_979, %add3A_937 : vector<640x128xf32>
    %add3A_981 = arith.addf %add3A_980, %max3A_615 : vector<640x128xf32>
    %mul3A_982 = vector.broadcast %mul3A_943 : vector<1x128xf32> to vector<640x128xf32>
    %mul3A_983 = arith.mulf %add3A_981, %mul3A_982 : vector<640x128xf32>
    %get3A_984 = arith.constant 0 : index
    %get3A_985 = arith.constant 0 : index
    %get3A_986 = vector.load %arg20[%get3A_984, %get3A_985] : memref<1x128xf32, #tpu.memory_space<vmem>>, vector<1x128xf32>
    %add3A_987 = vector.broadcast %get3A_986 : vector<1x128xf32> to vector<640x128xf32>
    %add3A_988 = arith.addf %mul3A_983, %add3A_987 : vector<640x128xf32>
    %max3A_989 = arith.constant 0.000000e+00 : f32
    %max3A_990 = vector.broadcast %max3A_989 : f32 to vector<640x128xf32>
    %max3A_991 = arith.maximumf %add3A_988, %max3A_990 : vector<640x128xf32>
    %slice3A_992 = vector.extract_strided_slice %slice3A_840 {offsets = [0, 0], sizes = [640, 128], strides = [1, 1]} : vector<640x256xf32> to vector<640x128xf32>
    %mul3A_993 = vector.broadcast %div3A_6 : vector<640x1xf32> to vector<640x128xf32>
    %mul3A_994 = arith.mulf %slice3A_884, %mul3A_993 : vector<640x128xf32>
    %add3A_995 = arith.addf %slice3A_992, %mul3A_994 : vector<640x128xf32>
    %add3A_996 = arith.addf %add3A_995, %add3A_937 : vector<640x128xf32>
    %add3A_997 = arith.addf %add3A_996, %max3A_631 : vector<640x128xf32>
    %mul3A_998 = vector.broadcast %mul3A_943 : vector<1x128xf32> to vector<640x128xf32>
    %mul3A_999 = arith.mulf %add3A_997, %mul3A_998 : vector<640x128xf32>
    %get3A_1000 = arith.constant 0 : index
    %get3A_1001 = arith.constant 0 : index
    %get3A_1002 = vector.load %arg20[%get3A_1000, %get3A_1001] : memref<1x128xf32, #tpu.memory_space<vmem>>, vector<1x128xf32>
    %add3A_1003 = vector.broadcast %get3A_1002 : vector<1x128xf32> to vector<640x128xf32>
    %add3A_1004 = arith.addf %mul3A_999, %add3A_1003 : vector<640x128xf32>
    %max3A_1005 = arith.constant 0.000000e+00 : f32
    %max3A_1006 = vector.broadcast %max3A_1005 : f32 to vector<640x128xf32>
    %max3A_1007 = arith.maximumf %add3A_1004, %max3A_1006 : vector<640x128xf32>
    %slice3A_1008 = vector.extract_strided_slice %slice3A_844 {offsets = [0, 0], sizes = [640, 128], strides = [1, 1]} : vector<640x256xf32> to vector<640x128xf32>
    %mul3A_1009 = vector.broadcast %div3A_6 : vector<640x1xf32> to vector<640x128xf32>
    %mul3A_1010 = arith.mulf %slice3A_890, %mul3A_1009 : vector<640x128xf32>
    %add3A_1011 = arith.addf %slice3A_1008, %mul3A_1010 : vector<640x128xf32>
    %add3A_1012 = arith.addf %add3A_1011, %add3A_937 : vector<640x128xf32>
    %add3A_1013 = arith.addf %add3A_1012, %max3A_647 : vector<640x128xf32>
    %mul3A_1014 = vector.broadcast %mul3A_943 : vector<1x128xf32> to vector<640x128xf32>
    %mul3A_1015 = arith.mulf %add3A_1013, %mul3A_1014 : vector<640x128xf32>
    %get3A_1016 = arith.constant 0 : index
    %get3A_1017 = arith.constant 0 : index
    %get3A_1018 = vector.load %arg20[%get3A_1016, %get3A_1017] : memref<1x128xf32, #tpu.memory_space<vmem>>, vector<1x128xf32>
    %add3A_1019 = vector.broadcast %get3A_1018 : vector<1x128xf32> to vector<640x128xf32>
    %add3A_1020 = arith.addf %mul3A_1015, %add3A_1019 : vector<640x128xf32>
    %max3A_1021 = arith.constant 0.000000e+00 : f32
    %max3A_1022 = vector.broadcast %max3A_1021 : f32 to vector<640x128xf32>
    %max3A_1023 = arith.maximumf %add3A_1020, %max3A_1022 : vector<640x128xf32>
    %slice3A_1024 = vector.extract_strided_slice %slice3A_845 {offsets = [0, 0], sizes = [640, 128], strides = [1, 1]} : vector<640x256xf32> to vector<640x128xf32>
    %mul3A_1025 = vector.broadcast %div3A_6 : vector<640x1xf32> to vector<640x128xf32>
    %mul3A_1026 = arith.mulf %slice3A_891, %mul3A_1025 : vector<640x128xf32>
    %add3A_1027 = arith.addf %slice3A_1024, %mul3A_1026 : vector<640x128xf32>
    %add3A_1028 = arith.addf %add3A_1027, %add3A_937 : vector<640x128xf32>
    %add3A_1029 = arith.addf %add3A_1028, %max3A_663 : vector<640x128xf32>
    %mul3A_1030 = vector.broadcast %mul3A_943 : vector<1x128xf32> to vector<640x128xf32>
    %mul3A_1031 = arith.mulf %add3A_1029, %mul3A_1030 : vector<640x128xf32>
    %get3A_1032 = arith.constant 0 : index
    %get3A_1033 = arith.constant 0 : index
    %get3A_1034 = vector.load %arg20[%get3A_1032, %get3A_1033] : memref<1x128xf32, #tpu.memory_space<vmem>>, vector<1x128xf32>
    %add3A_1035 = vector.broadcast %get3A_1034 : vector<1x128xf32> to vector<640x128xf32>
    %add3A_1036 = arith.addf %mul3A_1031, %add3A_1035 : vector<640x128xf32>
    %max3A_1037 = arith.constant 0.000000e+00 : f32
    %max3A_1038 = vector.broadcast %max3A_1037 : f32 to vector<640x128xf32>
    %max3A_1039 = arith.maximumf %add3A_1036, %max3A_1038 : vector<640x128xf32>
    %slice3A_1040 = vector.extract_strided_slice %slice3A_849 {offsets = [0, 0], sizes = [640, 128], strides = [1, 1]} : vector<640x256xf32> to vector<640x128xf32>
    %mul3A_1041 = vector.broadcast %div3A_6 : vector<640x1xf32> to vector<640x128xf32>
    %mul3A_1042 = arith.mulf %slice3A_897, %mul3A_1041 : vector<640x128xf32>
    %add3A_1043 = arith.addf %slice3A_1040, %mul3A_1042 : vector<640x128xf32>
    %add3A_1044 = arith.addf %add3A_1043, %add3A_937 : vector<640x128xf32>
    %add3A_1045 = arith.addf %add3A_1044, %max3A_679 : vector<640x128xf32>
    %mul3A_1046 = vector.broadcast %mul3A_943 : vector<1x128xf32> to vector<640x128xf32>
    %mul3A_1047 = arith.mulf %add3A_1045, %mul3A_1046 : vector<640x128xf32>
    %get3A_1048 = arith.constant 0 : index
    %get3A_1049 = arith.constant 0 : index
    %get3A_1050 = vector.load %arg20[%get3A_1048, %get3A_1049] : memref<1x128xf32, #tpu.memory_space<vmem>>, vector<1x128xf32>
    %add3A_1051 = vector.broadcast %get3A_1050 : vector<1x128xf32> to vector<640x128xf32>
    %add3A_1052 = arith.addf %mul3A_1047, %add3A_1051 : vector<640x128xf32>
    %max3A_1053 = arith.constant 0.000000e+00 : f32
    %max3A_1054 = vector.broadcast %max3A_1053 : f32 to vector<640x128xf32>
    %max3A_1055 = arith.maximumf %add3A_1052, %max3A_1054 : vector<640x128xf32>
    %slice3A_1056 = vector.extract_strided_slice %slice3A_850 {offsets = [0, 0], sizes = [640, 128], strides = [1, 1]} : vector<640x256xf32> to vector<640x128xf32>
    %mul3A_1057 = vector.broadcast %div3A_6 : vector<640x1xf32> to vector<640x128xf32>
    %mul3A_1058 = arith.mulf %slice3A_898, %mul3A_1057 : vector<640x128xf32>
    %add3A_1059 = arith.addf %slice3A_1056, %mul3A_1058 : vector<640x128xf32>
    %add3A_1060 = arith.addf %add3A_1059, %add3A_937 : vector<640x128xf32>
    %add3A_1061 = arith.addf %add3A_1060, %max3A_695 : vector<640x128xf32>
    %mul3A_1062 = vector.broadcast %mul3A_943 : vector<1x128xf32> to vector<640x128xf32>
    %mul3A_1063 = arith.mulf %add3A_1061, %mul3A_1062 : vector<640x128xf32>
    %get3A_1064 = arith.constant 0 : index
    %get3A_1065 = arith.constant 0 : index
    %get3A_1066 = vector.load %arg20[%get3A_1064, %get3A_1065] : memref<1x128xf32, #tpu.memory_space<vmem>>, vector<1x128xf32>
    %add3A_1067 = vector.broadcast %get3A_1066 : vector<1x128xf32> to vector<640x128xf32>
    %add3A_1068 = arith.addf %mul3A_1063, %add3A_1067 : vector<640x128xf32>
    %max3A_1069 = arith.constant 0.000000e+00 : f32
    %max3A_1070 = vector.broadcast %max3A_1069 : f32 to vector<640x128xf32>
    %max3A_1071 = arith.maximumf %add3A_1068, %max3A_1070 : vector<640x128xf32>
    %slice3A_1072 = vector.extract_strided_slice %slice3A_854 {offsets = [0, 0], sizes = [640, 128], strides = [1, 1]} : vector<640x256xf32> to vector<640x128xf32>
    %mul3A_1073 = vector.broadcast %div3A_6 : vector<640x1xf32> to vector<640x128xf32>
    %mul3A_1074 = arith.mulf %slice3A_904, %mul3A_1073 : vector<640x128xf32>
    %add3A_1075 = arith.addf %slice3A_1072, %mul3A_1074 : vector<640x128xf32>
    %add3A_1076 = arith.addf %add3A_1075, %add3A_937 : vector<640x128xf32>
    %add3A_1077 = arith.addf %add3A_1076, %max3A_711 : vector<640x128xf32>
    %mul3A_1078 = vector.broadcast %mul3A_943 : vector<1x128xf32> to vector<640x128xf32>
    %mul3A_1079 = arith.mulf %add3A_1077, %mul3A_1078 : vector<640x128xf32>
    %get3A_1080 = arith.constant 0 : index
    %get3A_1081 = arith.constant 0 : index
    %get3A_1082 = vector.load %arg20[%get3A_1080, %get3A_1081] : memref<1x128xf32, #tpu.memory_space<vmem>>, vector<1x128xf32>
    %add3A_1083 = vector.broadcast %get3A_1082 : vector<1x128xf32> to vector<640x128xf32>
    %add3A_1084 = arith.addf %mul3A_1079, %add3A_1083 : vector<640x128xf32>
    %max3A_1085 = arith.constant 0.000000e+00 : f32
    %max3A_1086 = vector.broadcast %max3A_1085 : f32 to vector<640x128xf32>
    %max3A_1087 = arith.maximumf %add3A_1084, %max3A_1086 : vector<640x128xf32>
    %slice3A_1088 = vector.extract_strided_slice %slice3A_855 {offsets = [0, 0], sizes = [640, 128], strides = [1, 1]} : vector<640x256xf32> to vector<640x128xf32>
    %mul3A_1089 = vector.broadcast %div3A_6 : vector<640x1xf32> to vector<640x128xf32>
    %mul3A_1090 = arith.mulf %slice3A_905, %mul3A_1089 : vector<640x128xf32>
    %add3A_1091 = arith.addf %slice3A_1088, %mul3A_1090 : vector<640x128xf32>
    %add3A_1092 = arith.addf %add3A_1091, %add3A_937 : vector<640x128xf32>
    %add3A_1093 = arith.addf %add3A_1092, %max3A_727 : vector<640x128xf32>
    %mul3A_1094 = vector.broadcast %mul3A_943 : vector<1x128xf32> to vector<640x128xf32>
    %mul3A_1095 = arith.mulf %add3A_1093, %mul3A_1094 : vector<640x128xf32>
    %get3A_1096 = arith.constant 0 : index
    %get3A_1097 = arith.constant 0 : index
    %get3A_1098 = vector.load %arg20[%get3A_1096, %get3A_1097] : memref<1x128xf32, #tpu.memory_space<vmem>>, vector<1x128xf32>
    %add3A_1099 = vector.broadcast %get3A_1098 : vector<1x128xf32> to vector<640x128xf32>
    %add3A_1100 = arith.addf %mul3A_1095, %add3A_1099 : vector<640x128xf32>
    %max3A_1101 = arith.constant 0.000000e+00 : f32
    %max3A_1102 = vector.broadcast %max3A_1101 : f32 to vector<640x128xf32>
    %max3A_1103 = arith.maximumf %add3A_1100, %max3A_1102 : vector<640x128xf32>
    %slice3A_1104 = vector.extract_strided_slice %slice3A_859 {offsets = [0, 0], sizes = [640, 128], strides = [1, 1]} : vector<640x256xf32> to vector<640x128xf32>
    %mul3A_1105 = vector.broadcast %div3A_6 : vector<640x1xf32> to vector<640x128xf32>
    %mul3A_1106 = arith.mulf %slice3A_911, %mul3A_1105 : vector<640x128xf32>
    %add3A_1107 = arith.addf %slice3A_1104, %mul3A_1106 : vector<640x128xf32>
    %add3A_1108 = arith.addf %add3A_1107, %add3A_937 : vector<640x128xf32>
    %add3A_1109 = arith.addf %add3A_1108, %max3A_743 : vector<640x128xf32>
    %mul3A_1110 = vector.broadcast %mul3A_943 : vector<1x128xf32> to vector<640x128xf32>
    %mul3A_1111 = arith.mulf %add3A_1109, %mul3A_1110 : vector<640x128xf32>
    %get3A_1112 = arith.constant 0 : index
    %get3A_1113 = arith.constant 0 : index
    %get3A_1114 = vector.load %arg20[%get3A_1112, %get3A_1113] : memref<1x128xf32, #tpu.memory_space<vmem>>, vector<1x128xf32>
    %add3A_1115 = vector.broadcast %get3A_1114 : vector<1x128xf32> to vector<640x128xf32>
    %add3A_1116 = arith.addf %mul3A_1111, %add3A_1115 : vector<640x128xf32>
    %max3A_1117 = arith.constant 0.000000e+00 : f32
    %max3A_1118 = vector.broadcast %max3A_1117 : f32 to vector<640x128xf32>
    %max3A_1119 = arith.maximumf %add3A_1116, %max3A_1118 : vector<640x128xf32>
    %slice3A_1120 = vector.extract_strided_slice %slice3A_860 {offsets = [0, 0], sizes = [640, 128], strides = [1, 1]} : vector<640x256xf32> to vector<640x128xf32>
    %mul3A_1121 = vector.broadcast %div3A_6 : vector<640x1xf32> to vector<640x128xf32>
    %mul3A_1122 = arith.mulf %slice3A_912, %mul3A_1121 : vector<640x128xf32>
    %add3A_1123 = arith.addf %slice3A_1120, %mul3A_1122 : vector<640x128xf32>
    %add3A_1124 = arith.addf %add3A_1123, %add3A_937 : vector<640x128xf32>
    %add3A_1125 = arith.addf %add3A_1124, %max3A_759 : vector<640x128xf32>
    %mul3A_1126 = vector.broadcast %mul3A_943 : vector<1x128xf32> to vector<640x128xf32>
    %mul3A_1127 = arith.mulf %add3A_1125, %mul3A_1126 : vector<640x128xf32>
    %get3A_1128 = arith.constant 0 : index
    %get3A_1129 = arith.constant 0 : index
    %get3A_1130 = vector.load %arg20[%get3A_1128, %get3A_1129] : memref<1x128xf32, #tpu.memory_space<vmem>>, vector<1x128xf32>
    %add3A_1131 = vector.broadcast %get3A_1130 : vector<1x128xf32> to vector<640x128xf32>
    %add3A_1132 = arith.addf %mul3A_1127, %add3A_1131 : vector<640x128xf32>
    %max3A_1133 = arith.constant 0.000000e+00 : f32
    %max3A_1134 = vector.broadcast %max3A_1133 : f32 to vector<640x128xf32>
    %max3A_1135 = arith.maximumf %add3A_1132, %max3A_1134 : vector<640x128xf32>
    %slice3A_1136 = vector.extract_strided_slice %slice3A_864 {offsets = [0, 0], sizes = [640, 128], strides = [1, 1]} : vector<640x256xf32> to vector<640x128xf32>
    %mul3A_1137 = vector.broadcast %div3A_6 : vector<640x1xf32> to vector<640x128xf32>
    %mul3A_1138 = arith.mulf %slice3A_918, %mul3A_1137 : vector<640x128xf32>
    %add3A_1139 = arith.addf %slice3A_1136, %mul3A_1138 : vector<640x128xf32>
    %add3A_1140 = arith.addf %add3A_1139, %add3A_937 : vector<640x128xf32>
    %add3A_1141 = arith.addf %add3A_1140, %max3A_775 : vector<640x128xf32>
    %mul3A_1142 = vector.broadcast %mul3A_943 : vector<1x128xf32> to vector<640x128xf32>
    %mul3A_1143 = arith.mulf %add3A_1141, %mul3A_1142 : vector<640x128xf32>
    %get3A_1144 = arith.constant 0 : index
    %get3A_1145 = arith.constant 0 : index
    %get3A_1146 = vector.load %arg20[%get3A_1144, %get3A_1145] : memref<1x128xf32, #tpu.memory_space<vmem>>, vector<1x128xf32>
    %add3A_1147 = vector.broadcast %get3A_1146 : vector<1x128xf32> to vector<640x128xf32>
    %add3A_1148 = arith.addf %mul3A_1143, %add3A_1147 : vector<640x128xf32>
    %max3A_1149 = arith.constant 0.000000e+00 : f32
    %max3A_1150 = vector.broadcast %max3A_1149 : f32 to vector<640x128xf32>
    %max3A_1151 = arith.maximumf %add3A_1148, %max3A_1150 : vector<640x128xf32>
    %slice3A_1152 = vector.extract_strided_slice %slice3A_865 {offsets = [0, 0], sizes = [640, 128], strides = [1, 1]} : vector<640x256xf32> to vector<640x128xf32>
    %mul3A_1153 = vector.broadcast %div3A_6 : vector<640x1xf32> to vector<640x128xf32>
    %mul3A_1154 = arith.mulf %slice3A_919, %mul3A_1153 : vector<640x128xf32>
    %add3A_1155 = arith.addf %slice3A_1152, %mul3A_1154 : vector<640x128xf32>
    %add3A_1156 = arith.addf %add3A_1155, %add3A_937 : vector<640x128xf32>
    %add3A_1157 = arith.addf %add3A_1156, %max3A_791 : vector<640x128xf32>
    %mul3A_1158 = vector.broadcast %mul3A_943 : vector<1x128xf32> to vector<640x128xf32>
    %mul3A_1159 = arith.mulf %add3A_1157, %mul3A_1158 : vector<640x128xf32>
    %get3A_1160 = arith.constant 0 : index
    %get3A_1161 = arith.constant 0 : index
    %get3A_1162 = vector.load %arg20[%get3A_1160, %get3A_1161] : memref<1x128xf32, #tpu.memory_space<vmem>>, vector<1x128xf32>
    %add3A_1163 = vector.broadcast %get3A_1162 : vector<1x128xf32> to vector<640x128xf32>
    %add3A_1164 = arith.addf %mul3A_1159, %add3A_1163 : vector<640x128xf32>
    %max3A_1165 = arith.constant 0.000000e+00 : f32
    %max3A_1166 = vector.broadcast %max3A_1165 : f32 to vector<640x128xf32>
    %max3A_1167 = arith.maximumf %add3A_1164, %max3A_1166 : vector<640x128xf32>
    %slice3A_1168 = vector.extract_strided_slice %slice3A_869 {offsets = [0, 0], sizes = [640, 128], strides = [1, 1]} : vector<640x256xf32> to vector<640x128xf32>
    %mul3A_1169 = vector.broadcast %div3A_6 : vector<640x1xf32> to vector<640x128xf32>
    %mul3A_1170 = arith.mulf %slice3A_925, %mul3A_1169 : vector<640x128xf32>
    %add3A_1171 = arith.addf %slice3A_1168, %mul3A_1170 : vector<640x128xf32>
    %add3A_1172 = arith.addf %add3A_1171, %add3A_937 : vector<640x128xf32>
    %add3A_1173 = arith.addf %add3A_1172, %max3A_807 : vector<640x128xf32>
    %mul3A_1174 = vector.broadcast %mul3A_943 : vector<1x128xf32> to vector<640x128xf32>
    %mul3A_1175 = arith.mulf %add3A_1173, %mul3A_1174 : vector<640x128xf32>
    %get3A_1176 = arith.constant 0 : index
    %get3A_1177 = arith.constant 0 : index
    %get3A_1178 = vector.load %arg20[%get3A_1176, %get3A_1177] : memref<1x128xf32, #tpu.memory_space<vmem>>, vector<1x128xf32>
    %add3A_1179 = vector.broadcast %get3A_1178 : vector<1x128xf32> to vector<640x128xf32>
    %add3A_1180 = arith.addf %mul3A_1175, %add3A_1179 : vector<640x128xf32>
    %max3A_1181 = arith.constant 0.000000e+00 : f32
    %max3A_1182 = vector.broadcast %max3A_1181 : f32 to vector<640x128xf32>
    %max3A_1183 = arith.maximumf %add3A_1180, %max3A_1182 : vector<640x128xf32>
    %slice3A_1184 = vector.extract_strided_slice %slice3A_870 {offsets = [0, 0], sizes = [640, 128], strides = [1, 1]} : vector<640x256xf32> to vector<640x128xf32>
    %mul3A_1185 = vector.broadcast %div3A_6 : vector<640x1xf32> to vector<640x128xf32>
    %mul3A_1186 = arith.mulf %slice3A_926, %mul3A_1185 : vector<640x128xf32>
    %add3A_1187 = arith.addf %slice3A_1184, %mul3A_1186 : vector<640x128xf32>
    %add3A_1188 = arith.addf %add3A_1187, %add3A_937 : vector<640x128xf32>
    %add3A_1189 = arith.addf %add3A_1188, %max3A_823 : vector<640x128xf32>
    %mul3A_1190 = vector.broadcast %mul3A_943 : vector<1x128xf32> to vector<640x128xf32>
    %mul3A_1191 = arith.mulf %add3A_1189, %mul3A_1190 : vector<640x128xf32>
    %get3A_1192 = arith.constant 0 : index
    %get3A_1193 = arith.constant 0 : index
    %get3A_1194 = vector.load %arg20[%get3A_1192, %get3A_1193] : memref<1x128xf32, #tpu.memory_space<vmem>>, vector<1x128xf32>
    %add3A_1195 = vector.broadcast %get3A_1194 : vector<1x128xf32> to vector<640x128xf32>
    %add3A_1196 = arith.addf %mul3A_1191, %add3A_1195 : vector<640x128xf32>
    %max3A_1197 = arith.constant 0.000000e+00 : f32
    %max3A_1198 = vector.broadcast %max3A_1197 : f32 to vector<640x128xf32>
    %max3A_1199 = arith.maximumf %add3A_1196, %max3A_1198 : vector<640x128xf32>
    %get3A_1200 = arith.constant 0 : index
    %get3A_1201 = arith.constant 0 : index
    %get3A_1202 = vector.load %arg21[%get3A_1200, %get3A_1201] : memref<128x128xf32, #tpu.memory_space<vmem>>, vector<128x128xf32>
    %get3A_1203 = arith.constant 0 : index
    %get3A_1204 = arith.constant 0 : index
    %get3A_1205 = vector.load %arg22[%get3A_1203, %get3A_1204] : memref<128x128xf32, #tpu.memory_space<vmem>>, vector<128x128xf32>
    %concatenate3A_1206 = tpu.concatenate %get3A_1202, %get3A_1205 in 1 : vector<128x128xf32>, vector<128x128xf32> -> vector<128x256xf32>
    %concatenate3A_1207 = tpu.concatenate %max3A_959, %max3A_975 in 0 : vector<640x128xf32>, vector<640x128xf32> -> vector<1280x128xf32>
    %dot_general3A_1208 = arith.constant dense<0.000000e+00> : vector<1280x256xf32>
    %dot_general3A_1209 = tpu.matmul %concatenate3A_1207, %concatenate3A_1206, %dot_general3A_1208 {dimension_numbers = #tpu.dot_dimension_numbers<[1], [0], [0], [1], [0, 0, 1, 1], [], []>, transpose_lhs_hint = false} : vector<1280x128xf32>, vector<128x256xf32>, vector<1280x256xf32> -> vector<1280x256xf32>
    %slice3A_1210 = vector.extract_strided_slice %dot_general3A_1209 {offsets = [0, 0], sizes = [640, 256], strides = [1, 1]} : vector<1280x256xf32> to vector<640x256xf32>
    %slice3A_1211 = vector.extract_strided_slice %dot_general3A_1209 {offsets = [640, 0], sizes = [640, 256], strides = [1, 1]} : vector<1280x256xf32> to vector<640x256xf32>
    %concatenate3A_1212 = tpu.concatenate %max3A_991, %max3A_1007 in 0 : vector<640x128xf32>, vector<640x128xf32> -> vector<1280x128xf32>
    %dot_general3A_1213 = arith.constant dense<0.000000e+00> : vector<1280x256xf32>
    %dot_general3A_1214 = tpu.matmul %concatenate3A_1212, %concatenate3A_1206, %dot_general3A_1213 {dimension_numbers = #tpu.dot_dimension_numbers<[1], [0], [0], [1], [0, 0, 1, 1], [], []>, transpose_lhs_hint = false} : vector<1280x128xf32>, vector<128x256xf32>, vector<1280x256xf32> -> vector<1280x256xf32>
    %slice3A_1215 = vector.extract_strided_slice %dot_general3A_1214 {offsets = [0, 0], sizes = [640, 256], strides = [1, 1]} : vector<1280x256xf32> to vector<640x256xf32>
    %slice3A_1216 = vector.extract_strided_slice %dot_general3A_1214 {offsets = [640, 0], sizes = [640, 256], strides = [1, 1]} : vector<1280x256xf32> to vector<640x256xf32>
    %concatenate3A_1217 = tpu.concatenate %max3A_1023, %max3A_1039 in 0 : vector<640x128xf32>, vector<640x128xf32> -> vector<1280x128xf32>
    %dot_general3A_1218 = arith.constant dense<0.000000e+00> : vector<1280x256xf32>
    %dot_general3A_1219 = tpu.matmul %concatenate3A_1217, %concatenate3A_1206, %dot_general3A_1218 {dimension_numbers = #tpu.dot_dimension_numbers<[1], [0], [0], [1], [0, 0, 1, 1], [], []>, transpose_lhs_hint = false} : vector<1280x128xf32>, vector<128x256xf32>, vector<1280x256xf32> -> vector<1280x256xf32>
    %slice3A_1220 = vector.extract_strided_slice %dot_general3A_1219 {offsets = [0, 0], sizes = [640, 256], strides = [1, 1]} : vector<1280x256xf32> to vector<640x256xf32>
    %slice3A_1221 = vector.extract_strided_slice %dot_general3A_1219 {offsets = [640, 0], sizes = [640, 256], strides = [1, 1]} : vector<1280x256xf32> to vector<640x256xf32>
    %concatenate3A_1222 = tpu.concatenate %max3A_1055, %max3A_1071 in 0 : vector<640x128xf32>, vector<640x128xf32> -> vector<1280x128xf32>
    %dot_general3A_1223 = arith.constant dense<0.000000e+00> : vector<1280x256xf32>
    %dot_general3A_1224 = tpu.matmul %concatenate3A_1222, %concatenate3A_1206, %dot_general3A_1223 {dimension_numbers = #tpu.dot_dimension_numbers<[1], [0], [0], [1], [0, 0, 1, 1], [], []>, transpose_lhs_hint = false} : vector<1280x128xf32>, vector<128x256xf32>, vector<1280x256xf32> -> vector<1280x256xf32>
    %slice3A_1225 = vector.extract_strided_slice %dot_general3A_1224 {offsets = [0, 0], sizes = [640, 256], strides = [1, 1]} : vector<1280x256xf32> to vector<640x256xf32>
    %slice3A_1226 = vector.extract_strided_slice %dot_general3A_1224 {offsets = [640, 0], sizes = [640, 256], strides = [1, 1]} : vector<1280x256xf32> to vector<640x256xf32>
    %concatenate3A_1227 = tpu.concatenate %max3A_1087, %max3A_1103 in 0 : vector<640x128xf32>, vector<640x128xf32> -> vector<1280x128xf32>
    %dot_general3A_1228 = arith.constant dense<0.000000e+00> : vector<1280x256xf32>
    %dot_general3A_1229 = tpu.matmul %concatenate3A_1227, %concatenate3A_1206, %dot_general3A_1228 {dimension_numbers = #tpu.dot_dimension_numbers<[1], [0], [0], [1], [0, 0, 1, 1], [], []>, transpose_lhs_hint = false} : vector<1280x128xf32>, vector<128x256xf32>, vector<1280x256xf32> -> vector<1280x256xf32>
    %slice3A_1230 = vector.extract_strided_slice %dot_general3A_1229 {offsets = [0, 0], sizes = [640, 256], strides = [1, 1]} : vector<1280x256xf32> to vector<640x256xf32>
    %slice3A_1231 = vector.extract_strided_slice %dot_general3A_1229 {offsets = [640, 0], sizes = [640, 256], strides = [1, 1]} : vector<1280x256xf32> to vector<640x256xf32>
    %concatenate3A_1232 = tpu.concatenate %max3A_1119, %max3A_1135 in 0 : vector<640x128xf32>, vector<640x128xf32> -> vector<1280x128xf32>
    %dot_general3A_1233 = arith.constant dense<0.000000e+00> : vector<1280x256xf32>
    %dot_general3A_1234 = tpu.matmul %concatenate3A_1232, %concatenate3A_1206, %dot_general3A_1233 {dimension_numbers = #tpu.dot_dimension_numbers<[1], [0], [0], [1], [0, 0, 1, 1], [], []>, transpose_lhs_hint = false} : vector<1280x128xf32>, vector<128x256xf32>, vector<1280x256xf32> -> vector<1280x256xf32>
    %slice3A_1235 = vector.extract_strided_slice %dot_general3A_1234 {offsets = [0, 0], sizes = [640, 256], strides = [1, 1]} : vector<1280x256xf32> to vector<640x256xf32>
    %slice3A_1236 = vector.extract_strided_slice %dot_general3A_1234 {offsets = [640, 0], sizes = [640, 256], strides = [1, 1]} : vector<1280x256xf32> to vector<640x256xf32>
    %concatenate3A_1237 = tpu.concatenate %max3A_1151, %max3A_1167 in 0 : vector<640x128xf32>, vector<640x128xf32> -> vector<1280x128xf32>
    %dot_general3A_1238 = arith.constant dense<0.000000e+00> : vector<1280x256xf32>
    %dot_general3A_1239 = tpu.matmul %concatenate3A_1237, %concatenate3A_1206, %dot_general3A_1238 {dimension_numbers = #tpu.dot_dimension_numbers<[1], [0], [0], [1], [0, 0, 1, 1], [], []>, transpose_lhs_hint = false} : vector<1280x128xf32>, vector<128x256xf32>, vector<1280x256xf32> -> vector<1280x256xf32>
    %slice3A_1240 = vector.extract_strided_slice %dot_general3A_1239 {offsets = [0, 0], sizes = [640, 256], strides = [1, 1]} : vector<1280x256xf32> to vector<640x256xf32>
    %slice3A_1241 = vector.extract_strided_slice %dot_general3A_1239 {offsets = [640, 0], sizes = [640, 256], strides = [1, 1]} : vector<1280x256xf32> to vector<640x256xf32>
    %concatenate3A_1242 = tpu.concatenate %max3A_1183, %max3A_1199 in 0 : vector<640x128xf32>, vector<640x128xf32> -> vector<1280x128xf32>
    %dot_general3A_1243 = arith.constant dense<0.000000e+00> : vector<1280x256xf32>
    %dot_general3A_1244 = tpu.matmul %concatenate3A_1242, %concatenate3A_1206, %dot_general3A_1243 {dimension_numbers = #tpu.dot_dimension_numbers<[1], [0], [0], [1], [0, 0, 1, 1], [], []>, transpose_lhs_hint = false} : vector<1280x128xf32>, vector<128x256xf32>, vector<1280x256xf32> -> vector<1280x256xf32>
    %slice3A_1245 = vector.extract_strided_slice %dot_general3A_1244 {offsets = [0, 0], sizes = [640, 256], strides = [1, 1]} : vector<1280x256xf32> to vector<640x256xf32>
    %slice3A_1246 = vector.extract_strided_slice %dot_general3A_1244 {offsets = [640, 0], sizes = [640, 256], strides = [1, 1]} : vector<1280x256xf32> to vector<640x256xf32>
    %slice3A_1247 = vector.extract_strided_slice %slice3A_1210 {offsets = [0, 128], sizes = [640, 128], strides = [1, 1]} : vector<640x256xf32> to vector<640x128xf32>
    %slice3A_1248 = vector.extract_strided_slice %slice3A_1211 {offsets = [0, 128], sizes = [640, 128], strides = [1, 1]} : vector<640x256xf32> to vector<640x128xf32>
    %concatenate3A_1249 = tpu.concatenate %slice3A_1247, %slice3A_1248 in 1 : vector<640x128xf32>, vector<640x128xf32> -> vector<640x256xf32>
    %dot_general3A_1250 = arith.constant dense<0.000000e+00> : vector<640x256xf32>
    %dot_general3A_1251 = tpu.matmul %get3A_1, %concatenate3A_1249, %dot_general3A_1250 {dimension_numbers = #tpu.dot_dimension_numbers<[1], [0], [0], [1], [0, 0, 1, 1], [], []>, transpose_lhs_hint = false} : vector<640x640xf32>, vector<640x256xf32>, vector<640x256xf32> -> vector<640x256xf32>
    %slice3A_1252 = vector.extract_strided_slice %dot_general3A_1251 {offsets = [0, 0], sizes = [640, 128], strides = [1, 1]} : vector<640x256xf32> to vector<640x128xf32>
    %slice3A_1253 = vector.extract_strided_slice %dot_general3A_1251 {offsets = [0, 128], sizes = [640, 128], strides = [1, 1]} : vector<640x256xf32> to vector<640x128xf32>
    %slice3A_1254 = vector.extract_strided_slice %slice3A_1215 {offsets = [0, 128], sizes = [640, 128], strides = [1, 1]} : vector<640x256xf32> to vector<640x128xf32>
    %slice3A_1255 = vector.extract_strided_slice %slice3A_1216 {offsets = [0, 128], sizes = [640, 128], strides = [1, 1]} : vector<640x256xf32> to vector<640x128xf32>
    %concatenate3A_1256 = tpu.concatenate %slice3A_1254, %slice3A_1255 in 1 : vector<640x128xf32>, vector<640x128xf32> -> vector<640x256xf32>
    %dot_general3A_1257 = arith.constant dense<0.000000e+00> : vector<640x256xf32>
    %dot_general3A_1258 = tpu.matmul %get3A_1, %concatenate3A_1256, %dot_general3A_1257 {dimension_numbers = #tpu.dot_dimension_numbers<[1], [0], [0], [1], [0, 0, 1, 1], [], []>, transpose_lhs_hint = false} : vector<640x640xf32>, vector<640x256xf32>, vector<640x256xf32> -> vector<640x256xf32>
    %slice3A_1259 = vector.extract_strided_slice %dot_general3A_1258 {offsets = [0, 0], sizes = [640, 128], strides = [1, 1]} : vector<640x256xf32> to vector<640x128xf32>
    %slice3A_1260 = vector.extract_strided_slice %dot_general3A_1258 {offsets = [0, 128], sizes = [640, 128], strides = [1, 1]} : vector<640x256xf32> to vector<640x128xf32>
    %slice3A_1261 = vector.extract_strided_slice %slice3A_1220 {offsets = [0, 128], sizes = [640, 128], strides = [1, 1]} : vector<640x256xf32> to vector<640x128xf32>
    %slice3A_1262 = vector.extract_strided_slice %slice3A_1221 {offsets = [0, 128], sizes = [640, 128], strides = [1, 1]} : vector<640x256xf32> to vector<640x128xf32>
    %concatenate3A_1263 = tpu.concatenate %slice3A_1261, %slice3A_1262 in 1 : vector<640x128xf32>, vector<640x128xf32> -> vector<640x256xf32>
    %dot_general3A_1264 = arith.constant dense<0.000000e+00> : vector<640x256xf32>
    %dot_general3A_1265 = tpu.matmul %get3A_1, %concatenate3A_1263, %dot_general3A_1264 {dimension_numbers = #tpu.dot_dimension_numbers<[1], [0], [0], [1], [0, 0, 1, 1], [], []>, transpose_lhs_hint = false} : vector<640x640xf32>, vector<640x256xf32>, vector<640x256xf32> -> vector<640x256xf32>
    %slice3A_1266 = vector.extract_strided_slice %dot_general3A_1265 {offsets = [0, 0], sizes = [640, 128], strides = [1, 1]} : vector<640x256xf32> to vector<640x128xf32>
    %slice3A_1267 = vector.extract_strided_slice %dot_general3A_1265 {offsets = [0, 128], sizes = [640, 128], strides = [1, 1]} : vector<640x256xf32> to vector<640x128xf32>
    %slice3A_1268 = vector.extract_strided_slice %slice3A_1225 {offsets = [0, 128], sizes = [640, 128], strides = [1, 1]} : vector<640x256xf32> to vector<640x128xf32>
    %slice3A_1269 = vector.extract_strided_slice %slice3A_1226 {offsets = [0, 128], sizes = [640, 128], strides = [1, 1]} : vector<640x256xf32> to vector<640x128xf32>
    %concatenate3A_1270 = tpu.concatenate %slice3A_1268, %slice3A_1269 in 1 : vector<640x128xf32>, vector<640x128xf32> -> vector<640x256xf32>
    %dot_general3A_1271 = arith.constant dense<0.000000e+00> : vector<640x256xf32>
    %dot_general3A_1272 = tpu.matmul %get3A_1, %concatenate3A_1270, %dot_general3A_1271 {dimension_numbers = #tpu.dot_dimension_numbers<[1], [0], [0], [1], [0, 0, 1, 1], [], []>, transpose_lhs_hint = false} : vector<640x640xf32>, vector<640x256xf32>, vector<640x256xf32> -> vector<640x256xf32>
    %slice3A_1273 = vector.extract_strided_slice %dot_general3A_1272 {offsets = [0, 0], sizes = [640, 128], strides = [1, 1]} : vector<640x256xf32> to vector<640x128xf32>
    %slice3A_1274 = vector.extract_strided_slice %dot_general3A_1272 {offsets = [0, 128], sizes = [640, 128], strides = [1, 1]} : vector<640x256xf32> to vector<640x128xf32>
    %slice3A_1275 = vector.extract_strided_slice %slice3A_1230 {offsets = [0, 128], sizes = [640, 128], strides = [1, 1]} : vector<640x256xf32> to vector<640x128xf32>
    %slice3A_1276 = vector.extract_strided_slice %slice3A_1231 {offsets = [0, 128], sizes = [640, 128], strides = [1, 1]} : vector<640x256xf32> to vector<640x128xf32>
    %concatenate3A_1277 = tpu.concatenate %slice3A_1275, %slice3A_1276 in 1 : vector<640x128xf32>, vector<640x128xf32> -> vector<640x256xf32>
    %dot_general3A_1278 = arith.constant dense<0.000000e+00> : vector<640x256xf32>
    %dot_general3A_1279 = tpu.matmul %get3A_1, %concatenate3A_1277, %dot_general3A_1278 {dimension_numbers = #tpu.dot_dimension_numbers<[1], [0], [0], [1], [0, 0, 1, 1], [], []>, transpose_lhs_hint = false} : vector<640x640xf32>, vector<640x256xf32>, vector<640x256xf32> -> vector<640x256xf32>
    %slice3A_1280 = vector.extract_strided_slice %dot_general3A_1279 {offsets = [0, 0], sizes = [640, 128], strides = [1, 1]} : vector<640x256xf32> to vector<640x128xf32>
    %slice3A_1281 = vector.extract_strided_slice %dot_general3A_1279 {offsets = [0, 128], sizes = [640, 128], strides = [1, 1]} : vector<640x256xf32> to vector<640x128xf32>
    %slice3A_1282 = vector.extract_strided_slice %slice3A_1235 {offsets = [0, 128], sizes = [640, 128], strides = [1, 1]} : vector<640x256xf32> to vector<640x128xf32>
    %slice3A_1283 = vector.extract_strided_slice %slice3A_1236 {offsets = [0, 128], sizes = [640, 128], strides = [1, 1]} : vector<640x256xf32> to vector<640x128xf32>
    %concatenate3A_1284 = tpu.concatenate %slice3A_1282, %slice3A_1283 in 1 : vector<640x128xf32>, vector<640x128xf32> -> vector<640x256xf32>
    %dot_general3A_1285 = arith.constant dense<0.000000e+00> : vector<640x256xf32>
    %dot_general3A_1286 = tpu.matmul %get3A_1, %concatenate3A_1284, %dot_general3A_1285 {dimension_numbers = #tpu.dot_dimension_numbers<[1], [0], [0], [1], [0, 0, 1, 1], [], []>, transpose_lhs_hint = false} : vector<640x640xf32>, vector<640x256xf32>, vector<640x256xf32> -> vector<640x256xf32>
    %slice3A_1287 = vector.extract_strided_slice %dot_general3A_1286 {offsets = [0, 0], sizes = [640, 128], strides = [1, 1]} : vector<640x256xf32> to vector<640x128xf32>
    %slice3A_1288 = vector.extract_strided_slice %dot_general3A_1286 {offsets = [0, 128], sizes = [640, 128], strides = [1, 1]} : vector<640x256xf32> to vector<640x128xf32>
    %slice3A_1289 = vector.extract_strided_slice %slice3A_1240 {offsets = [0, 128], sizes = [640, 128], strides = [1, 1]} : vector<640x256xf32> to vector<640x128xf32>
    %slice3A_1290 = vector.extract_strided_slice %slice3A_1241 {offsets = [0, 128], sizes = [640, 128], strides = [1, 1]} : vector<640x256xf32> to vector<640x128xf32>
    %concatenate3A_1291 = tpu.concatenate %slice3A_1289, %slice3A_1290 in 1 : vector<640x128xf32>, vector<640x128xf32> -> vector<640x256xf32>
    %dot_general3A_1292 = arith.constant dense<0.000000e+00> : vector<640x256xf32>
    %dot_general3A_1293 = tpu.matmul %get3A_1, %concatenate3A_1291, %dot_general3A_1292 {dimension_numbers = #tpu.dot_dimension_numbers<[1], [0], [0], [1], [0, 0, 1, 1], [], []>, transpose_lhs_hint = false} : vector<640x640xf32>, vector<640x256xf32>, vector<640x256xf32> -> vector<640x256xf32>
    %slice3A_1294 = vector.extract_strided_slice %dot_general3A_1293 {offsets = [0, 0], sizes = [640, 128], strides = [1, 1]} : vector<640x256xf32> to vector<640x128xf32>
    %slice3A_1295 = vector.extract_strided_slice %dot_general3A_1293 {offsets = [0, 128], sizes = [640, 128], strides = [1, 1]} : vector<640x256xf32> to vector<640x128xf32>
    %slice3A_1296 = vector.extract_strided_slice %slice3A_1245 {offsets = [0, 128], sizes = [640, 128], strides = [1, 1]} : vector<640x256xf32> to vector<640x128xf32>
    %slice3A_1297 = vector.extract_strided_slice %slice3A_1246 {offsets = [0, 128], sizes = [640, 128], strides = [1, 1]} : vector<640x256xf32> to vector<640x128xf32>
    %concatenate3A_1298 = tpu.concatenate %slice3A_1296, %slice3A_1297 in 1 : vector<640x128xf32>, vector<640x128xf32> -> vector<640x256xf32>
    %dot_general3A_1299 = arith.constant dense<0.000000e+00> : vector<640x256xf32>
    %dot_general3A_1300 = tpu.matmul %get3A_1, %concatenate3A_1298, %dot_general3A_1299 {dimension_numbers = #tpu.dot_dimension_numbers<[1], [0], [0], [1], [0, 0, 1, 1], [], []>, transpose_lhs_hint = false} : vector<640x640xf32>, vector<640x256xf32>, vector<640x256xf32> -> vector<640x256xf32>
    %slice3A_1301 = vector.extract_strided_slice %dot_general3A_1300 {offsets = [0, 0], sizes = [640, 128], strides = [1, 1]} : vector<640x256xf32> to vector<640x128xf32>
    %slice3A_1302 = vector.extract_strided_slice %dot_general3A_1300 {offsets = [0, 128], sizes = [640, 128], strides = [1, 1]} : vector<640x256xf32> to vector<640x128xf32>
    %get3A_1303 = arith.constant 0 : index
    %get3A_1304 = arith.constant 0 : index
    %get3A_1305 = vector.load %arg23[%get3A_1303, %get3A_1304] : memref<1x128xf32, #tpu.memory_space<vmem>>, vector<1x128xf32>
    %get3A_1306 = arith.constant 0 : index
    %get3A_1307 = arith.constant 0 : index
    %get3A_1308 = vector.load %arg24[%get3A_1306, %get3A_1307] : memref<1x128xf32, #tpu.memory_space<vmem>>, vector<1x128xf32>
    %mul3A_1309 = vector.broadcast %get3A_1308 : vector<1x128xf32> to vector<640x128xf32>
    %mul3A_1310 = vector.broadcast %mul3A : vector<640x1xf32> to vector<640x128xf32>
    %mul3A_1311 = arith.mulf %mul3A_1309, %mul3A_1310 : vector<640x128xf32>
    %add3A_1312 = vector.broadcast %get3A_1305 : vector<1x128xf32> to vector<640x128xf32>
    %add3A_1313 = arith.addf %add3A_1312, %mul3A_1311 : vector<640x128xf32>
    %get3A_1314 = arith.constant 0 : index
    %get3A_1315 = arith.constant 0 : index
    %get3A_1316 = vector.load %arg25[%get3A_1314, %get3A_1315] : memref<1x128xf32, #tpu.memory_space<vmem>>, vector<1x128xf32>
    %mul3A_1317 = arith.constant 0.999994993 : f32
    %mul3A_1318 = vector.broadcast %mul3A_1317 : f32 to vector<1x128xf32>
    %mul3A_1319 = arith.mulf %mul3A_1318, %get3A_1316 : vector<1x128xf32>
    %slice3A_1320 = vector.extract_strided_slice %slice3A_1210 {offsets = [0, 0], sizes = [640, 128], strides = [1, 1]} : vector<640x256xf32> to vector<640x128xf32>
    %mul3A_1321 = vector.broadcast %div3A_6 : vector<640x1xf32> to vector<640x128xf32>
    %mul3A_1322 = arith.mulf %slice3A_1252, %mul3A_1321 : vector<640x128xf32>
    %add3A_1323 = arith.addf %slice3A_1320, %mul3A_1322 : vector<640x128xf32>
    %add3A_1324 = arith.addf %add3A_1323, %add3A_1313 : vector<640x128xf32>
    %add3A_1325 = arith.addf %add3A_1324, %max3A_959 : vector<640x128xf32>
    %mul3A_1326 = vector.broadcast %mul3A_1319 : vector<1x128xf32> to vector<640x128xf32>
    %mul3A_1327 = arith.mulf %add3A_1325, %mul3A_1326 : vector<640x128xf32>
    %get3A_1328 = arith.constant 0 : index
    %get3A_1329 = arith.constant 0 : index
    %get3A_1330 = vector.load %arg26[%get3A_1328, %get3A_1329] : memref<1x128xf32, #tpu.memory_space<vmem>>, vector<1x128xf32>
    %add3A_1331 = vector.broadcast %get3A_1330 : vector<1x128xf32> to vector<640x128xf32>
    %add3A_1332 = arith.addf %mul3A_1327, %add3A_1331 : vector<640x128xf32>
    %max3A_1333 = arith.constant 0.000000e+00 : f32
    %max3A_1334 = vector.broadcast %max3A_1333 : f32 to vector<640x128xf32>
    %max3A_1335 = arith.maximumf %add3A_1332, %max3A_1334 : vector<640x128xf32>
    %slice3A_1336 = vector.extract_strided_slice %slice3A_1211 {offsets = [0, 0], sizes = [640, 128], strides = [1, 1]} : vector<640x256xf32> to vector<640x128xf32>
    %mul3A_1337 = vector.broadcast %div3A_6 : vector<640x1xf32> to vector<640x128xf32>
    %mul3A_1338 = arith.mulf %slice3A_1253, %mul3A_1337 : vector<640x128xf32>
    %add3A_1339 = arith.addf %slice3A_1336, %mul3A_1338 : vector<640x128xf32>
    %add3A_1340 = arith.addf %add3A_1339, %add3A_1313 : vector<640x128xf32>
    %add3A_1341 = arith.addf %add3A_1340, %max3A_975 : vector<640x128xf32>
    %mul3A_1342 = vector.broadcast %mul3A_1319 : vector<1x128xf32> to vector<640x128xf32>
    %mul3A_1343 = arith.mulf %add3A_1341, %mul3A_1342 : vector<640x128xf32>
    %get3A_1344 = arith.constant 0 : index
    %get3A_1345 = arith.constant 0 : index
    %get3A_1346 = vector.load %arg26[%get3A_1344, %get3A_1345] : memref<1x128xf32, #tpu.memory_space<vmem>>, vector<1x128xf32>
    %add3A_1347 = vector.broadcast %get3A_1346 : vector<1x128xf32> to vector<640x128xf32>
    %add3A_1348 = arith.addf %mul3A_1343, %add3A_1347 : vector<640x128xf32>
    %max3A_1349 = arith.constant 0.000000e+00 : f32
    %max3A_1350 = vector.broadcast %max3A_1349 : f32 to vector<640x128xf32>
    %max3A_1351 = arith.maximumf %add3A_1348, %max3A_1350 : vector<640x128xf32>
    %slice3A_1352 = vector.extract_strided_slice %slice3A_1215 {offsets = [0, 0], sizes = [640, 128], strides = [1, 1]} : vector<640x256xf32> to vector<640x128xf32>
    %mul3A_1353 = vector.broadcast %div3A_6 : vector<640x1xf32> to vector<640x128xf32>
    %mul3A_1354 = arith.mulf %slice3A_1259, %mul3A_1353 : vector<640x128xf32>
    %add3A_1355 = arith.addf %slice3A_1352, %mul3A_1354 : vector<640x128xf32>
    %add3A_1356 = arith.addf %add3A_1355, %add3A_1313 : vector<640x128xf32>
    %add3A_1357 = arith.addf %add3A_1356, %max3A_991 : vector<640x128xf32>
    %mul3A_1358 = vector.broadcast %mul3A_1319 : vector<1x128xf32> to vector<640x128xf32>
    %mul3A_1359 = arith.mulf %add3A_1357, %mul3A_1358 : vector<640x128xf32>
    %get3A_1360 = arith.constant 0 : index
    %get3A_1361 = arith.constant 0 : index
    %get3A_1362 = vector.load %arg26[%get3A_1360, %get3A_1361] : memref<1x128xf32, #tpu.memory_space<vmem>>, vector<1x128xf32>
    %add3A_1363 = vector.broadcast %get3A_1362 : vector<1x128xf32> to vector<640x128xf32>
    %add3A_1364 = arith.addf %mul3A_1359, %add3A_1363 : vector<640x128xf32>
    %max3A_1365 = arith.constant 0.000000e+00 : f32
    %max3A_1366 = vector.broadcast %max3A_1365 : f32 to vector<640x128xf32>
    %max3A_1367 = arith.maximumf %add3A_1364, %max3A_1366 : vector<640x128xf32>
    %slice3A_1368 = vector.extract_strided_slice %slice3A_1216 {offsets = [0, 0], sizes = [640, 128], strides = [1, 1]} : vector<640x256xf32> to vector<640x128xf32>
    %mul3A_1369 = vector.broadcast %div3A_6 : vector<640x1xf32> to vector<640x128xf32>
    %mul3A_1370 = arith.mulf %slice3A_1260, %mul3A_1369 : vector<640x128xf32>
    %add3A_1371 = arith.addf %slice3A_1368, %mul3A_1370 : vector<640x128xf32>
    %add3A_1372 = arith.addf %add3A_1371, %add3A_1313 : vector<640x128xf32>
    %add3A_1373 = arith.addf %add3A_1372, %max3A_1007 : vector<640x128xf32>
    %mul3A_1374 = vector.broadcast %mul3A_1319 : vector<1x128xf32> to vector<640x128xf32>
    %mul3A_1375 = arith.mulf %add3A_1373, %mul3A_1374 : vector<640x128xf32>
    %get3A_1376 = arith.constant 0 : index
    %get3A_1377 = arith.constant 0 : index
    %get3A_1378 = vector.load %arg26[%get3A_1376, %get3A_1377] : memref<1x128xf32, #tpu.memory_space<vmem>>, vector<1x128xf32>
    %add3A_1379 = vector.broadcast %get3A_1378 : vector<1x128xf32> to vector<640x128xf32>
    %add3A_1380 = arith.addf %mul3A_1375, %add3A_1379 : vector<640x128xf32>
    %max3A_1381 = arith.constant 0.000000e+00 : f32
    %max3A_1382 = vector.broadcast %max3A_1381 : f32 to vector<640x128xf32>
    %max3A_1383 = arith.maximumf %add3A_1380, %max3A_1382 : vector<640x128xf32>
    %slice3A_1384 = vector.extract_strided_slice %slice3A_1220 {offsets = [0, 0], sizes = [640, 128], strides = [1, 1]} : vector<640x256xf32> to vector<640x128xf32>
    %mul3A_1385 = vector.broadcast %div3A_6 : vector<640x1xf32> to vector<640x128xf32>
    %mul3A_1386 = arith.mulf %slice3A_1266, %mul3A_1385 : vector<640x128xf32>
    %add3A_1387 = arith.addf %slice3A_1384, %mul3A_1386 : vector<640x128xf32>
    %add3A_1388 = arith.addf %add3A_1387, %add3A_1313 : vector<640x128xf32>
    %add3A_1389 = arith.addf %add3A_1388, %max3A_1023 : vector<640x128xf32>
    %mul3A_1390 = vector.broadcast %mul3A_1319 : vector<1x128xf32> to vector<640x128xf32>
    %mul3A_1391 = arith.mulf %add3A_1389, %mul3A_1390 : vector<640x128xf32>
    %get3A_1392 = arith.constant 0 : index
    %get3A_1393 = arith.constant 0 : index
    %get3A_1394 = vector.load %arg26[%get3A_1392, %get3A_1393] : memref<1x128xf32, #tpu.memory_space<vmem>>, vector<1x128xf32>
    %add3A_1395 = vector.broadcast %get3A_1394 : vector<1x128xf32> to vector<640x128xf32>
    %add3A_1396 = arith.addf %mul3A_1391, %add3A_1395 : vector<640x128xf32>
    %max3A_1397 = arith.constant 0.000000e+00 : f32
    %max3A_1398 = vector.broadcast %max3A_1397 : f32 to vector<640x128xf32>
    %max3A_1399 = arith.maximumf %add3A_1396, %max3A_1398 : vector<640x128xf32>
    %slice3A_1400 = vector.extract_strided_slice %slice3A_1221 {offsets = [0, 0], sizes = [640, 128], strides = [1, 1]} : vector<640x256xf32> to vector<640x128xf32>
    %mul3A_1401 = vector.broadcast %div3A_6 : vector<640x1xf32> to vector<640x128xf32>
    %mul3A_1402 = arith.mulf %slice3A_1267, %mul3A_1401 : vector<640x128xf32>
    %add3A_1403 = arith.addf %slice3A_1400, %mul3A_1402 : vector<640x128xf32>
    %add3A_1404 = arith.addf %add3A_1403, %add3A_1313 : vector<640x128xf32>
    %add3A_1405 = arith.addf %add3A_1404, %max3A_1039 : vector<640x128xf32>
    %mul3A_1406 = vector.broadcast %mul3A_1319 : vector<1x128xf32> to vector<640x128xf32>
    %mul3A_1407 = arith.mulf %add3A_1405, %mul3A_1406 : vector<640x128xf32>
    %get3A_1408 = arith.constant 0 : index
    %get3A_1409 = arith.constant 0 : index
    %get3A_1410 = vector.load %arg26[%get3A_1408, %get3A_1409] : memref<1x128xf32, #tpu.memory_space<vmem>>, vector<1x128xf32>
    %add3A_1411 = vector.broadcast %get3A_1410 : vector<1x128xf32> to vector<640x128xf32>
    %add3A_1412 = arith.addf %mul3A_1407, %add3A_1411 : vector<640x128xf32>
    %max3A_1413 = arith.constant 0.000000e+00 : f32
    %max3A_1414 = vector.broadcast %max3A_1413 : f32 to vector<640x128xf32>
    %max3A_1415 = arith.maximumf %add3A_1412, %max3A_1414 : vector<640x128xf32>
    %slice3A_1416 = vector.extract_strided_slice %slice3A_1225 {offsets = [0, 0], sizes = [640, 128], strides = [1, 1]} : vector<640x256xf32> to vector<640x128xf32>
    %mul3A_1417 = vector.broadcast %div3A_6 : vector<640x1xf32> to vector<640x128xf32>
    %mul3A_1418 = arith.mulf %slice3A_1273, %mul3A_1417 : vector<640x128xf32>
    %add3A_1419 = arith.addf %slice3A_1416, %mul3A_1418 : vector<640x128xf32>
    %add3A_1420 = arith.addf %add3A_1419, %add3A_1313 : vector<640x128xf32>
    %add3A_1421 = arith.addf %add3A_1420, %max3A_1055 : vector<640x128xf32>
    %mul3A_1422 = vector.broadcast %mul3A_1319 : vector<1x128xf32> to vector<640x128xf32>
    %mul3A_1423 = arith.mulf %add3A_1421, %mul3A_1422 : vector<640x128xf32>
    %get3A_1424 = arith.constant 0 : index
    %get3A_1425 = arith.constant 0 : index
    %get3A_1426 = vector.load %arg26[%get3A_1424, %get3A_1425] : memref<1x128xf32, #tpu.memory_space<vmem>>, vector<1x128xf32>
    %add3A_1427 = vector.broadcast %get3A_1426 : vector<1x128xf32> to vector<640x128xf32>
    %add3A_1428 = arith.addf %mul3A_1423, %add3A_1427 : vector<640x128xf32>
    %max3A_1429 = arith.constant 0.000000e+00 : f32
    %max3A_1430 = vector.broadcast %max3A_1429 : f32 to vector<640x128xf32>
    %max3A_1431 = arith.maximumf %add3A_1428, %max3A_1430 : vector<640x128xf32>
    %slice3A_1432 = vector.extract_strided_slice %slice3A_1226 {offsets = [0, 0], sizes = [640, 128], strides = [1, 1]} : vector<640x256xf32> to vector<640x128xf32>
    %mul3A_1433 = vector.broadcast %div3A_6 : vector<640x1xf32> to vector<640x128xf32>
    %mul3A_1434 = arith.mulf %slice3A_1274, %mul3A_1433 : vector<640x128xf32>
    %add3A_1435 = arith.addf %slice3A_1432, %mul3A_1434 : vector<640x128xf32>
    %add3A_1436 = arith.addf %add3A_1435, %add3A_1313 : vector<640x128xf32>
    %add3A_1437 = arith.addf %add3A_1436, %max3A_1071 : vector<640x128xf32>
    %mul3A_1438 = vector.broadcast %mul3A_1319 : vector<1x128xf32> to vector<640x128xf32>
    %mul3A_1439 = arith.mulf %add3A_1437, %mul3A_1438 : vector<640x128xf32>
    %get3A_1440 = arith.constant 0 : index
    %get3A_1441 = arith.constant 0 : index
    %get3A_1442 = vector.load %arg26[%get3A_1440, %get3A_1441] : memref<1x128xf32, #tpu.memory_space<vmem>>, vector<1x128xf32>
    %add3A_1443 = vector.broadcast %get3A_1442 : vector<1x128xf32> to vector<640x128xf32>
    %add3A_1444 = arith.addf %mul3A_1439, %add3A_1443 : vector<640x128xf32>
    %max3A_1445 = arith.constant 0.000000e+00 : f32
    %max3A_1446 = vector.broadcast %max3A_1445 : f32 to vector<640x128xf32>
    %max3A_1447 = arith.maximumf %add3A_1444, %max3A_1446 : vector<640x128xf32>
    %slice3A_1448 = vector.extract_strided_slice %slice3A_1230 {offsets = [0, 0], sizes = [640, 128], strides = [1, 1]} : vector<640x256xf32> to vector<640x128xf32>
    %mul3A_1449 = vector.broadcast %div3A_6 : vector<640x1xf32> to vector<640x128xf32>
    %mul3A_1450 = arith.mulf %slice3A_1280, %mul3A_1449 : vector<640x128xf32>
    %add3A_1451 = arith.addf %slice3A_1448, %mul3A_1450 : vector<640x128xf32>
    %add3A_1452 = arith.addf %add3A_1451, %add3A_1313 : vector<640x128xf32>
    %add3A_1453 = arith.addf %add3A_1452, %max3A_1087 : vector<640x128xf32>
    %mul3A_1454 = vector.broadcast %mul3A_1319 : vector<1x128xf32> to vector<640x128xf32>
    %mul3A_1455 = arith.mulf %add3A_1453, %mul3A_1454 : vector<640x128xf32>
    %get3A_1456 = arith.constant 0 : index
    %get3A_1457 = arith.constant 0 : index
    %get3A_1458 = vector.load %arg26[%get3A_1456, %get3A_1457] : memref<1x128xf32, #tpu.memory_space<vmem>>, vector<1x128xf32>
    %add3A_1459 = vector.broadcast %get3A_1458 : vector<1x128xf32> to vector<640x128xf32>
    %add3A_1460 = arith.addf %mul3A_1455, %add3A_1459 : vector<640x128xf32>
    %max3A_1461 = arith.constant 0.000000e+00 : f32
    %max3A_1462 = vector.broadcast %max3A_1461 : f32 to vector<640x128xf32>
    %max3A_1463 = arith.maximumf %add3A_1460, %max3A_1462 : vector<640x128xf32>
    %slice3A_1464 = vector.extract_strided_slice %slice3A_1231 {offsets = [0, 0], sizes = [640, 128], strides = [1, 1]} : vector<640x256xf32> to vector<640x128xf32>
    %mul3A_1465 = vector.broadcast %div3A_6 : vector<640x1xf32> to vector<640x128xf32>
    %mul3A_1466 = arith.mulf %slice3A_1281, %mul3A_1465 : vector<640x128xf32>
    %add3A_1467 = arith.addf %slice3A_1464, %mul3A_1466 : vector<640x128xf32>
    %add3A_1468 = arith.addf %add3A_1467, %add3A_1313 : vector<640x128xf32>
    %add3A_1469 = arith.addf %add3A_1468, %max3A_1103 : vector<640x128xf32>
    %mul3A_1470 = vector.broadcast %mul3A_1319 : vector<1x128xf32> to vector<640x128xf32>
    %mul3A_1471 = arith.mulf %add3A_1469, %mul3A_1470 : vector<640x128xf32>
    %get3A_1472 = arith.constant 0 : index
    %get3A_1473 = arith.constant 0 : index
    %get3A_1474 = vector.load %arg26[%get3A_1472, %get3A_1473] : memref<1x128xf32, #tpu.memory_space<vmem>>, vector<1x128xf32>
    %add3A_1475 = vector.broadcast %get3A_1474 : vector<1x128xf32> to vector<640x128xf32>
    %add3A_1476 = arith.addf %mul3A_1471, %add3A_1475 : vector<640x128xf32>
    %max3A_1477 = arith.constant 0.000000e+00 : f32
    %max3A_1478 = vector.broadcast %max3A_1477 : f32 to vector<640x128xf32>
    %max3A_1479 = arith.maximumf %add3A_1476, %max3A_1478 : vector<640x128xf32>
    %slice3A_1480 = vector.extract_strided_slice %slice3A_1235 {offsets = [0, 0], sizes = [640, 128], strides = [1, 1]} : vector<640x256xf32> to vector<640x128xf32>
    %mul3A_1481 = vector.broadcast %div3A_6 : vector<640x1xf32> to vector<640x128xf32>
    %mul3A_1482 = arith.mulf %slice3A_1287, %mul3A_1481 : vector<640x128xf32>
    %add3A_1483 = arith.addf %slice3A_1480, %mul3A_1482 : vector<640x128xf32>
    %add3A_1484 = arith.addf %add3A_1483, %add3A_1313 : vector<640x128xf32>
    %add3A_1485 = arith.addf %add3A_1484, %max3A_1119 : vector<640x128xf32>
    %mul3A_1486 = vector.broadcast %mul3A_1319 : vector<1x128xf32> to vector<640x128xf32>
    %mul3A_1487 = arith.mulf %add3A_1485, %mul3A_1486 : vector<640x128xf32>
    %get3A_1488 = arith.constant 0 : index
    %get3A_1489 = arith.constant 0 : index
    %get3A_1490 = vector.load %arg26[%get3A_1488, %get3A_1489] : memref<1x128xf32, #tpu.memory_space<vmem>>, vector<1x128xf32>
    %add3A_1491 = vector.broadcast %get3A_1490 : vector<1x128xf32> to vector<640x128xf32>
    %add3A_1492 = arith.addf %mul3A_1487, %add3A_1491 : vector<640x128xf32>
    %max3A_1493 = arith.constant 0.000000e+00 : f32
    %max3A_1494 = vector.broadcast %max3A_1493 : f32 to vector<640x128xf32>
    %max3A_1495 = arith.maximumf %add3A_1492, %max3A_1494 : vector<640x128xf32>
    %slice3A_1496 = vector.extract_strided_slice %slice3A_1236 {offsets = [0, 0], sizes = [640, 128], strides = [1, 1]} : vector<640x256xf32> to vector<640x128xf32>
    %mul3A_1497 = vector.broadcast %div3A_6 : vector<640x1xf32> to vector<640x128xf32>
    %mul3A_1498 = arith.mulf %slice3A_1288, %mul3A_1497 : vector<640x128xf32>
    %add3A_1499 = arith.addf %slice3A_1496, %mul3A_1498 : vector<640x128xf32>
    %add3A_1500 = arith.addf %add3A_1499, %add3A_1313 : vector<640x128xf32>
    %add3A_1501 = arith.addf %add3A_1500, %max3A_1135 : vector<640x128xf32>
    %mul3A_1502 = vector.broadcast %mul3A_1319 : vector<1x128xf32> to vector<640x128xf32>
    %mul3A_1503 = arith.mulf %add3A_1501, %mul3A_1502 : vector<640x128xf32>
    %get3A_1504 = arith.constant 0 : index
    %get3A_1505 = arith.constant 0 : index
    %get3A_1506 = vector.load %arg26[%get3A_1504, %get3A_1505] : memref<1x128xf32, #tpu.memory_space<vmem>>, vector<1x128xf32>
    %add3A_1507 = vector.broadcast %get3A_1506 : vector<1x128xf32> to vector<640x128xf32>
    %add3A_1508 = arith.addf %mul3A_1503, %add3A_1507 : vector<640x128xf32>
    %max3A_1509 = arith.constant 0.000000e+00 : f32
    %max3A_1510 = vector.broadcast %max3A_1509 : f32 to vector<640x128xf32>
    %max3A_1511 = arith.maximumf %add3A_1508, %max3A_1510 : vector<640x128xf32>
    %slice3A_1512 = vector.extract_strided_slice %slice3A_1240 {offsets = [0, 0], sizes = [640, 128], strides = [1, 1]} : vector<640x256xf32> to vector<640x128xf32>
    %mul3A_1513 = vector.broadcast %div3A_6 : vector<640x1xf32> to vector<640x128xf32>
    %mul3A_1514 = arith.mulf %slice3A_1294, %mul3A_1513 : vector<640x128xf32>
    %add3A_1515 = arith.addf %slice3A_1512, %mul3A_1514 : vector<640x128xf32>
    %add3A_1516 = arith.addf %add3A_1515, %add3A_1313 : vector<640x128xf32>
    %add3A_1517 = arith.addf %add3A_1516, %max3A_1151 : vector<640x128xf32>
    %mul3A_1518 = vector.broadcast %mul3A_1319 : vector<1x128xf32> to vector<640x128xf32>
    %mul3A_1519 = arith.mulf %add3A_1517, %mul3A_1518 : vector<640x128xf32>
    %get3A_1520 = arith.constant 0 : index
    %get3A_1521 = arith.constant 0 : index
    %get3A_1522 = vector.load %arg26[%get3A_1520, %get3A_1521] : memref<1x128xf32, #tpu.memory_space<vmem>>, vector<1x128xf32>
    %add3A_1523 = vector.broadcast %get3A_1522 : vector<1x128xf32> to vector<640x128xf32>
    %add3A_1524 = arith.addf %mul3A_1519, %add3A_1523 : vector<640x128xf32>
    %max3A_1525 = arith.constant 0.000000e+00 : f32
    %max3A_1526 = vector.broadcast %max3A_1525 : f32 to vector<640x128xf32>
    %max3A_1527 = arith.maximumf %add3A_1524, %max3A_1526 : vector<640x128xf32>
    %slice3A_1528 = vector.extract_strided_slice %slice3A_1241 {offsets = [0, 0], sizes = [640, 128], strides = [1, 1]} : vector<640x256xf32> to vector<640x128xf32>
    %mul3A_1529 = vector.broadcast %div3A_6 : vector<640x1xf32> to vector<640x128xf32>
    %mul3A_1530 = arith.mulf %slice3A_1295, %mul3A_1529 : vector<640x128xf32>
    %add3A_1531 = arith.addf %slice3A_1528, %mul3A_1530 : vector<640x128xf32>
    %add3A_1532 = arith.addf %add3A_1531, %add3A_1313 : vector<640x128xf32>
    %add3A_1533 = arith.addf %add3A_1532, %max3A_1167 : vector<640x128xf32>
    %mul3A_1534 = vector.broadcast %mul3A_1319 : vector<1x128xf32> to vector<640x128xf32>
    %mul3A_1535 = arith.mulf %add3A_1533, %mul3A_1534 : vector<640x128xf32>
    %get3A_1536 = arith.constant 0 : index
    %get3A_1537 = arith.constant 0 : index
    %get3A_1538 = vector.load %arg26[%get3A_1536, %get3A_1537] : memref<1x128xf32, #tpu.memory_space<vmem>>, vector<1x128xf32>
    %add3A_1539 = vector.broadcast %get3A_1538 : vector<1x128xf32> to vector<640x128xf32>
    %add3A_1540 = arith.addf %mul3A_1535, %add3A_1539 : vector<640x128xf32>
    %max3A_1541 = arith.constant 0.000000e+00 : f32
    %max3A_1542 = vector.broadcast %max3A_1541 : f32 to vector<640x128xf32>
    %max3A_1543 = arith.maximumf %add3A_1540, %max3A_1542 : vector<640x128xf32>
    %slice3A_1544 = vector.extract_strided_slice %slice3A_1245 {offsets = [0, 0], sizes = [640, 128], strides = [1, 1]} : vector<640x256xf32> to vector<640x128xf32>
    %mul3A_1545 = vector.broadcast %div3A_6 : vector<640x1xf32> to vector<640x128xf32>
    %mul3A_1546 = arith.mulf %slice3A_1301, %mul3A_1545 : vector<640x128xf32>
    %add3A_1547 = arith.addf %slice3A_1544, %mul3A_1546 : vector<640x128xf32>
    %add3A_1548 = arith.addf %add3A_1547, %add3A_1313 : vector<640x128xf32>
    %add3A_1549 = arith.addf %add3A_1548, %max3A_1183 : vector<640x128xf32>
    %mul3A_1550 = vector.broadcast %mul3A_1319 : vector<1x128xf32> to vector<640x128xf32>
    %mul3A_1551 = arith.mulf %add3A_1549, %mul3A_1550 : vector<640x128xf32>
    %get3A_1552 = arith.constant 0 : index
    %get3A_1553 = arith.constant 0 : index
    %get3A_1554 = vector.load %arg26[%get3A_1552, %get3A_1553] : memref<1x128xf32, #tpu.memory_space<vmem>>, vector<1x128xf32>
    %add3A_1555 = vector.broadcast %get3A_1554 : vector<1x128xf32> to vector<640x128xf32>
    %add3A_1556 = arith.addf %mul3A_1551, %add3A_1555 : vector<640x128xf32>
    %max3A_1557 = arith.constant 0.000000e+00 : f32
    %max3A_1558 = vector.broadcast %max3A_1557 : f32 to vector<640x128xf32>
    %max3A_1559 = arith.maximumf %add3A_1556, %max3A_1558 : vector<640x128xf32>
    %slice3A_1560 = vector.extract_strided_slice %slice3A_1246 {offsets = [0, 0], sizes = [640, 128], strides = [1, 1]} : vector<640x256xf32> to vector<640x128xf32>
    %mul3A_1561 = vector.broadcast %div3A_6 : vector<640x1xf32> to vector<640x128xf32>
    %mul3A_1562 = arith.mulf %slice3A_1302, %mul3A_1561 : vector<640x128xf32>
    %add3A_1563 = arith.addf %slice3A_1560, %mul3A_1562 : vector<640x128xf32>
    %add3A_1564 = arith.addf %add3A_1563, %add3A_1313 : vector<640x128xf32>
    %add3A_1565 = arith.addf %add3A_1564, %max3A_1199 : vector<640x128xf32>
    %mul3A_1566 = vector.broadcast %mul3A_1319 : vector<1x128xf32> to vector<640x128xf32>
    %mul3A_1567 = arith.mulf %add3A_1565, %mul3A_1566 : vector<640x128xf32>
    %get3A_1568 = arith.constant 0 : index
    %get3A_1569 = arith.constant 0 : index
    %get3A_1570 = vector.load %arg26[%get3A_1568, %get3A_1569] : memref<1x128xf32, #tpu.memory_space<vmem>>, vector<1x128xf32>
    %add3A_1571 = vector.broadcast %get3A_1570 : vector<1x128xf32> to vector<640x128xf32>
    %add3A_1572 = arith.addf %mul3A_1567, %add3A_1571 : vector<640x128xf32>
    %max3A_1573 = arith.constant 0.000000e+00 : f32
    %max3A_1574 = vector.broadcast %max3A_1573 : f32 to vector<640x128xf32>
    %max3A_1575 = arith.maximumf %add3A_1572, %max3A_1574 : vector<640x128xf32>
    %get3A_1576 = arith.constant 0 : index
    %get3A_1577 = arith.constant 0 : index
    %get3A_1578 = vector.load %arg27[%get3A_1576, %get3A_1577] : memref<128x128xf32, #tpu.memory_space<vmem>>, vector<128x128xf32>
    %get3A_1579 = arith.constant 0 : index
    %get3A_1580 = arith.constant 0 : index
    %get3A_1581 = vector.load %arg28[%get3A_1579, %get3A_1580] : memref<128x128xf32, #tpu.memory_space<vmem>>, vector<128x128xf32>
    %concatenate3A_1582 = tpu.concatenate %get3A_1578, %get3A_1581 in 1 : vector<128x128xf32>, vector<128x128xf32> -> vector<128x256xf32>
    %concatenate3A_1583 = tpu.concatenate %max3A_1335, %max3A_1351 in 0 : vector<640x128xf32>, vector<640x128xf32> -> vector<1280x128xf32>
    %dot_general3A_1584 = arith.constant dense<0.000000e+00> : vector<1280x256xf32>
    %dot_general3A_1585 = tpu.matmul %concatenate3A_1583, %concatenate3A_1582, %dot_general3A_1584 {dimension_numbers = #tpu.dot_dimension_numbers<[1], [0], [0], [1], [0, 0, 1, 1], [], []>, transpose_lhs_hint = false} : vector<1280x128xf32>, vector<128x256xf32>, vector<1280x256xf32> -> vector<1280x256xf32>
    %slice3A_1586 = vector.extract_strided_slice %dot_general3A_1585 {offsets = [0, 0], sizes = [640, 256], strides = [1, 1]} : vector<1280x256xf32> to vector<640x256xf32>
    %slice3A_1587 = vector.extract_strided_slice %dot_general3A_1585 {offsets = [640, 0], sizes = [640, 256], strides = [1, 1]} : vector<1280x256xf32> to vector<640x256xf32>
    %concatenate3A_1588 = tpu.concatenate %max3A_1367, %max3A_1383 in 0 : vector<640x128xf32>, vector<640x128xf32> -> vector<1280x128xf32>
    %dot_general3A_1589 = arith.constant dense<0.000000e+00> : vector<1280x256xf32>
    %dot_general3A_1590 = tpu.matmul %concatenate3A_1588, %concatenate3A_1582, %dot_general3A_1589 {dimension_numbers = #tpu.dot_dimension_numbers<[1], [0], [0], [1], [0, 0, 1, 1], [], []>, transpose_lhs_hint = false} : vector<1280x128xf32>, vector<128x256xf32>, vector<1280x256xf32> -> vector<1280x256xf32>
    %slice3A_1591 = vector.extract_strided_slice %dot_general3A_1590 {offsets = [0, 0], sizes = [640, 256], strides = [1, 1]} : vector<1280x256xf32> to vector<640x256xf32>
    %slice3A_1592 = vector.extract_strided_slice %dot_general3A_1590 {offsets = [640, 0], sizes = [640, 256], strides = [1, 1]} : vector<1280x256xf32> to vector<640x256xf32>
    %concatenate3A_1593 = tpu.concatenate %max3A_1399, %max3A_1415 in 0 : vector<640x128xf32>, vector<640x128xf32> -> vector<1280x128xf32>
    %dot_general3A_1594 = arith.constant dense<0.000000e+00> : vector<1280x256xf32>
    %dot_general3A_1595 = tpu.matmul %concatenate3A_1593, %concatenate3A_1582, %dot_general3A_1594 {dimension_numbers = #tpu.dot_dimension_numbers<[1], [0], [0], [1], [0, 0, 1, 1], [], []>, transpose_lhs_hint = false} : vector<1280x128xf32>, vector<128x256xf32>, vector<1280x256xf32> -> vector<1280x256xf32>
    %slice3A_1596 = vector.extract_strided_slice %dot_general3A_1595 {offsets = [0, 0], sizes = [640, 256], strides = [1, 1]} : vector<1280x256xf32> to vector<640x256xf32>
    %slice3A_1597 = vector.extract_strided_slice %dot_general3A_1595 {offsets = [640, 0], sizes = [640, 256], strides = [1, 1]} : vector<1280x256xf32> to vector<640x256xf32>
    %concatenate3A_1598 = tpu.concatenate %max3A_1431, %max3A_1447 in 0 : vector<640x128xf32>, vector<640x128xf32> -> vector<1280x128xf32>
    %dot_general3A_1599 = arith.constant dense<0.000000e+00> : vector<1280x256xf32>
    %dot_general3A_1600 = tpu.matmul %concatenate3A_1598, %concatenate3A_1582, %dot_general3A_1599 {dimension_numbers = #tpu.dot_dimension_numbers<[1], [0], [0], [1], [0, 0, 1, 1], [], []>, transpose_lhs_hint = false} : vector<1280x128xf32>, vector<128x256xf32>, vector<1280x256xf32> -> vector<1280x256xf32>
    %slice3A_1601 = vector.extract_strided_slice %dot_general3A_1600 {offsets = [0, 0], sizes = [640, 256], strides = [1, 1]} : vector<1280x256xf32> to vector<640x256xf32>
    %slice3A_1602 = vector.extract_strided_slice %dot_general3A_1600 {offsets = [640, 0], sizes = [640, 256], strides = [1, 1]} : vector<1280x256xf32> to vector<640x256xf32>
    %concatenate3A_1603 = tpu.concatenate %max3A_1463, %max3A_1479 in 0 : vector<640x128xf32>, vector<640x128xf32> -> vector<1280x128xf32>
    %dot_general3A_1604 = arith.constant dense<0.000000e+00> : vector<1280x256xf32>
    %dot_general3A_1605 = tpu.matmul %concatenate3A_1603, %concatenate3A_1582, %dot_general3A_1604 {dimension_numbers = #tpu.dot_dimension_numbers<[1], [0], [0], [1], [0, 0, 1, 1], [], []>, transpose_lhs_hint = false} : vector<1280x128xf32>, vector<128x256xf32>, vector<1280x256xf32> -> vector<1280x256xf32>
    %slice3A_1606 = vector.extract_strided_slice %dot_general3A_1605 {offsets = [0, 0], sizes = [640, 256], strides = [1, 1]} : vector<1280x256xf32> to vector<640x256xf32>
    %slice3A_1607 = vector.extract_strided_slice %dot_general3A_1605 {offsets = [640, 0], sizes = [640, 256], strides = [1, 1]} : vector<1280x256xf32> to vector<640x256xf32>
    %concatenate3A_1608 = tpu.concatenate %max3A_1495, %max3A_1511 in 0 : vector<640x128xf32>, vector<640x128xf32> -> vector<1280x128xf32>
    %dot_general3A_1609 = arith.constant dense<0.000000e+00> : vector<1280x256xf32>
    %dot_general3A_1610 = tpu.matmul %concatenate3A_1608, %concatenate3A_1582, %dot_general3A_1609 {dimension_numbers = #tpu.dot_dimension_numbers<[1], [0], [0], [1], [0, 0, 1, 1], [], []>, transpose_lhs_hint = false} : vector<1280x128xf32>, vector<128x256xf32>, vector<1280x256xf32> -> vector<1280x256xf32>
    %slice3A_1611 = vector.extract_strided_slice %dot_general3A_1610 {offsets = [0, 0], sizes = [640, 256], strides = [1, 1]} : vector<1280x256xf32> to vector<640x256xf32>
    %slice3A_1612 = vector.extract_strided_slice %dot_general3A_1610 {offsets = [640, 0], sizes = [640, 256], strides = [1, 1]} : vector<1280x256xf32> to vector<640x256xf32>
    %concatenate3A_1613 = tpu.concatenate %max3A_1527, %max3A_1543 in 0 : vector<640x128xf32>, vector<640x128xf32> -> vector<1280x128xf32>
    %dot_general3A_1614 = arith.constant dense<0.000000e+00> : vector<1280x256xf32>
    %dot_general3A_1615 = tpu.matmul %concatenate3A_1613, %concatenate3A_1582, %dot_general3A_1614 {dimension_numbers = #tpu.dot_dimension_numbers<[1], [0], [0], [1], [0, 0, 1, 1], [], []>, transpose_lhs_hint = false} : vector<1280x128xf32>, vector<128x256xf32>, vector<1280x256xf32> -> vector<1280x256xf32>
    %slice3A_1616 = vector.extract_strided_slice %dot_general3A_1615 {offsets = [0, 0], sizes = [640, 256], strides = [1, 1]} : vector<1280x256xf32> to vector<640x256xf32>
    %slice3A_1617 = vector.extract_strided_slice %dot_general3A_1615 {offsets = [640, 0], sizes = [640, 256], strides = [1, 1]} : vector<1280x256xf32> to vector<640x256xf32>
    %concatenate3A_1618 = tpu.concatenate %max3A_1559, %max3A_1575 in 0 : vector<640x128xf32>, vector<640x128xf32> -> vector<1280x128xf32>
    %dot_general3A_1619 = arith.constant dense<0.000000e+00> : vector<1280x256xf32>
    %dot_general3A_1620 = tpu.matmul %concatenate3A_1618, %concatenate3A_1582, %dot_general3A_1619 {dimension_numbers = #tpu.dot_dimension_numbers<[1], [0], [0], [1], [0, 0, 1, 1], [], []>, transpose_lhs_hint = false} : vector<1280x128xf32>, vector<128x256xf32>, vector<1280x256xf32> -> vector<1280x256xf32>
    %slice3A_1621 = vector.extract_strided_slice %dot_general3A_1620 {offsets = [0, 0], sizes = [640, 256], strides = [1, 1]} : vector<1280x256xf32> to vector<640x256xf32>
    %slice3A_1622 = vector.extract_strided_slice %dot_general3A_1620 {offsets = [640, 0], sizes = [640, 256], strides = [1, 1]} : vector<1280x256xf32> to vector<640x256xf32>
    %slice3A_1623 = vector.extract_strided_slice %slice3A_1586 {offsets = [0, 128], sizes = [640, 128], strides = [1, 1]} : vector<640x256xf32> to vector<640x128xf32>
    %slice3A_1624 = vector.extract_strided_slice %slice3A_1587 {offsets = [0, 128], sizes = [640, 128], strides = [1, 1]} : vector<640x256xf32> to vector<640x128xf32>
    %concatenate3A_1625 = tpu.concatenate %slice3A_1623, %slice3A_1624 in 1 : vector<640x128xf32>, vector<640x128xf32> -> vector<640x256xf32>
    %dot_general3A_1626 = arith.constant dense<0.000000e+00> : vector<640x256xf32>
    %dot_general3A_1627 = tpu.matmul %get3A_1, %concatenate3A_1625, %dot_general3A_1626 {dimension_numbers = #tpu.dot_dimension_numbers<[1], [0], [0], [1], [0, 0, 1, 1], [], []>, transpose_lhs_hint = false} : vector<640x640xf32>, vector<640x256xf32>, vector<640x256xf32> -> vector<640x256xf32>
    %slice3A_1628 = vector.extract_strided_slice %dot_general3A_1627 {offsets = [0, 0], sizes = [640, 128], strides = [1, 1]} : vector<640x256xf32> to vector<640x128xf32>
    %slice3A_1629 = vector.extract_strided_slice %dot_general3A_1627 {offsets = [0, 128], sizes = [640, 128], strides = [1, 1]} : vector<640x256xf32> to vector<640x128xf32>
    %slice3A_1630 = vector.extract_strided_slice %slice3A_1591 {offsets = [0, 128], sizes = [640, 128], strides = [1, 1]} : vector<640x256xf32> to vector<640x128xf32>
    %slice3A_1631 = vector.extract_strided_slice %slice3A_1592 {offsets = [0, 128], sizes = [640, 128], strides = [1, 1]} : vector<640x256xf32> to vector<640x128xf32>
    %concatenate3A_1632 = tpu.concatenate %slice3A_1630, %slice3A_1631 in 1 : vector<640x128xf32>, vector<640x128xf32> -> vector<640x256xf32>
    %dot_general3A_1633 = arith.constant dense<0.000000e+00> : vector<640x256xf32>
    %dot_general3A_1634 = tpu.matmul %get3A_1, %concatenate3A_1632, %dot_general3A_1633 {dimension_numbers = #tpu.dot_dimension_numbers<[1], [0], [0], [1], [0, 0, 1, 1], [], []>, transpose_lhs_hint = false} : vector<640x640xf32>, vector<640x256xf32>, vector<640x256xf32> -> vector<640x256xf32>
    %slice3A_1635 = vector.extract_strided_slice %dot_general3A_1634 {offsets = [0, 0], sizes = [640, 128], strides = [1, 1]} : vector<640x256xf32> to vector<640x128xf32>
    %slice3A_1636 = vector.extract_strided_slice %dot_general3A_1634 {offsets = [0, 128], sizes = [640, 128], strides = [1, 1]} : vector<640x256xf32> to vector<640x128xf32>
    %slice3A_1637 = vector.extract_strided_slice %slice3A_1596 {offsets = [0, 128], sizes = [640, 128], strides = [1, 1]} : vector<640x256xf32> to vector<640x128xf32>
    %slice3A_1638 = vector.extract_strided_slice %slice3A_1597 {offsets = [0, 128], sizes = [640, 128], strides = [1, 1]} : vector<640x256xf32> to vector<640x128xf32>
    %concatenate3A_1639 = tpu.concatenate %slice3A_1637, %slice3A_1638 in 1 : vector<640x128xf32>, vector<640x128xf32> -> vector<640x256xf32>
    %dot_general3A_1640 = arith.constant dense<0.000000e+00> : vector<640x256xf32>
    %dot_general3A_1641 = tpu.matmul %get3A_1, %concatenate3A_1639, %dot_general3A_1640 {dimension_numbers = #tpu.dot_dimension_numbers<[1], [0], [0], [1], [0, 0, 1, 1], [], []>, transpose_lhs_hint = false} : vector<640x640xf32>, vector<640x256xf32>, vector<640x256xf32> -> vector<640x256xf32>
    %slice3A_1642 = vector.extract_strided_slice %dot_general3A_1641 {offsets = [0, 0], sizes = [640, 128], strides = [1, 1]} : vector<640x256xf32> to vector<640x128xf32>
    %slice3A_1643 = vector.extract_strided_slice %dot_general3A_1641 {offsets = [0, 128], sizes = [640, 128], strides = [1, 1]} : vector<640x256xf32> to vector<640x128xf32>
    %slice3A_1644 = vector.extract_strided_slice %slice3A_1601 {offsets = [0, 128], sizes = [640, 128], strides = [1, 1]} : vector<640x256xf32> to vector<640x128xf32>
    %slice3A_1645 = vector.extract_strided_slice %slice3A_1602 {offsets = [0, 128], sizes = [640, 128], strides = [1, 1]} : vector<640x256xf32> to vector<640x128xf32>
    %concatenate3A_1646 = tpu.concatenate %slice3A_1644, %slice3A_1645 in 1 : vector<640x128xf32>, vector<640x128xf32> -> vector<640x256xf32>
    %dot_general3A_1647 = arith.constant dense<0.000000e+00> : vector<640x256xf32>
    %dot_general3A_1648 = tpu.matmul %get3A_1, %concatenate3A_1646, %dot_general3A_1647 {dimension_numbers = #tpu.dot_dimension_numbers<[1], [0], [0], [1], [0, 0, 1, 1], [], []>, transpose_lhs_hint = false} : vector<640x640xf32>, vector<640x256xf32>, vector<640x256xf32> -> vector<640x256xf32>
    %slice3A_1649 = vector.extract_strided_slice %dot_general3A_1648 {offsets = [0, 0], sizes = [640, 128], strides = [1, 1]} : vector<640x256xf32> to vector<640x128xf32>
    %slice3A_1650 = vector.extract_strided_slice %dot_general3A_1648 {offsets = [0, 128], sizes = [640, 128], strides = [1, 1]} : vector<640x256xf32> to vector<640x128xf32>
    %slice3A_1651 = vector.extract_strided_slice %slice3A_1606 {offsets = [0, 128], sizes = [640, 128], strides = [1, 1]} : vector<640x256xf32> to vector<640x128xf32>
    %slice3A_1652 = vector.extract_strided_slice %slice3A_1607 {offsets = [0, 128], sizes = [640, 128], strides = [1, 1]} : vector<640x256xf32> to vector<640x128xf32>
    %concatenate3A_1653 = tpu.concatenate %slice3A_1651, %slice3A_1652 in 1 : vector<640x128xf32>, vector<640x128xf32> -> vector<640x256xf32>
    %dot_general3A_1654 = arith.constant dense<0.000000e+00> : vector<640x256xf32>
    %dot_general3A_1655 = tpu.matmul %get3A_1, %concatenate3A_1653, %dot_general3A_1654 {dimension_numbers = #tpu.dot_dimension_numbers<[1], [0], [0], [1], [0, 0, 1, 1], [], []>, transpose_lhs_hint = false} : vector<640x640xf32>, vector<640x256xf32>, vector<640x256xf32> -> vector<640x256xf32>
    %slice3A_1656 = vector.extract_strided_slice %dot_general3A_1655 {offsets = [0, 0], sizes = [640, 128], strides = [1, 1]} : vector<640x256xf32> to vector<640x128xf32>
    %slice3A_1657 = vector.extract_strided_slice %dot_general3A_1655 {offsets = [0, 128], sizes = [640, 128], strides = [1, 1]} : vector<640x256xf32> to vector<640x128xf32>
    %slice3A_1658 = vector.extract_strided_slice %slice3A_1611 {offsets = [0, 128], sizes = [640, 128], strides = [1, 1]} : vector<640x256xf32> to vector<640x128xf32>
    %slice3A_1659 = vector.extract_strided_slice %slice3A_1612 {offsets = [0, 128], sizes = [640, 128], strides = [1, 1]} : vector<640x256xf32> to vector<640x128xf32>
    %concatenate3A_1660 = tpu.concatenate %slice3A_1658, %slice3A_1659 in 1 : vector<640x128xf32>, vector<640x128xf32> -> vector<640x256xf32>
    %dot_general3A_1661 = arith.constant dense<0.000000e+00> : vector<640x256xf32>
    %dot_general3A_1662 = tpu.matmul %get3A_1, %concatenate3A_1660, %dot_general3A_1661 {dimension_numbers = #tpu.dot_dimension_numbers<[1], [0], [0], [1], [0, 0, 1, 1], [], []>, transpose_lhs_hint = false} : vector<640x640xf32>, vector<640x256xf32>, vector<640x256xf32> -> vector<640x256xf32>
    %slice3A_1663 = vector.extract_strided_slice %dot_general3A_1662 {offsets = [0, 0], sizes = [640, 128], strides = [1, 1]} : vector<640x256xf32> to vector<640x128xf32>
    %slice3A_1664 = vector.extract_strided_slice %dot_general3A_1662 {offsets = [0, 128], sizes = [640, 128], strides = [1, 1]} : vector<640x256xf32> to vector<640x128xf32>
    %slice3A_1665 = vector.extract_strided_slice %slice3A_1616 {offsets = [0, 128], sizes = [640, 128], strides = [1, 1]} : vector<640x256xf32> to vector<640x128xf32>
    %slice3A_1666 = vector.extract_strided_slice %slice3A_1617 {offsets = [0, 128], sizes = [640, 128], strides = [1, 1]} : vector<640x256xf32> to vector<640x128xf32>
    %concatenate3A_1667 = tpu.concatenate %slice3A_1665, %slice3A_1666 in 1 : vector<640x128xf32>, vector<640x128xf32> -> vector<640x256xf32>
    %dot_general3A_1668 = arith.constant dense<0.000000e+00> : vector<640x256xf32>
    %dot_general3A_1669 = tpu.matmul %get3A_1, %concatenate3A_1667, %dot_general3A_1668 {dimension_numbers = #tpu.dot_dimension_numbers<[1], [0], [0], [1], [0, 0, 1, 1], [], []>, transpose_lhs_hint = false} : vector<640x640xf32>, vector<640x256xf32>, vector<640x256xf32> -> vector<640x256xf32>
    %slice3A_1670 = vector.extract_strided_slice %dot_general3A_1669 {offsets = [0, 0], sizes = [640, 128], strides = [1, 1]} : vector<640x256xf32> to vector<640x128xf32>
    %slice3A_1671 = vector.extract_strided_slice %dot_general3A_1669 {offsets = [0, 128], sizes = [640, 128], strides = [1, 1]} : vector<640x256xf32> to vector<640x128xf32>
    %slice3A_1672 = vector.extract_strided_slice %slice3A_1621 {offsets = [0, 128], sizes = [640, 128], strides = [1, 1]} : vector<640x256xf32> to vector<640x128xf32>
    %slice3A_1673 = vector.extract_strided_slice %slice3A_1622 {offsets = [0, 128], sizes = [640, 128], strides = [1, 1]} : vector<640x256xf32> to vector<640x128xf32>
    %concatenate3A_1674 = tpu.concatenate %slice3A_1672, %slice3A_1673 in 1 : vector<640x128xf32>, vector<640x128xf32> -> vector<640x256xf32>
    %dot_general3A_1675 = arith.constant dense<0.000000e+00> : vector<640x256xf32>
    %dot_general3A_1676 = tpu.matmul %get3A_1, %concatenate3A_1674, %dot_general3A_1675 {dimension_numbers = #tpu.dot_dimension_numbers<[1], [0], [0], [1], [0, 0, 1, 1], [], []>, transpose_lhs_hint = false} : vector<640x640xf32>, vector<640x256xf32>, vector<640x256xf32> -> vector<640x256xf32>
    %slice3A_1677 = vector.extract_strided_slice %dot_general3A_1676 {offsets = [0, 0], sizes = [640, 128], strides = [1, 1]} : vector<640x256xf32> to vector<640x128xf32>
    %slice3A_1678 = vector.extract_strided_slice %dot_general3A_1676 {offsets = [0, 128], sizes = [640, 128], strides = [1, 1]} : vector<640x256xf32> to vector<640x128xf32>
    %get3A_1679 = arith.constant 0 : index
    %get3A_1680 = arith.constant 0 : index
    %get3A_1681 = vector.load %arg29[%get3A_1679, %get3A_1680] : memref<1x128xf32, #tpu.memory_space<vmem>>, vector<1x128xf32>
    %get3A_1682 = arith.constant 0 : index
    %get3A_1683 = arith.constant 0 : index
    %get3A_1684 = vector.load %arg30[%get3A_1682, %get3A_1683] : memref<1x128xf32, #tpu.memory_space<vmem>>, vector<1x128xf32>
    %mul3A_1685 = vector.broadcast %get3A_1684 : vector<1x128xf32> to vector<640x128xf32>
    %mul3A_1686 = vector.broadcast %mul3A : vector<640x1xf32> to vector<640x128xf32>
    %mul3A_1687 = arith.mulf %mul3A_1685, %mul3A_1686 : vector<640x128xf32>
    %add3A_1688 = vector.broadcast %get3A_1681 : vector<1x128xf32> to vector<640x128xf32>
    %add3A_1689 = arith.addf %add3A_1688, %mul3A_1687 : vector<640x128xf32>
    %get3A_1690 = arith.constant 0 : index
    %get3A_1691 = arith.constant 0 : index
    %get3A_1692 = vector.load %arg31[%get3A_1690, %get3A_1691] : memref<1x128xf32, #tpu.memory_space<vmem>>, vector<1x128xf32>
    %mul3A_1693 = arith.constant 0.999994993 : f32
    %mul3A_1694 = vector.broadcast %mul3A_1693 : f32 to vector<1x128xf32>
    %mul3A_1695 = arith.mulf %mul3A_1694, %get3A_1692 : vector<1x128xf32>
    %slice3A_1696 = vector.extract_strided_slice %slice3A_1586 {offsets = [0, 0], sizes = [640, 128], strides = [1, 1]} : vector<640x256xf32> to vector<640x128xf32>
    %mul3A_1697 = vector.broadcast %div3A_6 : vector<640x1xf32> to vector<640x128xf32>
    %mul3A_1698 = arith.mulf %slice3A_1628, %mul3A_1697 : vector<640x128xf32>
    %add3A_1699 = arith.addf %slice3A_1696, %mul3A_1698 : vector<640x128xf32>
    %add3A_1700 = arith.addf %add3A_1699, %add3A_1689 : vector<640x128xf32>
    %add3A_1701 = arith.addf %add3A_1700, %max3A_1335 : vector<640x128xf32>
    %mul3A_1702 = vector.broadcast %mul3A_1695 : vector<1x128xf32> to vector<640x128xf32>
    %mul3A_1703 = arith.mulf %add3A_1701, %mul3A_1702 : vector<640x128xf32>
    %get3A_1704 = arith.constant 0 : index
    %get3A_1705 = arith.constant 0 : index
    %get3A_1706 = vector.load %arg32[%get3A_1704, %get3A_1705] : memref<1x128xf32, #tpu.memory_space<vmem>>, vector<1x128xf32>
    %add3A_1707 = vector.broadcast %get3A_1706 : vector<1x128xf32> to vector<640x128xf32>
    %add3A_1708 = arith.addf %mul3A_1703, %add3A_1707 : vector<640x128xf32>
    %max3A_1709 = arith.constant 0.000000e+00 : f32
    %max3A_1710 = vector.broadcast %max3A_1709 : f32 to vector<640x128xf32>
    %max3A_1711 = arith.maximumf %add3A_1708, %max3A_1710 : vector<640x128xf32>
    %slice3A_1712 = vector.extract_strided_slice %slice3A_1587 {offsets = [0, 0], sizes = [640, 128], strides = [1, 1]} : vector<640x256xf32> to vector<640x128xf32>
    %mul3A_1713 = vector.broadcast %div3A_6 : vector<640x1xf32> to vector<640x128xf32>
    %mul3A_1714 = arith.mulf %slice3A_1629, %mul3A_1713 : vector<640x128xf32>
    %add3A_1715 = arith.addf %slice3A_1712, %mul3A_1714 : vector<640x128xf32>
    %add3A_1716 = arith.addf %add3A_1715, %add3A_1689 : vector<640x128xf32>
    %add3A_1717 = arith.addf %add3A_1716, %max3A_1351 : vector<640x128xf32>
    %mul3A_1718 = vector.broadcast %mul3A_1695 : vector<1x128xf32> to vector<640x128xf32>
    %mul3A_1719 = arith.mulf %add3A_1717, %mul3A_1718 : vector<640x128xf32>
    %get3A_1720 = arith.constant 0 : index
    %get3A_1721 = arith.constant 0 : index
    %get3A_1722 = vector.load %arg32[%get3A_1720, %get3A_1721] : memref<1x128xf32, #tpu.memory_space<vmem>>, vector<1x128xf32>
    %add3A_1723 = vector.broadcast %get3A_1722 : vector<1x128xf32> to vector<640x128xf32>
    %add3A_1724 = arith.addf %mul3A_1719, %add3A_1723 : vector<640x128xf32>
    %max3A_1725 = arith.constant 0.000000e+00 : f32
    %max3A_1726 = vector.broadcast %max3A_1725 : f32 to vector<640x128xf32>
    %max3A_1727 = arith.maximumf %add3A_1724, %max3A_1726 : vector<640x128xf32>
    %slice3A_1728 = vector.extract_strided_slice %slice3A_1591 {offsets = [0, 0], sizes = [640, 128], strides = [1, 1]} : vector<640x256xf32> to vector<640x128xf32>
    %mul3A_1729 = vector.broadcast %div3A_6 : vector<640x1xf32> to vector<640x128xf32>
    %mul3A_1730 = arith.mulf %slice3A_1635, %mul3A_1729 : vector<640x128xf32>
    %add3A_1731 = arith.addf %slice3A_1728, %mul3A_1730 : vector<640x128xf32>
    %add3A_1732 = arith.addf %add3A_1731, %add3A_1689 : vector<640x128xf32>
    %add3A_1733 = arith.addf %add3A_1732, %max3A_1367 : vector<640x128xf32>
    %mul3A_1734 = vector.broadcast %mul3A_1695 : vector<1x128xf32> to vector<640x128xf32>
    %mul3A_1735 = arith.mulf %add3A_1733, %mul3A_1734 : vector<640x128xf32>
    %get3A_1736 = arith.constant 0 : index
    %get3A_1737 = arith.constant 0 : index
    %get3A_1738 = vector.load %arg32[%get3A_1736, %get3A_1737] : memref<1x128xf32, #tpu.memory_space<vmem>>, vector<1x128xf32>
    %add3A_1739 = vector.broadcast %get3A_1738 : vector<1x128xf32> to vector<640x128xf32>
    %add3A_1740 = arith.addf %mul3A_1735, %add3A_1739 : vector<640x128xf32>
    %max3A_1741 = arith.constant 0.000000e+00 : f32
    %max3A_1742 = vector.broadcast %max3A_1741 : f32 to vector<640x128xf32>
    %max3A_1743 = arith.maximumf %add3A_1740, %max3A_1742 : vector<640x128xf32>
    %slice3A_1744 = vector.extract_strided_slice %slice3A_1592 {offsets = [0, 0], sizes = [640, 128], strides = [1, 1]} : vector<640x256xf32> to vector<640x128xf32>
    %mul3A_1745 = vector.broadcast %div3A_6 : vector<640x1xf32> to vector<640x128xf32>
    %mul3A_1746 = arith.mulf %slice3A_1636, %mul3A_1745 : vector<640x128xf32>
    %add3A_1747 = arith.addf %slice3A_1744, %mul3A_1746 : vector<640x128xf32>
    %add3A_1748 = arith.addf %add3A_1747, %add3A_1689 : vector<640x128xf32>
    %add3A_1749 = arith.addf %add3A_1748, %max3A_1383 : vector<640x128xf32>
    %mul3A_1750 = vector.broadcast %mul3A_1695 : vector<1x128xf32> to vector<640x128xf32>
    %mul3A_1751 = arith.mulf %add3A_1749, %mul3A_1750 : vector<640x128xf32>
    %get3A_1752 = arith.constant 0 : index
    %get3A_1753 = arith.constant 0 : index
    %get3A_1754 = vector.load %arg32[%get3A_1752, %get3A_1753] : memref<1x128xf32, #tpu.memory_space<vmem>>, vector<1x128xf32>
    %add3A_1755 = vector.broadcast %get3A_1754 : vector<1x128xf32> to vector<640x128xf32>
    %add3A_1756 = arith.addf %mul3A_1751, %add3A_1755 : vector<640x128xf32>
    %max3A_1757 = arith.constant 0.000000e+00 : f32
    %max3A_1758 = vector.broadcast %max3A_1757 : f32 to vector<640x128xf32>
    %max3A_1759 = arith.maximumf %add3A_1756, %max3A_1758 : vector<640x128xf32>
    %slice3A_1760 = vector.extract_strided_slice %slice3A_1596 {offsets = [0, 0], sizes = [640, 128], strides = [1, 1]} : vector<640x256xf32> to vector<640x128xf32>
    %mul3A_1761 = vector.broadcast %div3A_6 : vector<640x1xf32> to vector<640x128xf32>
    %mul3A_1762 = arith.mulf %slice3A_1642, %mul3A_1761 : vector<640x128xf32>
    %add3A_1763 = arith.addf %slice3A_1760, %mul3A_1762 : vector<640x128xf32>
    %add3A_1764 = arith.addf %add3A_1763, %add3A_1689 : vector<640x128xf32>
    %add3A_1765 = arith.addf %add3A_1764, %max3A_1399 : vector<640x128xf32>
    %mul3A_1766 = vector.broadcast %mul3A_1695 : vector<1x128xf32> to vector<640x128xf32>
    %mul3A_1767 = arith.mulf %add3A_1765, %mul3A_1766 : vector<640x128xf32>
    %get3A_1768 = arith.constant 0 : index
    %get3A_1769 = arith.constant 0 : index
    %get3A_1770 = vector.load %arg32[%get3A_1768, %get3A_1769] : memref<1x128xf32, #tpu.memory_space<vmem>>, vector<1x128xf32>
    %add3A_1771 = vector.broadcast %get3A_1770 : vector<1x128xf32> to vector<640x128xf32>
    %add3A_1772 = arith.addf %mul3A_1767, %add3A_1771 : vector<640x128xf32>
    %max3A_1773 = arith.constant 0.000000e+00 : f32
    %max3A_1774 = vector.broadcast %max3A_1773 : f32 to vector<640x128xf32>
    %max3A_1775 = arith.maximumf %add3A_1772, %max3A_1774 : vector<640x128xf32>
    %slice3A_1776 = vector.extract_strided_slice %slice3A_1597 {offsets = [0, 0], sizes = [640, 128], strides = [1, 1]} : vector<640x256xf32> to vector<640x128xf32>
    %mul3A_1777 = vector.broadcast %div3A_6 : vector<640x1xf32> to vector<640x128xf32>
    %mul3A_1778 = arith.mulf %slice3A_1643, %mul3A_1777 : vector<640x128xf32>
    %add3A_1779 = arith.addf %slice3A_1776, %mul3A_1778 : vector<640x128xf32>
    %add3A_1780 = arith.addf %add3A_1779, %add3A_1689 : vector<640x128xf32>
    %add3A_1781 = arith.addf %add3A_1780, %max3A_1415 : vector<640x128xf32>
    %mul3A_1782 = vector.broadcast %mul3A_1695 : vector<1x128xf32> to vector<640x128xf32>
    %mul3A_1783 = arith.mulf %add3A_1781, %mul3A_1782 : vector<640x128xf32>
    %get3A_1784 = arith.constant 0 : index
    %get3A_1785 = arith.constant 0 : index
    %get3A_1786 = vector.load %arg32[%get3A_1784, %get3A_1785] : memref<1x128xf32, #tpu.memory_space<vmem>>, vector<1x128xf32>
    %add3A_1787 = vector.broadcast %get3A_1786 : vector<1x128xf32> to vector<640x128xf32>
    %add3A_1788 = arith.addf %mul3A_1783, %add3A_1787 : vector<640x128xf32>
    %max3A_1789 = arith.constant 0.000000e+00 : f32
    %max3A_1790 = vector.broadcast %max3A_1789 : f32 to vector<640x128xf32>
    %max3A_1791 = arith.maximumf %add3A_1788, %max3A_1790 : vector<640x128xf32>
    %slice3A_1792 = vector.extract_strided_slice %slice3A_1601 {offsets = [0, 0], sizes = [640, 128], strides = [1, 1]} : vector<640x256xf32> to vector<640x128xf32>
    %mul3A_1793 = vector.broadcast %div3A_6 : vector<640x1xf32> to vector<640x128xf32>
    %mul3A_1794 = arith.mulf %slice3A_1649, %mul3A_1793 : vector<640x128xf32>
    %add3A_1795 = arith.addf %slice3A_1792, %mul3A_1794 : vector<640x128xf32>
    %add3A_1796 = arith.addf %add3A_1795, %add3A_1689 : vector<640x128xf32>
    %add3A_1797 = arith.addf %add3A_1796, %max3A_1431 : vector<640x128xf32>
    %mul3A_1798 = vector.broadcast %mul3A_1695 : vector<1x128xf32> to vector<640x128xf32>
    %mul3A_1799 = arith.mulf %add3A_1797, %mul3A_1798 : vector<640x128xf32>
    %get3A_1800 = arith.constant 0 : index
    %get3A_1801 = arith.constant 0 : index
    %get3A_1802 = vector.load %arg32[%get3A_1800, %get3A_1801] : memref<1x128xf32, #tpu.memory_space<vmem>>, vector<1x128xf32>
    %add3A_1803 = vector.broadcast %get3A_1802 : vector<1x128xf32> to vector<640x128xf32>
    %add3A_1804 = arith.addf %mul3A_1799, %add3A_1803 : vector<640x128xf32>
    %max3A_1805 = arith.constant 0.000000e+00 : f32
    %max3A_1806 = vector.broadcast %max3A_1805 : f32 to vector<640x128xf32>
    %max3A_1807 = arith.maximumf %add3A_1804, %max3A_1806 : vector<640x128xf32>
    %slice3A_1808 = vector.extract_strided_slice %slice3A_1602 {offsets = [0, 0], sizes = [640, 128], strides = [1, 1]} : vector<640x256xf32> to vector<640x128xf32>
    %mul3A_1809 = vector.broadcast %div3A_6 : vector<640x1xf32> to vector<640x128xf32>
    %mul3A_1810 = arith.mulf %slice3A_1650, %mul3A_1809 : vector<640x128xf32>
    %add3A_1811 = arith.addf %slice3A_1808, %mul3A_1810 : vector<640x128xf32>
    %add3A_1812 = arith.addf %add3A_1811, %add3A_1689 : vector<640x128xf32>
    %add3A_1813 = arith.addf %add3A_1812, %max3A_1447 : vector<640x128xf32>
    %mul3A_1814 = vector.broadcast %mul3A_1695 : vector<1x128xf32> to vector<640x128xf32>
    %mul3A_1815 = arith.mulf %add3A_1813, %mul3A_1814 : vector<640x128xf32>
    %get3A_1816 = arith.constant 0 : index
    %get3A_1817 = arith.constant 0 : index
    %get3A_1818 = vector.load %arg32[%get3A_1816, %get3A_1817] : memref<1x128xf32, #tpu.memory_space<vmem>>, vector<1x128xf32>
    %add3A_1819 = vector.broadcast %get3A_1818 : vector<1x128xf32> to vector<640x128xf32>
    %add3A_1820 = arith.addf %mul3A_1815, %add3A_1819 : vector<640x128xf32>
    %max3A_1821 = arith.constant 0.000000e+00 : f32
    %max3A_1822 = vector.broadcast %max3A_1821 : f32 to vector<640x128xf32>
    %max3A_1823 = arith.maximumf %add3A_1820, %max3A_1822 : vector<640x128xf32>
    %slice3A_1824 = vector.extract_strided_slice %slice3A_1606 {offsets = [0, 0], sizes = [640, 128], strides = [1, 1]} : vector<640x256xf32> to vector<640x128xf32>
    %mul3A_1825 = vector.broadcast %div3A_6 : vector<640x1xf32> to vector<640x128xf32>
    %mul3A_1826 = arith.mulf %slice3A_1656, %mul3A_1825 : vector<640x128xf32>
    %add3A_1827 = arith.addf %slice3A_1824, %mul3A_1826 : vector<640x128xf32>
    %add3A_1828 = arith.addf %add3A_1827, %add3A_1689 : vector<640x128xf32>
    %add3A_1829 = arith.addf %add3A_1828, %max3A_1463 : vector<640x128xf32>
    %mul3A_1830 = vector.broadcast %mul3A_1695 : vector<1x128xf32> to vector<640x128xf32>
    %mul3A_1831 = arith.mulf %add3A_1829, %mul3A_1830 : vector<640x128xf32>
    %get3A_1832 = arith.constant 0 : index
    %get3A_1833 = arith.constant 0 : index
    %get3A_1834 = vector.load %arg32[%get3A_1832, %get3A_1833] : memref<1x128xf32, #tpu.memory_space<vmem>>, vector<1x128xf32>
    %add3A_1835 = vector.broadcast %get3A_1834 : vector<1x128xf32> to vector<640x128xf32>
    %add3A_1836 = arith.addf %mul3A_1831, %add3A_1835 : vector<640x128xf32>
    %max3A_1837 = arith.constant 0.000000e+00 : f32
    %max3A_1838 = vector.broadcast %max3A_1837 : f32 to vector<640x128xf32>
    %max3A_1839 = arith.maximumf %add3A_1836, %max3A_1838 : vector<640x128xf32>
    %slice3A_1840 = vector.extract_strided_slice %slice3A_1607 {offsets = [0, 0], sizes = [640, 128], strides = [1, 1]} : vector<640x256xf32> to vector<640x128xf32>
    %mul3A_1841 = vector.broadcast %div3A_6 : vector<640x1xf32> to vector<640x128xf32>
    %mul3A_1842 = arith.mulf %slice3A_1657, %mul3A_1841 : vector<640x128xf32>
    %add3A_1843 = arith.addf %slice3A_1840, %mul3A_1842 : vector<640x128xf32>
    %add3A_1844 = arith.addf %add3A_1843, %add3A_1689 : vector<640x128xf32>
    %add3A_1845 = arith.addf %add3A_1844, %max3A_1479 : vector<640x128xf32>
    %mul3A_1846 = vector.broadcast %mul3A_1695 : vector<1x128xf32> to vector<640x128xf32>
    %mul3A_1847 = arith.mulf %add3A_1845, %mul3A_1846 : vector<640x128xf32>
    %get3A_1848 = arith.constant 0 : index
    %get3A_1849 = arith.constant 0 : index
    %get3A_1850 = vector.load %arg32[%get3A_1848, %get3A_1849] : memref<1x128xf32, #tpu.memory_space<vmem>>, vector<1x128xf32>
    %add3A_1851 = vector.broadcast %get3A_1850 : vector<1x128xf32> to vector<640x128xf32>
    %add3A_1852 = arith.addf %mul3A_1847, %add3A_1851 : vector<640x128xf32>
    %max3A_1853 = arith.constant 0.000000e+00 : f32
    %max3A_1854 = vector.broadcast %max3A_1853 : f32 to vector<640x128xf32>
    %max3A_1855 = arith.maximumf %add3A_1852, %max3A_1854 : vector<640x128xf32>
    %slice3A_1856 = vector.extract_strided_slice %slice3A_1611 {offsets = [0, 0], sizes = [640, 128], strides = [1, 1]} : vector<640x256xf32> to vector<640x128xf32>
    %mul3A_1857 = vector.broadcast %div3A_6 : vector<640x1xf32> to vector<640x128xf32>
    %mul3A_1858 = arith.mulf %slice3A_1663, %mul3A_1857 : vector<640x128xf32>
    %add3A_1859 = arith.addf %slice3A_1856, %mul3A_1858 : vector<640x128xf32>
    %add3A_1860 = arith.addf %add3A_1859, %add3A_1689 : vector<640x128xf32>
    %add3A_1861 = arith.addf %add3A_1860, %max3A_1495 : vector<640x128xf32>
    %mul3A_1862 = vector.broadcast %mul3A_1695 : vector<1x128xf32> to vector<640x128xf32>
    %mul3A_1863 = arith.mulf %add3A_1861, %mul3A_1862 : vector<640x128xf32>
    %get3A_1864 = arith.constant 0 : index
    %get3A_1865 = arith.constant 0 : index
    %get3A_1866 = vector.load %arg32[%get3A_1864, %get3A_1865] : memref<1x128xf32, #tpu.memory_space<vmem>>, vector<1x128xf32>
    %add3A_1867 = vector.broadcast %get3A_1866 : vector<1x128xf32> to vector<640x128xf32>
    %add3A_1868 = arith.addf %mul3A_1863, %add3A_1867 : vector<640x128xf32>
    %max3A_1869 = arith.constant 0.000000e+00 : f32
    %max3A_1870 = vector.broadcast %max3A_1869 : f32 to vector<640x128xf32>
    %max3A_1871 = arith.maximumf %add3A_1868, %max3A_1870 : vector<640x128xf32>
    %slice3A_1872 = vector.extract_strided_slice %slice3A_1612 {offsets = [0, 0], sizes = [640, 128], strides = [1, 1]} : vector<640x256xf32> to vector<640x128xf32>
    %mul3A_1873 = vector.broadcast %div3A_6 : vector<640x1xf32> to vector<640x128xf32>
    %mul3A_1874 = arith.mulf %slice3A_1664, %mul3A_1873 : vector<640x128xf32>
    %add3A_1875 = arith.addf %slice3A_1872, %mul3A_1874 : vector<640x128xf32>
    %add3A_1876 = arith.addf %add3A_1875, %add3A_1689 : vector<640x128xf32>
    %add3A_1877 = arith.addf %add3A_1876, %max3A_1511 : vector<640x128xf32>
    %mul3A_1878 = vector.broadcast %mul3A_1695 : vector<1x128xf32> to vector<640x128xf32>
    %mul3A_1879 = arith.mulf %add3A_1877, %mul3A_1878 : vector<640x128xf32>
    %get3A_1880 = arith.constant 0 : index
    %get3A_1881 = arith.constant 0 : index
    %get3A_1882 = vector.load %arg32[%get3A_1880, %get3A_1881] : memref<1x128xf32, #tpu.memory_space<vmem>>, vector<1x128xf32>
    %add3A_1883 = vector.broadcast %get3A_1882 : vector<1x128xf32> to vector<640x128xf32>
    %add3A_1884 = arith.addf %mul3A_1879, %add3A_1883 : vector<640x128xf32>
    %max3A_1885 = arith.constant 0.000000e+00 : f32
    %max3A_1886 = vector.broadcast %max3A_1885 : f32 to vector<640x128xf32>
    %max3A_1887 = arith.maximumf %add3A_1884, %max3A_1886 : vector<640x128xf32>
    %slice3A_1888 = vector.extract_strided_slice %slice3A_1616 {offsets = [0, 0], sizes = [640, 128], strides = [1, 1]} : vector<640x256xf32> to vector<640x128xf32>
    %mul3A_1889 = vector.broadcast %div3A_6 : vector<640x1xf32> to vector<640x128xf32>
    %mul3A_1890 = arith.mulf %slice3A_1670, %mul3A_1889 : vector<640x128xf32>
    %add3A_1891 = arith.addf %slice3A_1888, %mul3A_1890 : vector<640x128xf32>
    %add3A_1892 = arith.addf %add3A_1891, %add3A_1689 : vector<640x128xf32>
    %add3A_1893 = arith.addf %add3A_1892, %max3A_1527 : vector<640x128xf32>
    %mul3A_1894 = vector.broadcast %mul3A_1695 : vector<1x128xf32> to vector<640x128xf32>
    %mul3A_1895 = arith.mulf %add3A_1893, %mul3A_1894 : vector<640x128xf32>
    %get3A_1896 = arith.constant 0 : index
    %get3A_1897 = arith.constant 0 : index
    %get3A_1898 = vector.load %arg32[%get3A_1896, %get3A_1897] : memref<1x128xf32, #tpu.memory_space<vmem>>, vector<1x128xf32>
    %add3A_1899 = vector.broadcast %get3A_1898 : vector<1x128xf32> to vector<640x128xf32>
    %add3A_1900 = arith.addf %mul3A_1895, %add3A_1899 : vector<640x128xf32>
    %max3A_1901 = arith.constant 0.000000e+00 : f32
    %max3A_1902 = vector.broadcast %max3A_1901 : f32 to vector<640x128xf32>
    %max3A_1903 = arith.maximumf %add3A_1900, %max3A_1902 : vector<640x128xf32>
    %slice3A_1904 = vector.extract_strided_slice %slice3A_1617 {offsets = [0, 0], sizes = [640, 128], strides = [1, 1]} : vector<640x256xf32> to vector<640x128xf32>
    %mul3A_1905 = vector.broadcast %div3A_6 : vector<640x1xf32> to vector<640x128xf32>
    %mul3A_1906 = arith.mulf %slice3A_1671, %mul3A_1905 : vector<640x128xf32>
    %add3A_1907 = arith.addf %slice3A_1904, %mul3A_1906 : vector<640x128xf32>
    %add3A_1908 = arith.addf %add3A_1907, %add3A_1689 : vector<640x128xf32>
    %add3A_1909 = arith.addf %add3A_1908, %max3A_1543 : vector<640x128xf32>
    %mul3A_1910 = vector.broadcast %mul3A_1695 : vector<1x128xf32> to vector<640x128xf32>
    %mul3A_1911 = arith.mulf %add3A_1909, %mul3A_1910 : vector<640x128xf32>
    %get3A_1912 = arith.constant 0 : index
    %get3A_1913 = arith.constant 0 : index
    %get3A_1914 = vector.load %arg32[%get3A_1912, %get3A_1913] : memref<1x128xf32, #tpu.memory_space<vmem>>, vector<1x128xf32>
    %add3A_1915 = vector.broadcast %get3A_1914 : vector<1x128xf32> to vector<640x128xf32>
    %add3A_1916 = arith.addf %mul3A_1911, %add3A_1915 : vector<640x128xf32>
    %max3A_1917 = arith.constant 0.000000e+00 : f32
    %max3A_1918 = vector.broadcast %max3A_1917 : f32 to vector<640x128xf32>
    %max3A_1919 = arith.maximumf %add3A_1916, %max3A_1918 : vector<640x128xf32>
    %slice3A_1920 = vector.extract_strided_slice %slice3A_1621 {offsets = [0, 0], sizes = [640, 128], strides = [1, 1]} : vector<640x256xf32> to vector<640x128xf32>
    %mul3A_1921 = vector.broadcast %div3A_6 : vector<640x1xf32> to vector<640x128xf32>
    %mul3A_1922 = arith.mulf %slice3A_1677, %mul3A_1921 : vector<640x128xf32>
    %add3A_1923 = arith.addf %slice3A_1920, %mul3A_1922 : vector<640x128xf32>
    %add3A_1924 = arith.addf %add3A_1923, %add3A_1689 : vector<640x128xf32>
    %add3A_1925 = arith.addf %add3A_1924, %max3A_1559 : vector<640x128xf32>
    %mul3A_1926 = vector.broadcast %mul3A_1695 : vector<1x128xf32> to vector<640x128xf32>
    %mul3A_1927 = arith.mulf %add3A_1925, %mul3A_1926 : vector<640x128xf32>
    %get3A_1928 = arith.constant 0 : index
    %get3A_1929 = arith.constant 0 : index
    %get3A_1930 = vector.load %arg32[%get3A_1928, %get3A_1929] : memref<1x128xf32, #tpu.memory_space<vmem>>, vector<1x128xf32>
    %add3A_1931 = vector.broadcast %get3A_1930 : vector<1x128xf32> to vector<640x128xf32>
    %add3A_1932 = arith.addf %mul3A_1927, %add3A_1931 : vector<640x128xf32>
    %max3A_1933 = arith.constant 0.000000e+00 : f32
    %max3A_1934 = vector.broadcast %max3A_1933 : f32 to vector<640x128xf32>
    %max3A_1935 = arith.maximumf %add3A_1932, %max3A_1934 : vector<640x128xf32>
    %slice3A_1936 = vector.extract_strided_slice %slice3A_1622 {offsets = [0, 0], sizes = [640, 128], strides = [1, 1]} : vector<640x256xf32> to vector<640x128xf32>
    %mul3A_1937 = vector.broadcast %div3A_6 : vector<640x1xf32> to vector<640x128xf32>
    %mul3A_1938 = arith.mulf %slice3A_1678, %mul3A_1937 : vector<640x128xf32>
    %add3A_1939 = arith.addf %slice3A_1936, %mul3A_1938 : vector<640x128xf32>
    %add3A_1940 = arith.addf %add3A_1939, %add3A_1689 : vector<640x128xf32>
    %add3A_1941 = arith.addf %add3A_1940, %max3A_1575 : vector<640x128xf32>
    %mul3A_1942 = vector.broadcast %mul3A_1695 : vector<1x128xf32> to vector<640x128xf32>
    %mul3A_1943 = arith.mulf %add3A_1941, %mul3A_1942 : vector<640x128xf32>
    %get3A_1944 = arith.constant 0 : index
    %get3A_1945 = arith.constant 0 : index
    %get3A_1946 = vector.load %arg32[%get3A_1944, %get3A_1945] : memref<1x128xf32, #tpu.memory_space<vmem>>, vector<1x128xf32>
    %add3A_1947 = vector.broadcast %get3A_1946 : vector<1x128xf32> to vector<640x128xf32>
    %add3A_1948 = arith.addf %mul3A_1943, %add3A_1947 : vector<640x128xf32>
    %max3A_1949 = arith.constant 0.000000e+00 : f32
    %max3A_1950 = vector.broadcast %max3A_1949 : f32 to vector<640x128xf32>
    %max3A_1951 = arith.maximumf %add3A_1948, %max3A_1950 : vector<640x128xf32>
    %iota3A_1952 = tpu.iota {dimensions = array<i32: 0>} : vector<640x128xi32>
    %lt3A = arith.constant 600 : i32
    %lt3A_1953 = vector.broadcast %lt3A : i32 to vector<640x128xi32>
    %lt3A_1954 = arith.cmpi slt, %iota3A_1952, %lt3A_1953 : vector<640x128xi32>
    %jit3A_1955 = arith.constant 0.000000e+00 : f32
    %broadcast_in_dim3A_1956 = vector.broadcast %jit3A_1955 : f32 to vector<640x128xf32>
    %select_n3A_1957 = arith.select %lt3A_1954, %max3A_1711, %broadcast_in_dim3A_1956 : vector<640x128xi1>, vector<640x128xf32>
    %reduce_sum3A_1958 = arith.constant dense<0.000000e+00> : vector<128xf32>
    %reduce_sum3A_1959 = vector.multi_reduction <add>, %select_n3A_1957, %reduce_sum3A_1958 [0] : vector<640x128xf32> to vector<128xf32>
    %broadcast_in_dim3A_1960 = vector.shape_cast %reduce_sum3A_1959 : vector<128xf32> to vector<1x128xf32>
    %mul3A_1961 = arith.constant 0.00166666671 : f32
    %mul3A_1962 = vector.broadcast %mul3A_1961 : f32 to vector<1x128xf32>
    %mul3A_1963 = arith.mulf %broadcast_in_dim3A_1960, %mul3A_1962 : vector<1x128xf32>
    %jit3A_1964 = arith.constant 0.000000e+00 : f32
    %broadcast_in_dim3A_1965 = vector.broadcast %jit3A_1964 : f32 to vector<640x128xf32>
    %select_n3A_1966 = arith.select %lt3A_1954, %max3A_1727, %broadcast_in_dim3A_1965 : vector<640x128xi1>, vector<640x128xf32>
    %reduce_sum3A_1967 = arith.constant dense<0.000000e+00> : vector<128xf32>
    %reduce_sum3A_1968 = vector.multi_reduction <add>, %select_n3A_1966, %reduce_sum3A_1967 [0] : vector<640x128xf32> to vector<128xf32>
    %broadcast_in_dim3A_1969 = vector.shape_cast %reduce_sum3A_1968 : vector<128xf32> to vector<1x128xf32>
    %mul3A_1970 = arith.constant 0.00166666671 : f32
    %mul3A_1971 = vector.broadcast %mul3A_1970 : f32 to vector<1x128xf32>
    %mul3A_1972 = arith.mulf %broadcast_in_dim3A_1969, %mul3A_1971 : vector<1x128xf32>
    %jit3A_1973 = arith.constant 0.000000e+00 : f32
    %broadcast_in_dim3A_1974 = vector.broadcast %jit3A_1973 : f32 to vector<640x128xf32>
    %select_n3A_1975 = arith.select %lt3A_1954, %max3A_1743, %broadcast_in_dim3A_1974 : vector<640x128xi1>, vector<640x128xf32>
    %reduce_sum3A_1976 = arith.constant dense<0.000000e+00> : vector<128xf32>
    %reduce_sum3A_1977 = vector.multi_reduction <add>, %select_n3A_1975, %reduce_sum3A_1976 [0] : vector<640x128xf32> to vector<128xf32>
    %broadcast_in_dim3A_1978 = vector.shape_cast %reduce_sum3A_1977 : vector<128xf32> to vector<1x128xf32>
    %mul3A_1979 = arith.constant 0.00166666671 : f32
    %mul3A_1980 = vector.broadcast %mul3A_1979 : f32 to vector<1x128xf32>
    %mul3A_1981 = arith.mulf %broadcast_in_dim3A_1978, %mul3A_1980 : vector<1x128xf32>
    %jit3A_1982 = arith.constant 0.000000e+00 : f32
    %broadcast_in_dim3A_1983 = vector.broadcast %jit3A_1982 : f32 to vector<640x128xf32>
    %select_n3A_1984 = arith.select %lt3A_1954, %max3A_1759, %broadcast_in_dim3A_1983 : vector<640x128xi1>, vector<640x128xf32>
    %reduce_sum3A_1985 = arith.constant dense<0.000000e+00> : vector<128xf32>
    %reduce_sum3A_1986 = vector.multi_reduction <add>, %select_n3A_1984, %reduce_sum3A_1985 [0] : vector<640x128xf32> to vector<128xf32>
    %broadcast_in_dim3A_1987 = vector.shape_cast %reduce_sum3A_1986 : vector<128xf32> to vector<1x128xf32>
    %mul3A_1988 = arith.constant 0.00166666671 : f32
    %mul3A_1989 = vector.broadcast %mul3A_1988 : f32 to vector<1x128xf32>
    %mul3A_1990 = arith.mulf %broadcast_in_dim3A_1987, %mul3A_1989 : vector<1x128xf32>
    %jit3A_1991 = arith.constant 0.000000e+00 : f32
    %broadcast_in_dim3A_1992 = vector.broadcast %jit3A_1991 : f32 to vector<640x128xf32>
    %select_n3A_1993 = arith.select %lt3A_1954, %max3A_1775, %broadcast_in_dim3A_1992 : vector<640x128xi1>, vector<640x128xf32>
    %reduce_sum3A_1994 = arith.constant dense<0.000000e+00> : vector<128xf32>
    %reduce_sum3A_1995 = vector.multi_reduction <add>, %select_n3A_1993, %reduce_sum3A_1994 [0] : vector<640x128xf32> to vector<128xf32>
    %broadcast_in_dim3A_1996 = vector.shape_cast %reduce_sum3A_1995 : vector<128xf32> to vector<1x128xf32>
    %mul3A_1997 = arith.constant 0.00166666671 : f32
    %mul3A_1998 = vector.broadcast %mul3A_1997 : f32 to vector<1x128xf32>
    %mul3A_1999 = arith.mulf %broadcast_in_dim3A_1996, %mul3A_1998 : vector<1x128xf32>
    %jit3A_2000 = arith.constant 0.000000e+00 : f32
    %broadcast_in_dim3A_2001 = vector.broadcast %jit3A_2000 : f32 to vector<640x128xf32>
    %select_n3A_2002 = arith.select %lt3A_1954, %max3A_1791, %broadcast_in_dim3A_2001 : vector<640x128xi1>, vector<640x128xf32>
    %reduce_sum3A_2003 = arith.constant dense<0.000000e+00> : vector<128xf32>
    %reduce_sum3A_2004 = vector.multi_reduction <add>, %select_n3A_2002, %reduce_sum3A_2003 [0] : vector<640x128xf32> to vector<128xf32>
    %broadcast_in_dim3A_2005 = vector.shape_cast %reduce_sum3A_2004 : vector<128xf32> to vector<1x128xf32>
    %mul3A_2006 = arith.constant 0.00166666671 : f32
    %mul3A_2007 = vector.broadcast %mul3A_2006 : f32 to vector<1x128xf32>
    %mul3A_2008 = arith.mulf %broadcast_in_dim3A_2005, %mul3A_2007 : vector<1x128xf32>
    %jit3A_2009 = arith.constant 0.000000e+00 : f32
    %broadcast_in_dim3A_2010 = vector.broadcast %jit3A_2009 : f32 to vector<640x128xf32>
    %select_n3A_2011 = arith.select %lt3A_1954, %max3A_1807, %broadcast_in_dim3A_2010 : vector<640x128xi1>, vector<640x128xf32>
    %reduce_sum3A_2012 = arith.constant dense<0.000000e+00> : vector<128xf32>
    %reduce_sum3A_2013 = vector.multi_reduction <add>, %select_n3A_2011, %reduce_sum3A_2012 [0] : vector<640x128xf32> to vector<128xf32>
    %broadcast_in_dim3A_2014 = vector.shape_cast %reduce_sum3A_2013 : vector<128xf32> to vector<1x128xf32>
    %mul3A_2015 = arith.constant 0.00166666671 : f32
    %mul3A_2016 = vector.broadcast %mul3A_2015 : f32 to vector<1x128xf32>
    %mul3A_2017 = arith.mulf %broadcast_in_dim3A_2014, %mul3A_2016 : vector<1x128xf32>
    %jit3A_2018 = arith.constant 0.000000e+00 : f32
    %broadcast_in_dim3A_2019 = vector.broadcast %jit3A_2018 : f32 to vector<640x128xf32>
    %select_n3A_2020 = arith.select %lt3A_1954, %max3A_1823, %broadcast_in_dim3A_2019 : vector<640x128xi1>, vector<640x128xf32>
    %reduce_sum3A_2021 = arith.constant dense<0.000000e+00> : vector<128xf32>
    %reduce_sum3A_2022 = vector.multi_reduction <add>, %select_n3A_2020, %reduce_sum3A_2021 [0] : vector<640x128xf32> to vector<128xf32>
    %broadcast_in_dim3A_2023 = vector.shape_cast %reduce_sum3A_2022 : vector<128xf32> to vector<1x128xf32>
    %mul3A_2024 = arith.constant 0.00166666671 : f32
    %mul3A_2025 = vector.broadcast %mul3A_2024 : f32 to vector<1x128xf32>
    %mul3A_2026 = arith.mulf %broadcast_in_dim3A_2023, %mul3A_2025 : vector<1x128xf32>
    %jit3A_2027 = arith.constant 0.000000e+00 : f32
    %broadcast_in_dim3A_2028 = vector.broadcast %jit3A_2027 : f32 to vector<640x128xf32>
    %select_n3A_2029 = arith.select %lt3A_1954, %max3A_1839, %broadcast_in_dim3A_2028 : vector<640x128xi1>, vector<640x128xf32>
    %reduce_sum3A_2030 = arith.constant dense<0.000000e+00> : vector<128xf32>
    %reduce_sum3A_2031 = vector.multi_reduction <add>, %select_n3A_2029, %reduce_sum3A_2030 [0] : vector<640x128xf32> to vector<128xf32>
    %broadcast_in_dim3A_2032 = vector.shape_cast %reduce_sum3A_2031 : vector<128xf32> to vector<1x128xf32>
    %mul3A_2033 = arith.constant 0.00166666671 : f32
    %mul3A_2034 = vector.broadcast %mul3A_2033 : f32 to vector<1x128xf32>
    %mul3A_2035 = arith.mulf %broadcast_in_dim3A_2032, %mul3A_2034 : vector<1x128xf32>
    %jit3A_2036 = arith.constant 0.000000e+00 : f32
    %broadcast_in_dim3A_2037 = vector.broadcast %jit3A_2036 : f32 to vector<640x128xf32>
    %select_n3A_2038 = arith.select %lt3A_1954, %max3A_1855, %broadcast_in_dim3A_2037 : vector<640x128xi1>, vector<640x128xf32>
    %reduce_sum3A_2039 = arith.constant dense<0.000000e+00> : vector<128xf32>
    %reduce_sum3A_2040 = vector.multi_reduction <add>, %select_n3A_2038, %reduce_sum3A_2039 [0] : vector<640x128xf32> to vector<128xf32>
    %broadcast_in_dim3A_2041 = vector.shape_cast %reduce_sum3A_2040 : vector<128xf32> to vector<1x128xf32>
    %mul3A_2042 = arith.constant 0.00166666671 : f32
    %mul3A_2043 = vector.broadcast %mul3A_2042 : f32 to vector<1x128xf32>
    %mul3A_2044 = arith.mulf %broadcast_in_dim3A_2041, %mul3A_2043 : vector<1x128xf32>
    %jit3A_2045 = arith.constant 0.000000e+00 : f32
    %broadcast_in_dim3A_2046 = vector.broadcast %jit3A_2045 : f32 to vector<640x128xf32>
    %select_n3A_2047 = arith.select %lt3A_1954, %max3A_1871, %broadcast_in_dim3A_2046 : vector<640x128xi1>, vector<640x128xf32>
    %reduce_sum3A_2048 = arith.constant dense<0.000000e+00> : vector<128xf32>
    %reduce_sum3A_2049 = vector.multi_reduction <add>, %select_n3A_2047, %reduce_sum3A_2048 [0] : vector<640x128xf32> to vector<128xf32>
    %broadcast_in_dim3A_2050 = vector.shape_cast %reduce_sum3A_2049 : vector<128xf32> to vector<1x128xf32>
    %mul3A_2051 = arith.constant 0.00166666671 : f32
    %mul3A_2052 = vector.broadcast %mul3A_2051 : f32 to vector<1x128xf32>
    %mul3A_2053 = arith.mulf %broadcast_in_dim3A_2050, %mul3A_2052 : vector<1x128xf32>
    %jit3A_2054 = arith.constant 0.000000e+00 : f32
    %broadcast_in_dim3A_2055 = vector.broadcast %jit3A_2054 : f32 to vector<640x128xf32>
    %select_n3A_2056 = arith.select %lt3A_1954, %max3A_1887, %broadcast_in_dim3A_2055 : vector<640x128xi1>, vector<640x128xf32>
    %reduce_sum3A_2057 = arith.constant dense<0.000000e+00> : vector<128xf32>
    %reduce_sum3A_2058 = vector.multi_reduction <add>, %select_n3A_2056, %reduce_sum3A_2057 [0] : vector<640x128xf32> to vector<128xf32>
    %broadcast_in_dim3A_2059 = vector.shape_cast %reduce_sum3A_2058 : vector<128xf32> to vector<1x128xf32>
    %mul3A_2060 = arith.constant 0.00166666671 : f32
    %mul3A_2061 = vector.broadcast %mul3A_2060 : f32 to vector<1x128xf32>
    %mul3A_2062 = arith.mulf %broadcast_in_dim3A_2059, %mul3A_2061 : vector<1x128xf32>
    %jit3A_2063 = arith.constant 0.000000e+00 : f32
    %broadcast_in_dim3A_2064 = vector.broadcast %jit3A_2063 : f32 to vector<640x128xf32>
    %select_n3A_2065 = arith.select %lt3A_1954, %max3A_1903, %broadcast_in_dim3A_2064 : vector<640x128xi1>, vector<640x128xf32>
    %reduce_sum3A_2066 = arith.constant dense<0.000000e+00> : vector<128xf32>
    %reduce_sum3A_2067 = vector.multi_reduction <add>, %select_n3A_2065, %reduce_sum3A_2066 [0] : vector<640x128xf32> to vector<128xf32>
    %broadcast_in_dim3A_2068 = vector.shape_cast %reduce_sum3A_2067 : vector<128xf32> to vector<1x128xf32>
    %mul3A_2069 = arith.constant 0.00166666671 : f32
    %mul3A_2070 = vector.broadcast %mul3A_2069 : f32 to vector<1x128xf32>
    %mul3A_2071 = arith.mulf %broadcast_in_dim3A_2068, %mul3A_2070 : vector<1x128xf32>
    %jit3A_2072 = arith.constant 0.000000e+00 : f32
    %broadcast_in_dim3A_2073 = vector.broadcast %jit3A_2072 : f32 to vector<640x128xf32>
    %select_n3A_2074 = arith.select %lt3A_1954, %max3A_1919, %broadcast_in_dim3A_2073 : vector<640x128xi1>, vector<640x128xf32>
    %reduce_sum3A_2075 = arith.constant dense<0.000000e+00> : vector<128xf32>
    %reduce_sum3A_2076 = vector.multi_reduction <add>, %select_n3A_2074, %reduce_sum3A_2075 [0] : vector<640x128xf32> to vector<128xf32>
    %broadcast_in_dim3A_2077 = vector.shape_cast %reduce_sum3A_2076 : vector<128xf32> to vector<1x128xf32>
    %mul3A_2078 = arith.constant 0.00166666671 : f32
    %mul3A_2079 = vector.broadcast %mul3A_2078 : f32 to vector<1x128xf32>
    %mul3A_2080 = arith.mulf %broadcast_in_dim3A_2077, %mul3A_2079 : vector<1x128xf32>
    %jit3A_2081 = arith.constant 0.000000e+00 : f32
    %broadcast_in_dim3A_2082 = vector.broadcast %jit3A_2081 : f32 to vector<640x128xf32>
    %select_n3A_2083 = arith.select %lt3A_1954, %max3A_1935, %broadcast_in_dim3A_2082 : vector<640x128xi1>, vector<640x128xf32>
    %reduce_sum3A_2084 = arith.constant dense<0.000000e+00> : vector<128xf32>
    %reduce_sum3A_2085 = vector.multi_reduction <add>, %select_n3A_2083, %reduce_sum3A_2084 [0] : vector<640x128xf32> to vector<128xf32>
    %broadcast_in_dim3A_2086 = vector.shape_cast %reduce_sum3A_2085 : vector<128xf32> to vector<1x128xf32>
    %mul3A_2087 = arith.constant 0.00166666671 : f32
    %mul3A_2088 = vector.broadcast %mul3A_2087 : f32 to vector<1x128xf32>
    %mul3A_2089 = arith.mulf %broadcast_in_dim3A_2086, %mul3A_2088 : vector<1x128xf32>
    %jit3A_2090 = arith.constant 0.000000e+00 : f32
    %broadcast_in_dim3A_2091 = vector.broadcast %jit3A_2090 : f32 to vector<640x128xf32>
    %select_n3A_2092 = arith.select %lt3A_1954, %max3A_1951, %broadcast_in_dim3A_2091 : vector<640x128xi1>, vector<640x128xf32>
    %reduce_sum3A_2093 = arith.constant dense<0.000000e+00> : vector<128xf32>
    %reduce_sum3A_2094 = vector.multi_reduction <add>, %select_n3A_2092, %reduce_sum3A_2093 [0] : vector<640x128xf32> to vector<128xf32>
    %broadcast_in_dim3A_2095 = vector.shape_cast %reduce_sum3A_2094 : vector<128xf32> to vector<1x128xf32>
    %mul3A_2096 = arith.constant 0.00166666671 : f32
    %mul3A_2097 = vector.broadcast %mul3A_2096 : f32 to vector<1x128xf32>
    %mul3A_2098 = arith.mulf %broadcast_in_dim3A_2095, %mul3A_2097 : vector<1x128xf32>
    %concatenate3A_2099 = tpu.concatenate %mul3A_1963, %mul3A_1972, %mul3A_1981, %mul3A_1990, %mul3A_1999, %mul3A_2008, %mul3A_2017, %mul3A_2026, %mul3A_2035, %mul3A_2044, %mul3A_2053, %mul3A_2062, %mul3A_2071, %mul3A_2080, %mul3A_2089, %mul3A_2098 in 0 : vector<1x128xf32>, vector<1x128xf32>, vector<1x128xf32>, vector<1x128xf32>, vector<1x128xf32>, vector<1x128xf32>, vector<1x128xf32>, vector<1x128xf32>, vector<1x128xf32>, vector<1x128xf32>, vector<1x128xf32>, vector<1x128xf32>, vector<1x128xf32>, vector<1x128xf32>, vector<1x128xf32>, vector<1x128xf32> -> vector<16x128xf32>
    %get3A_2100 = arith.constant 0 : index
    %get3A_2101 = arith.constant 0 : index
    %get3A_2102 = vector.load %arg33[%get3A_2100, %get3A_2101] : memref<128x128xf32, #tpu.memory_space<vmem>>, vector<128x128xf32>
    %dot_general3A_2103 = arith.constant dense<0.000000e+00> : vector<16x128xf32>
    %dot_general3A_2104 = tpu.matmul %concatenate3A_2099, %get3A_2102, %dot_general3A_2103 {dimension_numbers = #tpu.dot_dimension_numbers<[1], [0], [0], [1], [0, 0, 1, 1], [], []>, transpose_lhs_hint = false} : vector<16x128xf32>, vector<128x128xf32>, vector<16x128xf32> -> vector<16x128xf32>
    %get3A_2105 = arith.constant 0 : index
    %get3A_2106 = arith.constant 0 : index
    %get3A_2107 = vector.load %arg34[%get3A_2105, %get3A_2106] : memref<1x128xf32, #tpu.memory_space<vmem>>, vector<1x128xf32>
    %add3A_2108 = vector.broadcast %get3A_2107 : vector<1x128xf32> to vector<16x128xf32>
    %add3A_2109 = arith.addf %dot_general3A_2104, %add3A_2108 : vector<16x128xf32>
    %max3A_2110 = arith.constant 0.000000e+00 : f32
    %max3A_2111 = vector.broadcast %max3A_2110 : f32 to vector<16x128xf32>
    %max3A_2112 = arith.maximumf %add3A_2109, %max3A_2111 : vector<16x128xf32>
    %get3A_2113 = arith.constant 0 : index
    %get3A_2114 = arith.constant 0 : index
    %get3A_2115 = vector.load %arg35[%get3A_2113, %get3A_2114] : memref<128x64xf32, #tpu.memory_space<vmem>>, vector<128x64xf32>
    %dot_general3A_2116 = arith.constant dense<0.000000e+00> : vector<16x64xf32>
    %dot_general3A_2117 = tpu.matmul %max3A_2112, %get3A_2115, %dot_general3A_2116 {dimension_numbers = #tpu.dot_dimension_numbers<[1], [0], [0], [1], [0, 0, 1, 1], [], []>, transpose_lhs_hint = false} : vector<16x128xf32>, vector<128x64xf32>, vector<16x64xf32> -> vector<16x64xf32>
    %get3A_2118 = arith.constant 0 : index
    %get3A_2119 = arith.constant 0 : index
    %get3A_2120 = vector.load %arg36[%get3A_2118, %get3A_2119] : memref<1x64xf32, #tpu.memory_space<vmem>>, vector<1x64xf32>
    %add3A_2121 = vector.broadcast %get3A_2120 : vector<1x64xf32> to vector<16x64xf32>
    %add3A_2122 = arith.addf %dot_general3A_2117, %add3A_2121 : vector<16x64xf32>
    %max3A_2123 = arith.constant 0.000000e+00 : f32
    %max3A_2124 = vector.broadcast %max3A_2123 : f32 to vector<16x64xf32>
    %max3A_2125 = arith.maximumf %add3A_2122, %max3A_2124 : vector<16x64xf32>
    %get3A_2126 = arith.constant 0 : index
    %get3A_2127 = arith.constant 0 : index
    %get3A_2128 = vector.load %arg37[%get3A_2126, %get3A_2127] : memref<1x64xf32, #tpu.memory_space<vmem>>, vector<1x64xf32>
    %mul3A_2129 = vector.broadcast %get3A_2128 : vector<1x64xf32> to vector<16x64xf32>
    %mul3A_2130 = arith.mulf %max3A_2125, %mul3A_2129 : vector<16x64xf32>
    %reduce_sum3A_2131 = arith.constant dense<0.000000e+00> : vector<16xf32>
    %reduce_sum3A_2132 = vector.multi_reduction <add>, %mul3A_2130, %reduce_sum3A_2131 [1] : vector<16x64xf32> to vector<16xf32>
    %broadcast_in_dim3A_2133 = vector.shape_cast %reduce_sum3A_2132 : vector<16xf32> to vector<16x1xf32>
    %get3A_2134 = arith.constant 0 : index
    %get3A_2135 = arith.constant 0 : index
    %get3A_2136 = vector.load %arg38[%get3A_2134, %get3A_2135] : memref<1x1xf32, #tpu.memory_space<vmem>>, vector<1x1xf32>
    %add3A_2137 = vector.broadcast %get3A_2136 : vector<1x1xf32> to vector<16x1xf32>
    %add3A_2138 = arith.addf %broadcast_in_dim3A_2133, %add3A_2137 : vector<16x1xf32>
    %swap3A = arith.constant 0 : index
    %swap3A_2139 = arith.constant 0 : index
    %swap3A_2140 = vector.load %arg39[%swap3A, %swap3A_2139] : memref<16x1xf32, #tpu.memory_space<vmem>>, vector<16x1xf32>
    tpu.vector_store %arg39[%swap3A, %swap3A_2139], %add3A_2138 {strides = array<i32>} : memref<16x1xf32, #tpu.memory_space<vmem>>, vector<16x1xf32>,
    return
  }
  func.func @transform_0(%arg0: i32) -> (i32, i32) {
    %c0_i32 = arith.constant 0 : i32
    %c0_i32_0 = arith.constant 0 : i32
    %c0_i32_1 = arith.constant 0 : i32
    return %c0_i32, %c0_i32_0 : i32, i32
  }
  func.func @transform_1(%arg0: i32) -> (i32, i32) {
    %c0_i32 = arith.constant 0 : i32
    %c0_i32_0 = arith.constant 0 : i32
    %c0_i32_1 = arith.constant 0 : i32
    return %c0_i32, %c0_i32_0 : i32, i32
  }
  func.func @transform_2(%arg0: i32) -> (i32, i32) {
    %c0_i32 = arith.constant 0 : i32
    %c0_i32_0 = arith.constant 0 : i32
    %c0_i32_1 = arith.constant 0 : i32
    return %c0_i32, %c0_i32_0 : i32, i32
  }
  func.func @transform_3(%arg0: i32) -> (i32, i32) {
    %c0_i32 = arith.constant 0 : i32
    %c0_i32_0 = arith.constant 0 : i32
    %c0_i32_1 = arith.constant 0 : i32
    return %c0_i32, %c0_i32_0 : i32, i32
  }
  func.func @transform_4(%arg0: i32) -> (i32, i32) {
    %c0_i32 = arith.constant 0 : i32
    %c0_i32_0 = arith.constant 0 : i32
    %c0_i32_1 = arith.constant 0 : i32
    return %c0_i32, %c0_i32_0 : i32, i32
  }
  func.func @transform_5(%arg0: i32) -> (i32, i32) {
    %c0_i32 = arith.constant 0 : i32
    %c0_i32_0 = arith.constant 0 : i32
    %c0_i32_1 = arith.constant 0 : i32
    return %c0_i32, %c0_i32_0 : i32, i32
  }
  func.func @transform_6(%arg0: i32) -> (i32, i32) {
    %c0_i32 = arith.constant 0 : i32
    %c0_i32_0 = arith.constant 0 : i32
    %c0_i32_1 = arith.constant 0 : i32
    return %c0_i32, %c0_i32_0 : i32, i32
  }
  func.func @transform_7(%arg0: i32) -> (i32, i32) {
    %c0_i32 = arith.constant 0 : i32
    %c0_i32_0 = arith.constant 0 : i32
    %c0_i32_1 = arith.constant 0 : i32
    return %c0_i32, %c0_i32_0 : i32, i32
  }
  func.func @transform_8(%arg0: i32) -> (i32, i32) {
    %c0_i32 = arith.constant 0 : i32
    %c0_i32_0 = arith.constant 0 : i32
    %c0_i32_1 = arith.constant 0 : i32
    return %c0_i32, %c0_i32_0 : i32, i32
  }
  func.func @transform_9(%arg0: i32) -> (i32, i32) {
    %c0_i32 = arith.constant 0 : i32
    %c0_i32_0 = arith.constant 0 : i32
    %c0_i32_1 = arith.constant 0 : i32
    return %c0_i32, %c0_i32_0 : i32, i32
  }
  func.func @transform_10(%arg0: i32) -> (i32, i32) {
    %c0_i32 = arith.constant 0 : i32
    %c0_i32_0 = arith.constant 0 : i32
    %c0_i32_1 = arith.constant 0 : i32
    return %c0_i32, %c0_i32_0 : i32, i32
  }
  func.func @transform_11(%arg0: i32) -> (i32, i32) {
    %c0_i32 = arith.constant 0 : i32
    %c0_i32_0 = arith.constant 0 : i32
    %c0_i32_1 = arith.constant 0 : i32
    return %c0_i32, %c0_i32_0 : i32, i32
  }
  func.func @transform_12(%arg0: i32) -> (i32, i32) {
    %c0_i32 = arith.constant 0 : i32
    %c0_i32_0 = arith.constant 0 : i32
    %c0_i32_1 = arith.constant 0 : i32
    return %c0_i32, %c0_i32_0 : i32, i32
  }
  func.func @transform_13(%arg0: i32) -> (i32, i32) {
    %c0_i32 = arith.constant 0 : i32
    %c0_i32_0 = arith.constant 0 : i32
    %c0_i32_1 = arith.constant 0 : i32
    return %c0_i32, %c0_i32_0 : i32, i32
  }
  func.func @transform_14(%arg0: i32) -> (i32, i32) {
    %c0_i32 = arith.constant 0 : i32
    %c0_i32_0 = arith.constant 0 : i32
    %c0_i32_1 = arith.constant 0 : i32
    return %c0_i32, %c0_i32_0 : i32, i32
  }
  func.func @transform_15(%arg0: i32) -> (i32, i32) {
    %c0_i32 = arith.constant 0 : i32
    %c0_i32_0 = arith.constant 0 : i32
    %c0_i32_1 = arith.constant 0 : i32
    return %c0_i32, %c0_i32_0 : i32, i32
  }
  func.func @transform_16(%arg0: i32) -> (i32, i32) {
    %c0_i32 = arith.constant 0 : i32
    %c0_i32_0 = arith.constant 0 : i32
    %c0_i32_1 = arith.constant 0 : i32
    return %c0_i32, %c0_i32_0 : i32, i32
  }
  func.func @transform_17(%arg0: i32) -> (i32, i32) {
    %c0_i32 = arith.constant 0 : i32
    %c0_i32_0 = arith.constant 0 : i32
    %c0_i32_1 = arith.constant 0 : i32
    return %c0_i32, %c0_i32_0 : i32, i32
  }
  func.func @transform_18(%arg0: i32) -> (i32, i32) {
    %c0_i32 = arith.constant 0 : i32
    %c0_i32_0 = arith.constant 0 : i32
    %c0_i32_1 = arith.constant 0 : i32
    return %c0_i32, %c0_i32_0 : i32, i32
  }
  func.func @transform_19(%arg0: i32) -> (i32, i32) {
    %c0_i32 = arith.constant 0 : i32
    %c0_i32_0 = arith.constant 0 : i32
    %c0_i32_1 = arith.constant 0 : i32
    return %c0_i32, %c0_i32_0 : i32, i32
  }
  func.func @transform_20(%arg0: i32) -> (i32, i32) {
    %c0_i32 = arith.constant 0 : i32
    %c0_i32_0 = arith.constant 0 : i32
    %c0_i32_1 = arith.constant 0 : i32
    return %c0_i32, %c0_i32_0 : i32, i32
  }
  func.func @transform_21(%arg0: i32) -> (i32, i32) {
    %c0_i32 = arith.constant 0 : i32
    %c0_i32_0 = arith.constant 0 : i32
    %c0_i32_1 = arith.constant 0 : i32
    return %c0_i32, %c0_i32_0 : i32, i32
  }
  func.func @transform_22(%arg0: i32) -> (i32, i32) {
    %c0_i32 = arith.constant 0 : i32
    %c0_i32_0 = arith.constant 0 : i32
    %c0_i32_1 = arith.constant 0 : i32
    return %c0_i32, %c0_i32_0 : i32, i32
  }
  func.func @transform_23(%arg0: i32) -> (i32, i32) {
    %c0_i32 = arith.constant 0 : i32
    %c0_i32_0 = arith.constant 0 : i32
    %c0_i32_1 = arith.constant 0 : i32
    return %c0_i32, %c0_i32_0 : i32, i32
  }
  func.func @transform_24(%arg0: i32) -> (i32, i32) {
    %c0_i32 = arith.constant 0 : i32
    %c0_i32_0 = arith.constant 0 : i32
    %c0_i32_1 = arith.constant 0 : i32
    return %c0_i32, %c0_i32_0 : i32, i32
  }
  func.func @transform_25(%arg0: i32) -> (i32, i32) {
    %c0_i32 = arith.constant 0 : i32
    %c0_i32_0 = arith.constant 0 : i32
    %c0_i32_1 = arith.constant 0 : i32
    return %c0_i32, %c0_i32_0 : i32, i32
  }
  func.func @transform_26(%arg0: i32) -> (i32, i32) {
    %c0_i32 = arith.constant 0 : i32
    %c0_i32_0 = arith.constant 0 : i32
    %c0_i32_1 = arith.constant 0 : i32
    return %c0_i32, %c0_i32_0 : i32, i32
  }
  func.func @transform_27(%arg0: i32) -> (i32, i32) {
    %c0_i32 = arith.constant 0 : i32
    %c0_i32_0 = arith.constant 0 : i32
    %c0_i32_1 = arith.constant 0 : i32
    return %c0_i32, %c0_i32_0 : i32, i32
  }
  func.func @transform_28(%arg0: i32) -> (i32, i32) {
    %c0_i32 = arith.constant 0 : i32
    %c0_i32_0 = arith.constant 0 : i32
    %c0_i32_1 = arith.constant 0 : i32
    return %c0_i32, %c0_i32_0 : i32, i32
  }
  func.func @transform_29(%arg0: i32) -> (i32, i32) {
    %c0_i32 = arith.constant 0 : i32
    %c0_i32_0 = arith.constant 0 : i32
    %c0_i32_1 = arith.constant 0 : i32
    return %c0_i32, %c0_i32_0 : i32, i32
  }
  func.func @transform_30(%arg0: i32) -> (i32, i32) {
    %c0_i32 = arith.constant 0 : i32
    %c0_i32_0 = arith.constant 0 : i32
    %c0_i32_1 = arith.constant 0 : i32
    return %c0_i32, %c0_i32_0 : i32, i32
  }
  func.func @transform_31(%arg0: i32) -> (i32, i32) {
    %c0_i32 = arith.constant 0 : i32
    %c0_i32_0 = arith.constant 0 : i32
    %c0_i32_1 = arith.constant 0 : i32
    return %c0_i32, %c0_i32_0 : i32, i32
  }
  func.func @transform_32(%arg0: i32) -> (i32, i32) {
    %c0_i32 = arith.constant 0 : i32
    %c0_i32_0 = arith.constant 0 : i32
    %c0_i32_1 = arith.constant 0 : i32
    return %c0_i32, %c0_i32_0 : i32, i32
  }
  func.func @transform_33(%arg0: i32) -> (i32, i32) {
    %c0_i32 = arith.constant 0 : i32
    %c0_i32_0 = arith.constant 0 : i32
    %c0_i32_1 = arith.constant 0 : i32
    return %c0_i32, %c0_i32_0 : i32, i32
  }
  func.func @transform_34(%arg0: i32) -> (i32, i32) {
    %c0_i32 = arith.constant 0 : i32
    %c0_i32_0 = arith.constant 0 : i32
    %c0_i32_1 = arith.constant 0 : i32
    return %c0_i32, %c0_i32_0 : i32, i32
  }
  func.func @transform_35(%arg0: i32) -> (i32, i32) {
    %c0_i32 = arith.constant 0 : i32
    %c0_i32_0 = arith.constant 0 : i32
    %c0_i32_1 = arith.constant 0 : i32
    return %c0_i32, %c0_i32_0 : i32, i32
  }
  func.func @transform_36(%arg0: i32) -> (i32, i32) {
    %c0_i32 = arith.constant 0 : i32
    %c0_i32_0 = arith.constant 0 : i32
    %c0_i32_1 = arith.constant 0 : i32
    return %c0_i32, %c0_i32_0 : i32, i32
  }
  func.func @transform_37(%arg0: i32) -> (i32, i32) {
    %c0_i32 = arith.constant 0 : i32
    %c0_i32_0 = arith.constant 0 : i32
    %c0_i32_1 = arith.constant 0 : i32
    return %c0_i32, %c0_i32_0 : i32, i32
  }
  func.func @transform_38(%arg0: i32) -> (i32, i32) {
    %c0_i32 = arith.constant 0 : i32
    %c0_i32_0 = arith.constant 0 : i32
    return %arg0, %c0_i32 : i32, i32
  }
}

</mosaic_0001>

<sc_bundles>
// kernel: _run.4.cloned.1.call-start
scs
__scs_entry_jumppad:
0x0: {  	(pc) =	sbr.rel $0x88, $3  }
0x1: {  	(tag) =	ssettag $0x0;
	lr =	simm.s32 $0x1  }
0x2: {  	[smem:$0x3F7B] =	sst lr;
	_ =	strace $0xD0000000  }
0x3: {  	_ = 	snop  }
0x4: {  	_ = 	snop  }
0x5: {  	_ = 	snop  }
0x6: {  	_ = 	snop  }
0x7: {  	_ = 	snop  }
__scs_overlays_trampoline_lowered:
0x8: {  	[smem:$0x3F8A] =	sst s0  }
0x9: {  	[smem:$0x3F8B] =	sst s1  }
0xa: {  	[smem:$0x3F8C] =	sst s2  }
0xb: {  	[smem:$0x3F8D] =	sst s3  }
0xc: {  	[smem:$0x3F8E] =	sst s4  }
0xd: {  	[smem:$0x3F8F] =	sst s5  }
0xe: {  	[smem:$0x3F90] =	sst s6  }
0xf: {  	[smem:$0x3F91] =	sst s7  }
0x10: {  	[smem:$0x3F92] =	sst s8  }
0x11: {  	[smem:$0x3F93] =	sst s9;
	s0 =	simm.s32 @!p0 $0x0  }
0x12: {  	s1 =	sld [smem:$0x3F79];
	s0 =	simm.s32 @p0 $0x1  }
0x13: {  	[smem:$0x3F94] =	sst s0;
	s0 =	simm.s32 @!p1 $0x0  }
0x14: {  	s2 =	sld [smem:$0x3F78];
	s0 =	simm.s32 @p1 $0x1  }
0x15: {  	[smem:$0x3F95] =	sst s0;
	s0 =	simm.s32 @!p2 $0x0  }
0x16: {  	s3 =	sld [smem:$0x3FDB];
	s0 =	simm.s32 @p2 $0x1  }
0x17: {  	s4 =	simm.s32 $0x1BF5;
	[smem:$0x3F97] =	sst s0  }
0x18: {  	s0 =	sld [smem:$0x3F7A];
	_ =	swait.ge [sflag:s4], $0x0  }
0x19: {  	s7 =	sld [smem:$0x3F7B]  }
0x1a: {  	s8 =	sadd.s32 $0xFFFFE003, lr  }
0x1b: {  	s9 =	sadd.s32 $0xFFFFFEF7, lr;
	s5 =	simm.s32 $0xFFFFFFFF;
	p2 =	slt.u32 s8, $0xFFFFF086  }
0x1c: {  	p1 =	slt.u32 s9, $0xF7A;
	s5 =	simm.s32 @!p2 $0x0  }
0x1d: {  	s5 =	simm.s32 @p1 $0x1;
	p0 =	seq.s32 s7, s2  }
0x1e: {  	s7 =	smul.u32 @!p0 $0xF7A, s2;
	p2 =	seq.s32 @!p0 s5, $0x0  }
0x1f: {  	s9 =	smul.u32 $0xF7A, s1;
	s8 =	simm.s32 @!p0 $0x1BF5;
	p2 =	por !p2, p0  }
0x20: {  	[sflag:s8] =	ssyncset.s32 @!p0 $0xFFFFF086;
	s6 =	sadd.s32 @!p0 s3, s7;
	s7 =	simm.s32 @!p0 $0x108  }
0x21: {  	s3 =	sadd.s32 s3, s9;
	s6 =	sadd.s32 @!p0 $0x88, s6;
	s7 =	simm.s32 @p2 $0x1082  }
0x22: {  	[simem:s7], [sflag:s8] =	dma.local @!p0 [hbm:s6], $0xF7A  }
0x23: {  	s9 =	sor.u32 $0xD0000000, s2;
	s6 =	simm.s32 $0x108;
	_ =	swait.ge @!p0 [sflag:s8], $0x0  }
0x24: {  	s3 =	sadd.s32 $0x88, s3;
	s6 =	simm.s32 @!p1 $0x1082;
	[sflag:s4] =	ssyncset.s32 $0xFFFFF086  }
0x25: {  	[simem:s6], [sflag:s4] =	dma.local [hbm:s3], $0xF7A  }
0x26: {  	[smem:$0x3F7B] =	sst s1;
	(tag) =	ssettag s2;
	_ =	strace s9  }
0x27: {  	s1 =	sld [smem:$0x3F8B]  }
0x28: {  	s2 =	sld [smem:$0x3F8C]  }
0x29: {  	s4 =	sld [smem:$0x3F8E]  }
0x2a: {  	p0 =	seq.s32 s5, $0x0;
	s5 =	sld [smem:$0x3F8F]  }
0x2b: {  	s6 =	sld [smem:$0x3F90]  }
0x2c: {  	s7 =	sld [smem:$0x3F91]  }
0x2d: {  	s3 =	simm.s32 $0x108;
	s8 =	sld [smem:$0x3F92]  }
0x2e: {  	s3 =	simm.s32 @!p0 $0x1082;
	s9 =	sld [smem:$0x3F93]  }
0x2f: {  	lr =	sadd.s32 s0, s3;
	s0 =	sld [smem:$0x3F8A]  }
0x30: {  	s3 =	sld [smem:$0x3F8D]  }
0x31: {  	[smem:$0x3F96] =	sst s10  }
0x32: {  	s10 =	sld [smem:$0x3F94];
	_ =	sdelay $0x3  }
0x33: {  	p0 =	seq.s32 s10, $0x1;
	s10 =	sld [smem:$0x3F96];
	_ =	sdelay $0x3  }
0x34: {  	[smem:$0x3F96] =	sst s10  }
0x35: {  	s10 =	sld [smem:$0x3F95];
	_ =	sdelay $0x3  }
0x36: {  	p1 =	seq.s32 s10, $0x1;
	s10 =	sld [smem:$0x3F96];
	_ =	sdelay $0x3  }
0x37: {  	[smem:$0x3F96] =	sst s10  }
0x38: {  	s10 =	sld [smem:$0x3F97]  }
0x39: {  	_ = 	snop;
	(pc) =	sbr.ind lr, $3  }
0x3a: {  	_ = 	snop  }
0x3b: {  	_ = 	snop  }
0x3c: {  	p2 =	seq.s32 s10, $0x1;
	s10 =	sld [smem:$0x3F96]  }
0x3d: {  	_ =	shalt  }
0x3e: {  	_ =	shalt  }
0x3f: {  	_ =	shalt  }
0x40: {  	_ =	shalt  }
0x41: {  	_ =	shalt  }
0x42: {  	_ =	shalt  }
0x43: {  	_ =	shalt  }
0x44: {  	_ =	shalt  }
0x45: {  	_ =	shalt  }
0x46: {  	_ =	shalt  }
0x47: {  	_ =	shalt  }
0x48: {  	_ =	shalt  }
0x49: {  	_ =	shalt  }
0x4a: {  	_ =	shalt  }
0x4b: {  	_ =	shalt  }
0x4c: {  	_ =	shalt  }
0x4d: {  	_ =	shalt  }
0x4e: {  	_ =	shalt  }
0x4f: {  	_ =	shalt  }
0x50: {  	_ =	shalt  }
0x51: {  	_ =	shalt  }
0x52: {  	_ =	shalt  }
0x53: {  	_ =	shalt  }
0x54: {  	_ =	shalt  }
0x55: {  	_ =	shalt  }
0x56: {  	_ =	shalt  }
0x57: {  	_ =	shalt  }
0x58: {  	_ =	shalt  }
0x59: {  	_ =	shalt  }
0x5a: {  	_ =	shalt  }
0x5b: {  	_ =	shalt  }
0x5c: {  	_ =	shalt  }
0x5d: {  	_ =	shalt  }
0x5e: {  	_ =	shalt  }
0x5f: {  	_ =	shalt  }
0x60: {  	_ =	shalt  }
0x61: {  	_ =	shalt  }
0x62: {  	_ =	shalt  }
0x63: {  	_ =	shalt  }
0x64: {  	_ =	shalt  }
0x65: {  	_ =	shalt  }
0x66: {  	_ =	shalt  }
0x67: {  	_ =	shalt  }
0x68: {  	_ =	shalt  }
0x69: {  	_ =	shalt  }
0x6a: {  	_ =	shalt  }
0x6b: {  	_ =	shalt  }
0x6c: {  	_ =	shalt  }
0x6d: {  	_ =	shalt  }
0x6e: {  	_ =	shalt  }
0x6f: {  	_ =	shalt  }
0x70: {  	_ =	shalt  }
0x71: {  	_ =	shalt  }
0x72: {  	_ =	shalt  }
0x73: {  	_ =	shalt  }
0x74: {  	_ =	shalt  }
0x75: {  	_ =	shalt  }
0x76: {  	_ =	shalt  }
0x77: {  	_ =	shalt  }
0x78: {  	_ =	shalt  }
0x79: {  	_ =	shalt  }
0x7a: {  	_ =	shalt  }
0x7b: {  	_ =	shalt  }
0x7c: {  	_ =	shalt  }
0x7d: {  	_ =	shalt  }
0x7e: {  	_ =	shalt  }
0x7f: {  	_ =	shalt  }
0x80: {  	_ =	shalt  }
0x81: {  	_ =	shalt  }
0x82: {  	_ =	shalt  }
0x83: {  	_ =	shalt  }
0x84: {  	_ =	shalt  }
0x85: {  	_ =	shalt  }
0x86: {  	_ =	shalt  }
0x87: {  	_ =	shalt  }
.Lfunc_end0:
.L_simem_size_0:
called_computation_lowered:
.L_overlay_start_0:
0x88: {  	s2 =	sld [smem:$0x3FD9]  }
0x89: {  	s3 =	sld [smem:$0x3FFE];
	_ =	sdelay $0x1  }
0x8a: {  	s1 =	srdreg.scid  }
0x8b: {  	s0 =	sand.u32 $0x1, s1  }
0x8c: {  	s17 =	sshll.u32 s0, $0xA;
	s2 =	sadd.s32 s3, s2  }
0x8d: {  	s2 =	sadd.s32 s2, s17  }
0x8e: {  	[smem:$0x3FA2] =	sst s2  }
0x8f: {  	_ = 	snop  }
0x90: {  	s2 =	sld [smem:$0x3FC8];
	(tm) =	ssettm $0x1  }
0x91: {  	s18 =	sld [smem:$0x3FFB];
	_ =	sdelay $0x3  }
0x92: {  	_ =	strace s18  }
0x93: {  	s3 =	sld [smem:$0x3FFC];
	_ =	sdelay $0x3  }
0x94: {  	_ =	strace s3  }
0x95: {  	s3 =	sld [smem:$0x3FFD];
	_ =	sdelay $0x3  }
0x96: {  	_ =	strace s3  }
0x97: {  	_ =	strace $0x8FFFFFFF  }
0x98: {  	s19 =	sld [smem:$0x3FDB];
	_ =	sdelay $0x1  }
0x99: {  	s4 =	simm.s32 $_scs_section_size  }
0x9a: {  	s5 =	simm.s32 $_size__tile_overlayer_lowered;
	s6 =	simm.s32 $_tile_overlayer_lowered  }
0x9b: {  	s22 =	simm.s32 $0x1BFF;
	s21 =	sshll.u32 s6, $0x1;
	s3 =	sadd.s32 s4, s19  }
0x9c: {  	s7 =	simm.s32 $0x0;
	s20 =	sshll.u32 s5, $0x1;
	s5 =	sadd.s32 s21, s3  }
0x9d: {  	[timem:s7], [sflag:s22] =	dma.local [hbm:s5], s20  }
0x9e: {  	_ =	swait.ge [sflag:s22], s20  }
0x9f: {  	s4 =	ssub.s32 $0x0, s20;
	[sflag:s22] =	ssyncset.done $0x0  }
0xa0: {  	[sflag:s22] =	ssyncadd.s32 s4;
	_ =	sdelay $0x1  }
0xa1: {  	s23 =	simm.s32 $0x1B8B  }
0xa2: {  	_ =	swait.ge [sflag:s23], $0x1  }
0xa3: {  	[sflag:s23] =	ssyncset.done $0x0  }
0xa4: {  	s25 =	simm.s32 $0x1B8E;
	s24 =	sld [smem:$0x3FFE];
	[sflag:s23] =	ssyncadd.s32 $0xFFFFFFFF  }
0xa5: {  	s26 =	simm.s32 $execute0_lowered;
	[smem:$0x3FD2] =	sst s25  }
0xa6: {  	s5 =	sshll.u32 s26, $0x1;
	_ =	strace $0x80000046;
	[dreg:$0x1] =	wrdreg $0xFFFFFFFF  }
0xa7: {  	s28 =	simm.s32 $_size_execute0_lowered;
	s3 =	sadd.s32 s3, s5;
	[dreg:$0x0] =	wrdreg $0x0  }
0xa8: {  	s5 =	sshll.u32 s28, $0x1;
	[dreg:$0x2] =	wrdreg s3  }
0xa9: {  	[dreg:$0x3] =	wrdreg s5  }
0xaa: {  	[dreg:$0x4] =	wrdreg $0xC0  }
0xab: {  	_ =	task [dreg:s7], $0x5FFFF  }
0xac: {  	[dreg:$0x1] =	wrdreg $0xFFFFFFFF  }
0xad: {  	[dreg:$0x0] =	wrdreg $0x60  }
0xae: {  	[dreg:$0x2] =	wrdreg s2  }
0xaf: {  	[dreg:$0x3] =	wrdreg s24  }
0xb0: {  	[dreg:$0x4] =	wrdreg $0x9  }
0xb1: {  	_ =	task.clear_ibuf [dreg:s7], $0x5FFFF;
	_ =	strace $0x90000046  }
0xb2: {  	s29 =	simm.s32 $0x9;
	_ =	strace $0x80000048  }
0xb3: {  	_ =	swait.ge [sflag:s29], $0x1  }
0xb4: {  	[sflag:s29] =	ssyncadd.s32 $0xFFFFFFFF  }
0xb5: {  	_ =	strace $0x90000048  }
0xb6: {  	_ =	sfence  }
0xb7: {  	s30 =	sld [smem:$0x0];
	_ =	sdelay $0x2  }
0xb8: {  	s31 =	sshll.u32 s1, $0xD;
	s1 =	sshrl.u32 s1, $0x2  }
0xb9: {  	s3 =	sand.u32 $0x4000, s31;
	s1 =	sadd.s32 s1, s30  }
0xba: {  	s0 =	sor.u32 s3, s0;
	s1 =	sshll.u32 s1, $0x11  }
0xbb: {  	s0 =	sor.u32 s1, s0  }
0xbc: {  	s0 =	sadd.s32 $0x8F2B, s0  }
0xbd: {  	[sflag:s0] =	ssyncadd.remote.s32 $0x1  }
0xbe: {  	_ =	sfence.sel $0xFFFF  }
0xbf: {  	[dreg:$0x0] =	wrdreg $0xFFFFFFFF;
	(pc) =	sbr.abs _section_cstart, $3  }
0xc0: {  	[dreg:$0x1] =	wrdreg $0xFFFFFFFF  }
0xc1: {  	_ =	task.clear_ibuf [dreg:s7], $0x2FFFF;
	_ =	strace $0x9FFFFFFF  }
0xc2: {  	(tm) =	ssettm $0x7FFFFFFF  }
0xc3: {  	_ =	shalt  }
tec
execute0_lowered:
.L_overlay_start_1:
0x0: {  	(tag) =	ssettag $0x1  }
0x1: {  	s2 =	rddreg [dreg:$0x0];
	s1 =	srdreg.scid  }
0x2: {  	s0 =	stileid.u32;
	s4 =	rddreg [dreg:$0x1]  }
0x3: {  	s9 =	simm.s32 $0x2580;
	s10 =	simm.s32 $0x1;
	s11 =	simm.s32 $0x2  }
0x4: {  	s13 =	simm.s32 $0x3;
	s5 =	sand.u32 $0x1, s1;
	s3 =	sshll.u32 s0, $0x1  }
0x5: {  	s14 =	simm.s32 $0x0;
	s1 =	rddreg [dreg:$0x2];
	s6 =	sor.u32 s5, s3  }
0x6: {  	s3 =	simm.s32 $0x0;
	s5 =	ssub.s32 $0x2, s5;
	s7 =	smul.u32 $0x640, s6  }
0x7: {  	[smem:$0x7FF] =	sst s3;
	s8 =	sshrl.u32 s5, $0x1;
	s12 =	smul.u32 $0x14, s6  }
0x8: {  	_ =	strace $0x80000047;
	s8 =	ssub.s32 s5, s8;
	s7 =	sadd.s32 s7, s4  }
0x9: {  	s4 =	sadd.s32 $0x10, s2;
	s6 =	smax.u32 s8, $0x1;
	s8 =	simm.s32 $0x100  }
0xa: {  	v1 =	vimm.f32 $0.0e+00;
	v2 =	vimm.f32 $1.000000000e+00;
	v0 =	vmov s12;
	s12 =	simm.s32 $0x4B00;
	s5 =	sadd.s32 $0x4C00, s7;
	s7 =	simm.s32 $0x80  }
.LBB2_1:
0xb: {  	[tilespmem:s3], [sflag:$0x1] =	stream.strided.gather [hbm4b:s2+s7], $0x2580, s8, s7, $0x38;
	[tilespmem:$0x7D00] =	vst v63  }
0xc: {  	s15 =	simm.s32 $0x4B40  }
0xd: {  	[tilespmem:s9], [sflag:$0x2] =	stream.strided.gather [hbm4b:s4+s7], $0x2580, s8, s7, $0x38;
	[tilespmem:$0x7D00] =	vst v63  }
0xe: {  	[tilespmem:s15+$0xFFFFFFC0] =	vst v1  }
0xf: {  	[tilespmem:s15+$0x30] =	vst v1  }
0x10: {  	[tilespmem:s15+$0x20] =	vst v1  }
0x11: {  	[tilespmem:s15+$0x10] =	vst v1  }
0x12: {  	[tilespmem:s15+$0x0] =	vst v1  }
0x13: {  	[tilespmem:s15+$0xFFFFFFF0] =	vst v1  }
0x14: {  	s16 =	simm.s32 $0x0;
	[tilespmem:s15+$0xFFFFFFE0] =	vst v1  }
.LBB2_2:
0x15: {  	s16 =	sadd.s32 $0x8, s16;
	[tilespmem:s15+$0xFFFFFFD0] =	vst v1;
	s15 =	sadd.s32 $0x80, s15  }
0x16: {  	[tilespmem:s15+$0xFFFFFFC0] =	vst v1;
	p0 =	slt.u32 s16, $0x318  }
0x17: {  	[tilespmem:s15+$0x30] =	vst v1  }
.Ltmp0:
0x18: {  	[tilespmem:s15+$0x20] =	vst v1;
	(pc) =	sbr.rel @p0 .LBB2_2-.Ltmp0, $4  }
0x19: {  	[tilespmem:s15+$0x10] =	vst v1  }
0x1a: {  	[tilespmem:s15+$0x0] =	vst v1  }
0x1b: {  	[tilespmem:s15+$0xFFFFFFF0] =	vst v1  }
0x1c: {  	[tilespmem:s15+$0xFFFFFFE0] =	vst v1  }
0x1d: {  	[tilespmem:s15+$0xFFFFFFD0] =	vst v1  }
0x1e: {  	_ =	swait.ge [sflag:s10], $0x2580  }
0x1f: {  	[sflag:s10] =	ssyncset.done $0x0  }
0x20: {  	[sflag:s10] =	ssyncadd.s32 $0xFFFFDA80  }
0x21: {  	_ =	swait.ge [sflag:s11], $0x2580  }
0x22: {  	s15 =	simm.s32 $0xFFFFFFF8;
	[sflag:s11] =	ssyncset.done $0x0  }
0x23: {  	s16 =	simm.s32 $0x25C0;
	s17 =	simm.s32 $0x40;
	[sflag:s11] =	ssyncadd.s32 $0xFFFFDA80  }
.LBB2_4:
0x24: {  	v3 =	vld [tilespmem:s16+$0xFFFFFFC0];
	_ =	sdelay $0x2  }
0x25: {  	v4 =	vld [tilespmem:s17+$0xFFFFFFC0];
	_ =	sdelay $0x1  }
0x26: {  	v3 =	vsub.s32 v3, v0  }
0x27: {  	v5 =	vmul.u32 $0x280, v3  }
0x28: {  	vm0 =	vlt.u32 v3, $0x14  }
0x29: {  	v3 =	vadd.s32 v4, v5;
	_ =	sdelay $0x4  }
0x2a: {  	[tilespmem:v3+s12+$0x0] =	vst.idx.add.f32.msk vm0, v2  }
0x2b: {  	v3 =	vld [tilespmem:s16+$0xFFFFFFD0];
	_ =	sdelay $0x2  }
0x2c: {  	v50 =	vld [tilespmem:s17+$0xFFFFFFD0];
	_ =	sdelay $0x1  }
0x2d: {  	v3 =	vsub.s32 v3, v0  }
0x2e: {  	v51 =	vmul.u32 $0x280, v3  }
0x2f: {  	vm9 =	vlt.u32 v3, $0x14  }
0x30: {  	v3 =	vadd.s32 v50, v51;
	_ =	sdelay $0x4  }
0x31: {  	[tilespmem:v3+s12+$0x0] =	vst.idx.add.f32.msk vm9, v2  }
0x32: {  	v3 =	vld [tilespmem:s16+$0xFFFFFFE0];
	_ =	sdelay $0x2  }
0x33: {  	v52 =	vld [tilespmem:s17+$0xFFFFFFE0];
	_ =	sdelay $0x1  }
0x34: {  	v3 =	vsub.s32 v3, v0  }
0x35: {  	v53 =	vmul.u32 $0x280, v3  }
0x36: {  	vm10 =	vlt.u32 v3, $0x14  }
0x37: {  	v3 =	vadd.s32 v52, v53;
	_ =	sdelay $0x4  }
0x38: {  	[tilespmem:v3+s12+$0x0] =	vst.idx.add.f32.msk vm10, v2  }
0x39: {  	v3 =	vld [tilespmem:s16+$0xFFFFFFF0];
	_ =	sdelay $0x2  }
0x3a: {  	v54 =	vld [tilespmem:s17+$0xFFFFFFF0];
	_ =	sdelay $0x1  }
0x3b: {  	v3 =	vsub.s32 v3, v0  }
0x3c: {  	v55 =	vmul.u32 $0x280, v3  }
0x3d: {  	vm11 =	vlt.u32 v3, $0x14  }
0x3e: {  	v3 =	vadd.s32 v54, v55;
	_ =	sdelay $0x4  }
0x3f: {  	[tilespmem:v3+s12+$0x0] =	vst.idx.add.f32.msk vm11, v2  }
0x40: {  	v3 =	vld [tilespmem:s16+$0x0];
	_ =	sdelay $0x2  }
0x41: {  	v56 =	vld [tilespmem:s17+$0x0];
	_ =	sdelay $0x1  }
0x42: {  	v3 =	vsub.s32 v3, v0  }
0x43: {  	v57 =	vmul.u32 $0x280, v3  }
0x44: {  	vm12 =	vlt.u32 v3, $0x14  }
0x45: {  	v3 =	vadd.s32 v56, v57;
	_ =	sdelay $0x4  }
0x46: {  	[tilespmem:v3+s12+$0x0] =	vst.idx.add.f32.msk vm12, v2  }
0x47: {  	v3 =	vld [tilespmem:s16+$0x10];
	_ =	sdelay $0x2  }
0x48: {  	v58 =	vld [tilespmem:s17+$0x10];
	_ =	sdelay $0x1  }
0x49: {  	v3 =	vsub.s32 v3, v0  }
0x4a: {  	v59 =	vmul.u32 $0x280, v3  }
0x4b: {  	vm13 =	vlt.u32 v3, $0x14  }
0x4c: {  	v3 =	vadd.s32 v58, v59;
	_ =	sdelay $0x4  }
0x4d: {  	[tilespmem:v3+s12+$0x0] =	vst.idx.add.f32.msk vm13, v2  }
0x4e: {  	v3 =	vld [tilespmem:s16+$0x20];
	_ =	sdelay $0x2  }
0x4f: {  	v60 =	vld [tilespmem:s17+$0x20];
	_ =	sdelay $0x1  }
0x50: {  	v3 =	vsub.s32 v3, v0  }
0x51: {  	v61 =	vmul.u32 $0x280, v3  }
0x52: {  	vm14 =	vlt.u32 v3, $0x14  }
0x53: {  	v3 =	vadd.s32 v60, v61;
	_ =	sdelay $0x4  }
0x54: {  	[tilespmem:v3+s12+$0x0] =	vst.idx.add.f32.msk vm14, v2  }
0x55: {  	v3 =	vld [tilespmem:s16+$0x30];
	_ =	sdelay $0x2  }
0x56: {  	v62 =	vld [tilespmem:s17+$0x30];
	_ =	sdelay $0x1  }
0x57: {  	v3 =	vsub.s32 v3, v0  }
0x58: {  	v63 =	vmul.u32 $0x280, v3  }
0x59: {  	s15 =	sadd.s32 $0x8, s15;
	vm15 =	vlt.u32 v3, $0x14  }
0x5a: {  	p0 =	slt.u32 s15, $0x250;
	v3 =	vadd.s32 v62, v63  }
.Ltmp1:
0x5b: {  	_ = 	snop;
	(pc) =	sbr.rel @p0 .LBB2_4-.Ltmp1, $2  }
0x5c: {  	_ =	sdelay $0x2  }
0x5d: {  	s16 =	sadd.s32 $0x80, s16;
	s17 =	sadd.s32 $0x80, s17;
	[tilespmem:v3+s12+$0x0] =	vst.idx.add.f32.msk vm15, v2  }
0x5e: {  	s14 =	sadd.s32 $0x1, s14  }
0x5f: {  	p0 =	sne.s32 s14, s6  }
.Ltmp2:
0x60: {  	_ = 	snop;
	(pc) =	sbr.rel @p0 .LBB2_1-.Ltmp2, $4  }
0x61: {  	[hbm4b:s5+s3] =	stream.linear.scatter [tilespmem:s12], [sflag:$0x3], $0x3200, $0x38;
	[tilespmem:$0x7D00] =	vst v63  }
0x62: {  	_ =	swait.ge [sflag:s13], $0x3200  }
0x63: {  	[sflag:s13] =	ssyncset.done $0x0  }
0x64: {  	[sflag:s13] =	ssyncadd.s32 $0xFFFFCE00  }
0x65: {  	_ =	sfence.sel $0x180000  }
0x66: {  	[bflag:$0x0] =	sbarrier.arrive $0xFFFF  }
0x67: {  	p0 =	sne.s32 s0, $0x0;
	_ =	strace $0x90000047  }
0x68: {  	s0 =	sadd.s32 @!p0 $0x100000, s1;
	[bflag:$0x2] =	sbarrier.arrive $0xFFFF  }
0x69: {  	[sflag:s0] =	ssyncadd.tile.s32 @!p0 $0x1;
	_ =	shalt  }
.Lfunc_end2:
_tile_overlayer_lowered:
.L_overlay_start_2:
0x6a: {  	(tag) =	ssettag $0x2  }
0x6b: {  	s0 =	rddreg [dreg:$0x0];
	s2 =	stileid.u32  }
0x6c: {  	s1 =	rddreg [dreg:$0x1];
	p0 =	sne.s32 s2, $0x0  }
0x6d: {  	s3 =	rddreg [dreg:$0x2];
	[bflag:$0x3] =	sbarrier.arrive $0xFFFF;
	s2 =	simm.s32 @!p0 $0x1C03  }
0x6e: {  	[timem:s3], [sflag:s2] =	dma.local @!p0 [hbm:s0], s1  }
0x6f: {  	s0 =	simm.s32 @!p0 $0x3  }
0x70: {  	_ =	swait.ge @!p0 [sflag:s0], s1  }
0x71: {  	s1 =	ssub.s32 @!p0 $0x0, s1;
	[sflag:s0] =	ssyncset.done @!p0 $0x0  }
0x72: {  	[sflag:s0] =	ssyncadd.s32 @!p0 s1  }
0x73: {  	[bflag:$0x3] =	sbarrier.arrive $0xFFFF  }
0x74: {  	_ =	shalt  }

</sc_bundles>
